<compile_context>
chip_gen: v7x
topology: tpu7x:2x2x1
jax: 0.10.2.dev20260603
libtpu: 0.0.44.dev20260713+nightly
codegen_flags: <defaults>
</compile_context>

<pallas_src>
import functools

import jax
import jax.numpy as jnp
from jax import lax
from jax.experimental import pallas as pl
from jax.experimental.pallas import tpu as pltpu
from jax.experimental.pallas import tpu_sc as plsc

NC = 2
NS = 16
CH = 128
NB = 2



def _linear_body(x_ref, w_ref, b_ref, o_ref):
    o_ref[...] = (
        jnp.dot(x_ref[...], w_ref[...], preferred_element_type=jnp.float32)
        + b_ref[...]
    )


def _tc_linear(x, w, b, bn=2000):
    n, d = x.shape
    grid = (n // bn,)
    return pl.pallas_call(
        _linear_body,
        grid=grid,
        in_specs=[
            pl.BlockSpec((bn, d), lambda i: (i, 0)),
            pl.BlockSpec((d, d), lambda i: (0, 0)),
            pl.BlockSpec((1, d), lambda i: (0, 0)),
        ],
        out_specs=pl.BlockSpec((bn, d), lambda i: (i, 0)),
        out_shape=jax.ShapeDtypeStruct((n, d), jnp.float32),
    )(x, w, b.reshape(1, d))


def _mean_linear_body(relu, normalize, p_ref, h_ref, d_ref, l_ref, w_ref,
                      b_ref, o_ref):
    deg = d_ref[0] + d_ref[1]
    loops = l_ref[0] + l_ref[1]
    coef = jnp.where(loops > 0.5, 0.0, 1.0)
    denom = jnp.maximum(deg + coef, 1.0)
    acc = p_ref[0] + p_ref[1] + coef * h_ref[...]
    mean = acc / denom
    y = (
        jnp.dot(mean, w_ref[...], preferred_element_type=jnp.float32)
        + b_ref[...]
    )
    if relu:
        y = jnp.maximum(y, 0.0)
    if normalize:
        nrm = jnp.sqrt(jnp.sum(y * y, axis=-1, keepdims=True))
        y = y / jnp.maximum(nrm, 1e-12)
    o_ref[...] = y


def _tc_mean_linear(p, h, deg3, loop3, w, b, relu, normalize, bn=2000):
    n, d = h.shape
    grid = (n // bn,)
    body = functools.partial(_mean_linear_body, relu, normalize)
    return pl.pallas_call(
        body,
        grid=grid,
        in_specs=[
            pl.BlockSpec((NC, bn, d), lambda i: (0, i, 0)),
            pl.BlockSpec((bn, d), lambda i: (i, 0)),
            pl.BlockSpec((NC, bn, 1), lambda i: (0, i, 0)),
            pl.BlockSpec((NC, bn, 1), lambda i: (0, i, 0)),
            pl.BlockSpec((d, d), lambda i: (0, 0)),
            pl.BlockSpec((1, d), lambda i: (0, 0)),
        ],
        out_specs=pl.BlockSpec((bn, d), lambda i: (i, 0)),
        out_shape=jax.ShapeDtypeStruct((n, d), jnp.float32),
    )(p, h, deg3, loop3, w, b.reshape(1, d))



def _sc_aggregate(h, ei3, n_pad, with_counts):
    _, d = h.shape
    nch_tot = ei3.shape[0]
    tot = nch_tot // NS
    n0 = max(NB, int(round(tot * 0.735 / NB)) * NB)
    n1 = tot - n0
    rpt = n_pad // NS
    zr = 64

    mesh = plsc.VectorSubcoreMesh(core_axis_name="c", subcore_axis_name="s")

    out_type = [jax.ShapeDtypeStruct((NC, n_pad, d), jnp.float32)]
    scratch = (
        [pltpu.VMEM((2, CH), jnp.int32) for _ in range(NB)]
        + [pltpu.VMEM((CH, d), jnp.float32) for _ in range(NB)]
        + [pltpu.VMEM((zr, d), jnp.float32)]
        + [pltpu.VMEM_SHARED((n_pad, d), jnp.float32)]
        + [pltpu.SemaphoreType.DMA for _ in range(2 * NB)]
    )
    if with_counts:
        out_type += [
            jax.ShapeDtypeStruct((NC, n_pad), jnp.float32),
            jax.ShapeDtypeStruct((NC, n_pad), jnp.float32),
        ]
        scratch += (
            [pltpu.VMEM((CH,), jnp.float32) for _ in range(NB)]
            + [pltpu.VMEM((CH,), jnp.float32)]
            + [pltpu.VMEM((rpt,), jnp.float32)]
            + [pltpu.VMEM_SHARED((n_pad,), jnp.float32)]
            + [pltpu.VMEM_SHARED((n_pad,), jnp.float32)]
            + [pltpu.SemaphoreType.DMA for _ in range(2 * NB)]
        )

    def body(*refs):
        if with_counts:
            (h_hbm, ei_hbm, out_hbm, deg_hbm, loop_hbm) = refs[:5]
            refs = refs[5:]
        else:
            (h_hbm, ei_hbm, out_hbm) = refs[:3]
            refs = refs[3:]
        idx = refs[:NB]
        rows = refs[NB:2 * NB]
        zrows_v = refs[2 * NB]
        facc = refs[2 * NB + 1]
        semg = refs[2 * NB + 2:3 * NB + 2]
        sems = refs[3 * NB + 2:4 * NB + 2]
        if with_counts:
            refs = refs[4 * NB + 2:]
            eqs = refs[:NB]
            ones_v = refs[NB]
            zvec_v = refs[NB + 1]
            dacc = refs[NB + 2]
            lacc = refs[NB + 3]
            semd = refs[NB + 4:2 * NB + 4]
            seml = refs[2 * NB + 4:3 * NB + 4]

        c = lax.axis_index("c")
        s = lax.axis_index("s")
        nch = jnp.where(c == 0, n0, n1)
        ch0 = jnp.where(c == 0, s * n0, NS * n0 + s * n1)

        def zrow_body(i, carry):
            r = i // (d // 16)
            col = (i % (d // 16)) * 16
            zrows_v[r, pl.ds(col, 16)] = jnp.zeros((16,), jnp.float32)
            return carry
        lax.fori_loop(0, zr * (d // 16), zrow_body, 0)

        for t in range(rpt // zr):
            pltpu.sync_copy(zrows_v, facc.at[pl.ds(s * rpt + t * zr, zr)])
        if with_counts:
            def zvec_body(i, carry):
                zvec_v[pl.ds(i * 16, 16)] = jnp.zeros((16,), jnp.float32)
                return carry
            lax.fori_loop(0, rpt // 16, zvec_body, 0)
            pltpu.sync_copy(zvec_v, dacc.at[pl.ds(s * rpt, rpt)])
            pltpu.sync_copy(zvec_v, lacc.at[pl.ds(s * rpt, rpt)])
            for j in range(CH // 16):
                ones_v[pl.ds(j * 16, 16)] = jnp.ones((16,), jnp.float32)

        plsc.subcore_barrier()

        def stage(k, b):
            pltpu.sync_copy(ei_hbm.at[ch0 + k], idx[b])
            pltpu.async_copy(h_hbm.at[idx[b].at[0]], rows[b], semg[b])

        def drain_scatters(b):
            pltpu.make_async_copy(rows[b], facc.at[idx[b].at[1]],
                                  sems[b]).wait()
            if with_counts:
                pltpu.make_async_copy(ones_v, dacc.at[idx[b].at[1]],
                                      semd[b]).wait()
                pltpu.make_async_copy(eqs[b], lacc.at[idx[b].at[0]],
                                      seml[b]).wait()

        def issue_scatters(b):
            pltpu.make_async_copy(h_hbm.at[idx[b].at[0]], rows[b],
                                  semg[b]).wait()
            pltpu.async_copy(rows[b], facc.at[idx[b].at[1]], sems[b],
                             add=True)
            if with_counts:
                pltpu.async_copy(ones_v, dacc.at[idx[b].at[1]], semd[b],
                                 add=True)
                for j in range(CH // 16):
                    sl = pl.ds(j * 16, 16)
                    eqs[b][sl] = jnp.where(idx[b][0, sl] == idx[b][1, sl],
                                           jnp.float32(1.0), jnp.float32(0.0))
                pltpu.async_copy(eqs[b], lacc.at[idx[b].at[0]], seml[b],
                                 add=True)

        def pair_body(k2, carry):
            @pl.when(k2 >= 1)
            def _():
                drain_scatters(0)
            stage(2 * k2, 0)

            @pl.when(k2 >= 1)
            def _():
                issue_scatters(1)
                drain_scatters(1)
            stage(2 * k2 + 1, 1)
            issue_scatters(0)
            return carry
        lax.fori_loop(0, nch // 2, pair_body, 0)

        issue_scatters(1)
        drain_scatters(0)
        drain_scatters(1)

        plsc.subcore_barrier()

        pltpu.sync_copy(facc.at[pl.ds(s * rpt, rpt)],
                        out_hbm.at[c, pl.ds(s * rpt, rpt)])
        if with_counts:
            pltpu.sync_copy(dacc.at[pl.ds(s * rpt, rpt)],
                            deg_hbm.at[c, pl.ds(s * rpt, rpt)])
            pltpu.sync_copy(lacc.at[pl.ds(s * rpt, rpt)],
                            loop_hbm.at[c, pl.ds(s * rpt, rpt)])

    fn = pl.kernel(body, out_type=out_type, scratch_types=scratch, mesh=mesh)
    return fn(h, ei3)



def kernel(x, edge_index, W_pre, b_pre, W1, b1, W2, b2):
    n, d = x.shape
    e = edge_index.shape[1]

    rpt = -((n + 1) // -(NS * 64)) * 64
    n_pad = NS * rpt
    ew = NB * NS * CH
    e_pad = -(e // -ew) * ew

    src = edge_index[0]
    dst = edge_index[1]
    pad = e_pad - e
    srcp = jnp.concatenate([src, jnp.zeros((pad,), jnp.int32)])
    dstp = jnp.concatenate([dst, jnp.full((pad,), n_pad - 1, jnp.int32)])
    ei3 = jnp.stack([srcp.reshape(-1, CH), dstp.reshape(-1, CH)], axis=1)

    h0 = _tc_linear(x, W_pre, b_pre)
    p1, deg, loops = _sc_aggregate(h0, ei3, n_pad, True)
    deg3 = deg.reshape(NC, n_pad, 1)
    loop3 = loops.reshape(NC, n_pad, 1)
    h1 = _tc_mean_linear(p1, h0, deg3, loop3, W1, b1, relu=True,
                         normalize=False)
    (p2,) = _sc_aggregate(h1, ei3, n_pad, False)
    return _tc_mean_linear(p2, h1, deg3, loop3, W2, b2, relu=False,
                           normalize=True)

# --- scband reference (transcript-rebuilt; emitter-appended) ---
"""Pipeline reference for scband-sage-15384572854544 (READ-ONLY COPY).

The authoritative reference and input builder live on the scoring server;
editing this copy changes nothing except your own understanding.
"""

import jax, jax.numpy as jnp
import numpy as np
import math

N = 10000
E = 320000
D = 128


def setup_inputs(seed: int = 0) -> dict:
    key = jax.random.key(seed)
    ks = jax.random.split(key, 10)
    x = jax.random.normal(ks[0], (N, D), dtype=jnp.float32)
    edge_index = jax.random.randint(ks[1], (2, E), 0, N, dtype=jnp.int32)
    bound = 1.0 / math.sqrt(D)
    W_pre = jax.random.uniform(ks[2], (D, D), minval=-bound, maxval=bound, dtype=jnp.float32)
    b_pre = jax.random.uniform(ks[3], (D,), minval=-bound, maxval=bound, dtype=jnp.float32)
    W1 = jax.random.uniform(ks[4], (D, D), minval=-bound, maxval=bound, dtype=jnp.float32)
    b1 = jax.random.uniform(ks[5], (D,), minval=-bound, maxval=bound, dtype=jnp.float32)
    W2 = jax.random.uniform(ks[6], (D, D), minval=-bound, maxval=bound, dtype=jnp.float32)
    b2 = jax.random.uniform(ks[7], (D,), minval=-bound, maxval=bound, dtype=jnp.float32)
    return {"x": x, "edge_index": edge_index, "W_pre": W_pre, "b_pre": b_pre, "W1": W1, "b1": b1, "W2": W2, "b2": b2}


def add_remaining_self_loops(edge_index, num_nodes):
    src, dst = edge_index[0], edge_index[1]
    loop_mask = src == dst
    has_loop = jnp.zeros((num_nodes,), dtype=bool).at[src].max(loop_mask)
    nodes = jnp.arange(num_nodes, dtype=src.dtype)
    cand_dst = jnp.where(has_loop, jnp.asarray(num_nodes, dtype=src.dtype), nodes)
    new_src = jnp.concatenate([src, nodes])
    new_dst = jnp.concatenate([dst, cand_dst])
    return jnp.stack([new_src, new_dst])


def sage_conv_mean(x, ei_aug, W, b, num_nodes):
    # message: x_j (source features), aggregate: mean at dst, update: matmul + bias
    src, dst = ei_aug[0], ei_aug[1]
    msg = jnp.take(x, src, axis=0)
    summed = jax.ops.segment_sum(msg, dst, num_segments=num_nodes)
    cnt = jax.ops.segment_sum(jnp.ones((src.shape[0],), dtype=x.dtype), dst, num_segments=num_nodes)
    mean = summed / jnp.clip(cnt, 1.0)[:, None]
    return mean @ W + b


def reference(x, edge_index, W_pre, b_pre, W1, b1, W2, b2):
    ei_aug = add_remaining_self_loops(edge_index, N)
    # feature_pre linear
    h = x @ W_pre + b_pre
    # conv_first
    h = sage_conv_mean(h, ei_aug, W1, b1, N)
    h = jax.nn.relu(h)
    # (dropout disabled) conv_out
    h = sage_conv_mean(h, ei_aug, W2, b2, N)
    # F.normalize(p=2, dim=-1, eps=1e-12)
    norm = jnp.linalg.norm(h, axis=-1, keepdims=True)
    return h / jnp.clip(norm, 1e-12)

if __name__ == "__main__":
    import jax
    _d = setup_inputs()
    print(jax.jit(kernel)(*tuple(_d.values())))

</pallas_src>

<mosaic_0001>
#map = affine_map<(d0, d1) -> (0, 0)>
#map1 = affine_map<(d0, d1) -> (0, 0, 0)>
module attributes {stable_mosaic.version = 14 : i64} {
  func.func @body(%arg0: i32, %arg1: i32, %arg2: memref<10000x128xf32, #tpu.memory_space<hbm>>, %arg3: memref<2528x2x128xi32, #tpu.memory_space<hbm>>, %arg4: memref<2x10240x128xf32, #tpu.memory_space<hbm>>, %arg5: memref<2x10240xf32, #tpu.memory_space<hbm>>, %arg6: memref<2x10240xf32, #tpu.memory_space<hbm>>, %arg7: memref<2x128xi32, #tpu.memory_space<vmem>>, %arg8: memref<2x128xi32, #tpu.memory_space<vmem>>, %arg9: memref<128x128xf32, #tpu.memory_space<vmem>>, %arg10: memref<128x128xf32, #tpu.memory_space<vmem>>, %arg11: memref<64x128xf32, #tpu.memory_space<vmem>>, %arg12: memref<10240x128xf32, #tpu.memory_space<vmem_shared>>, %arg13: memref<!tpu.dma_semaphore, #tpu.memory_space<semaphore_mem>>, %arg14: memref<!tpu.dma_semaphore, #tpu.memory_space<semaphore_mem>>, %arg15: memref<!tpu.dma_semaphore, #tpu.memory_space<semaphore_mem>>, %arg16: memref<!tpu.dma_semaphore, #tpu.memory_space<semaphore_mem>>, %arg17: memref<128xf32, #tpu.memory_space<vmem>>, %arg18: memref<128xf32, #tpu.memory_space<vmem>>, %arg19: memref<128xf32, #tpu.memory_space<vmem>>, %arg20: memref<640xf32, #tpu.memory_space<vmem>>, %arg21: memref<10240xf32, #tpu.memory_space<vmem_shared>>, %arg22: memref<10240xf32, #tpu.memory_space<vmem_shared>>, %arg23: memref<!tpu.dma_semaphore, #tpu.memory_space<semaphore_mem>>, %arg24: memref<!tpu.dma_semaphore, #tpu.memory_space<semaphore_mem>>, %arg25: memref<!tpu.dma_semaphore, #tpu.memory_space<semaphore_mem>>, %arg26: memref<!tpu.dma_semaphore, #tpu.memory_space<semaphore_mem>>) attributes {dimension_semantics = [#tpu.dimension_semantics<core_parallel>, #tpu.dimension_semantics<subcore_parallel>], iteration_bounds = array<i64: 2, 16>, scalar_prefetch = 0 : i64, scratch_operands = 20 : i64, tpu.core_type = #tpu.core_type<sc_vector_subcore>, window_params = [{transform_indices = #map}, {transform_indices = #map1}, {transform_indices = #map1}, {transform_indices = #map}, {transform_indices = #map}]} {
    %eq3A = arith.constant 0 : i32
    %eq3A_0 = arith.cmpi eq, %arg0, %eq3A : i32
    %jit3A = arith.constant 116 : i32
    %jit3A_1 = arith.constant 42 : i32
    %select_n3A = arith.select %eq3A_0, %jit3A, %jit3A_1 : i32
    %eq3A_2 = arith.constant 0 : i32
    %eq3A_3 = arith.cmpi eq, %arg0, %eq3A_2 : i32
    %mul3A = arith.constant 116 : i32
    %mul3A_4 = arith.muli %arg1, %mul3A : i32
    %mul3A_5 = arith.constant 42 : i32
    %mul3A_6 = arith.muli %arg1, %mul3A_5 : i32
    %add3A = arith.constant 1856 : i32
    %add3A_7 = arith.addi %add3A, %mul3A_6 : i32
    %select_n3A_8 = arith.select %eq3A_3, %mul3A_4, %add3A_7 : i32
    %scan3A = arith.constant 0 : i32
    %scan3A_9 = arith.constant 0 : i32
    %scan3A_10 = arith.constant 512 : i32
    %scan3A_11 = arith.addi %scan3A_9, %scan3A_10 : i32
    %scan3A_12 = arith.constant 1 : i32
    scf.for %scan3A_371 = %scan3A_9 to %scan3A_11 step %scan3A_12  : i32 {
      %jit3A_372 = arith.constant 8 : i32
      %div3A_373 = arith.divsi %scan3A_371, %jit3A_372 : i32
      %sign3A_374 = arith.constant 0 : i32
      %sign3A_375 = arith.cmpi sgt, %scan3A_371, %sign3A_374 : i32
      %sign3A_376 = arith.extui %sign3A_375 : i1 to i32
      %sign3A_377 = arith.constant 0 : i32
      %sign3A_378 = arith.cmpi slt, %scan3A_371, %sign3A_377 : i32
      %sign3A_379 = arith.extui %sign3A_378 : i1 to i32
      %sign3A_380 = arith.subi %sign3A_376, %sign3A_379 : i32
      %sign3A_381 = arith.constant 0 : i32
      %sign3A_382 = arith.cmpi sgt, %jit3A_372, %sign3A_381 : i32
      %sign3A_383 = arith.extui %sign3A_382 : i1 to i32
      %sign3A_384 = arith.constant 0 : i32
      %sign3A_385 = arith.cmpi slt, %jit3A_372, %sign3A_384 : i32
      %sign3A_386 = arith.extui %sign3A_385 : i1 to i32
      %sign3A_387 = arith.subi %sign3A_383, %sign3A_386 : i32
      %ne3A_388 = arith.cmpi ne, %sign3A_380, %sign3A_387 : i32
      %rem3A_389 = arith.remsi %scan3A_371, %jit3A_372 : i32
      %ne3A_390 = arith.constant 0 : i32
      %ne3A_391 = arith.cmpi ne, %rem3A_389, %ne3A_390 : i32
      %and3A_392 = arith.andi %ne3A_388, %ne3A_391 : i1
      %sub3A_393 = arith.constant 1 : i32
      %sub3A_394 = arith.subi %div3A_373, %sub3A_393 : i32
      %select_n3A_395 = arith.select %and3A_392, %sub3A_394, %div3A_373 : i32
      %jit3A_396 = arith.constant 8 : i32
      %eq3A_397 = arith.constant 0 : i32
      %eq3A_398 = arith.cmpi eq, %jit3A_396, %eq3A_397 : i32
      %jit3A_399 = arith.constant 1 : i32
      %select_n3A_400 = arith.select %eq3A_398, %jit3A_399, %jit3A_396 : i32
      %rem3A_401 = arith.remsi %scan3A_371, %select_n3A_400 : i32
      %ne3A_402 = arith.constant 0 : i32
      %ne3A_403 = arith.cmpi ne, %rem3A_401, %ne3A_402 : i32
      %lt3A = arith.constant 0 : i32
      %lt3A_404 = arith.cmpi slt, %rem3A_401, %lt3A : i32
      %lt3A_405 = arith.constant 0 : i32
      %lt3A_406 = arith.cmpi slt, %select_n3A_400, %lt3A_405 : i32
      %ne3A_407 = arith.xori %lt3A_404, %lt3A_406 : i1
      %and3A_408 = arith.andi %ne3A_407, %ne3A_403 : i1
      %add3A_409 = arith.addi %rem3A_401, %select_n3A_400 : i32
      %select_n3A_410 = arith.select %and3A_408, %add3A_409, %rem3A_401 : i32
      %mul3A_411 = arith.constant 16 : i32
      %mul3A_412 = arith.muli %select_n3A_410, %mul3A_411 : i32
      %broadcast_in_dim3A_413 = arith.constant 0.000000e+00 : f32
      %broadcast_in_dim3A_414 = vector.broadcast %broadcast_in_dim3A_413 : f32 to vector<16xf32>
      %swap3A_415 = arith.index_cast %select_n3A_395 : i32 to index
      %swap3A_416 = arith.index_cast %mul3A_412 : i32 to index
      %swap3A_417 = tpu.vector_load %arg11[%swap3A_415, %swap3A_416] {strides = array<i32>} : memref<64x128xf32, #tpu.memory_space<vmem>>, vector<1x16xf32>,
      %swap3A_418 = vector.shape_cast %swap3A_417 : vector<1x16xf32> to vector<16xf32>
      %swap3A_419 = vector.shape_cast %broadcast_in_dim3A_414 : vector<16xf32> to vector<1x16xf32>
      tpu.vector_store %arg11[%swap3A_415, %swap3A_416], %swap3A_419 {strides = array<i32>} : memref<64x128xf32, #tpu.memory_space<vmem>>, vector<1x16xf32>,
    }
    %scan3A_13 = arith.constant 512 : i32
    %mul3A_14 = arith.constant 640 : i32
    %mul3A_15 = arith.muli %arg1, %mul3A_14 : i32
    %add3A_16 = arith.constant 0 : i32
    %add3A_17 = arith.addi %mul3A_15, %add3A_16 : i32
    "tpu.region"() ({
      %run_scoped3A = tpu.sem_alloc : memref<!tpu.dma_semaphore, #tpu.memory_space<semaphore_mem>>
      %dma_start3A_371 = arith.constant 0 : i32
      %dma_start3A_372 = tpu.memref_slice %arg12[%add3A_17, %dma_start3A_371] : memref<10240x128xf32, #tpu.memory_space<vmem_shared>> -> memref<64x128xf32, #tpu.memory_space<vmem_shared>>
      %dma_start3A_373 = arith.constant 0 : i32
      %dma_start3A_374 = tpu.memref_slice %arg12[%add3A_17, %dma_start3A_373] : memref<10240x128xf32, #tpu.memory_space<vmem_shared>> -> memref<64x128xf32, #tpu.memory_space<vmem_shared>>
      tpu.enqueue_dma source(%arg11 : memref<64x128xf32, #tpu.memory_space<vmem>>) target(%dma_start3A_374 : memref<64x128xf32, #tpu.memory_space<vmem_shared>>) target_semaphore(%run_scoped3A : memref<!tpu.dma_semaphore, #tpu.memory_space<semaphore_mem>>)
      %dma_wait3A_375 = arith.constant 0 : i32
      %dma_wait3A_376 = tpu.memref_slice %arg12[%add3A_17, %dma_wait3A_375] : memref<10240x128xf32, #tpu.memory_space<vmem_shared>> -> memref<64x128xf32, #tpu.memory_space<vmem_shared>>
      %dma_wait3A_377 = arith.constant 0 : i32
      %dma_wait3A_378 = tpu.memref_slice %arg12[%add3A_17, %dma_wait3A_377] : memref<10240x128xf32, #tpu.memory_space<vmem_shared>> -> memref<64x128xf32, #tpu.memory_space<vmem_shared>>
      tpu.wait_dma2 semaphore(%run_scoped3A : memref<!tpu.dma_semaphore, #tpu.memory_space<semaphore_mem>>) src(%arg11 : memref<64x128xf32, #tpu.memory_space<vmem>>) dst(%dma_wait3A_378 : memref<64x128xf32, #tpu.memory_space<vmem_shared>>)
      tpu.yield
    }) : () -> ()
    %mul3A_18 = arith.constant 640 : i32
    %mul3A_19 = arith.muli %arg1, %mul3A_18 : i32
    %add3A_20 = arith.constant 64 : i32
    %add3A_21 = arith.addi %mul3A_19, %add3A_20 : i32
    "tpu.region"() ({
      %run_scoped3A = tpu.sem_alloc : memref<!tpu.dma_semaphore, #tpu.memory_space<semaphore_mem>>
      %dma_start3A_371 = arith.constant 0 : i32
      %dma_start3A_372 = tpu.memref_slice %arg12[%add3A_21, %dma_start3A_371] : memref<10240x128xf32, #tpu.memory_space<vmem_shared>> -> memref<64x128xf32, #tpu.memory_space<vmem_shared>>
      %dma_start3A_373 = arith.constant 0 : i32
      %dma_start3A_374 = tpu.memref_slice %arg12[%add3A_21, %dma_start3A_373] : memref<10240x128xf32, #tpu.memory_space<vmem_shared>> -> memref<64x128xf32, #tpu.memory_space<vmem_shared>>
      tpu.enqueue_dma source(%arg11 : memref<64x128xf32, #tpu.memory_space<vmem>>) target(%dma_start3A_374 : memref<64x128xf32, #tpu.memory_space<vmem_shared>>) target_semaphore(%run_scoped3A : memref<!tpu.dma_semaphore, #tpu.memory_space<semaphore_mem>>)
      %dma_wait3A_375 = arith.constant 0 : i32
      %dma_wait3A_376 = tpu.memref_slice %arg12[%add3A_21, %dma_wait3A_375] : memref<10240x128xf32, #tpu.memory_space<vmem_shared>> -> memref<64x128xf32, #tpu.memory_space<vmem_shared>>
      %dma_wait3A_377 = arith.constant 0 : i32
      %dma_wait3A_378 = tpu.memref_slice %arg12[%add3A_21, %dma_wait3A_377] : memref<10240x128xf32, #tpu.memory_space<vmem_shared>> -> memref<64x128xf32, #tpu.memory_space<vmem_shared>>
      tpu.wait_dma2 semaphore(%run_scoped3A : memref<!tpu.dma_semaphore, #tpu.memory_space<semaphore_mem>>) src(%arg11 : memref<64x128xf32, #tpu.memory_space<vmem>>) dst(%dma_wait3A_378 : memref<64x128xf32, #tpu.memory_space<vmem_shared>>)
      tpu.yield
    }) : () -> ()
    %mul3A_22 = arith.constant 640 : i32
    %mul3A_23 = arith.muli %arg1, %mul3A_22 : i32
    %add3A_24 = arith.constant 128 : i32
    %add3A_25 = arith.addi %mul3A_23, %add3A_24 : i32
    "tpu.region"() ({
      %run_scoped3A = tpu.sem_alloc : memref<!tpu.dma_semaphore, #tpu.memory_space<semaphore_mem>>
      %dma_start3A_371 = arith.constant 0 : i32
      %dma_start3A_372 = tpu.memref_slice %arg12[%add3A_25, %dma_start3A_371] : memref<10240x128xf32, #tpu.memory_space<vmem_shared>> -> memref<64x128xf32, #tpu.memory_space<vmem_shared>>
      %dma_start3A_373 = arith.constant 0 : i32
      %dma_start3A_374 = tpu.memref_slice %arg12[%add3A_25, %dma_start3A_373] : memref<10240x128xf32, #tpu.memory_space<vmem_shared>> -> memref<64x128xf32, #tpu.memory_space<vmem_shared>>
      tpu.enqueue_dma source(%arg11 : memref<64x128xf32, #tpu.memory_space<vmem>>) target(%dma_start3A_374 : memref<64x128xf32, #tpu.memory_space<vmem_shared>>) target_semaphore(%run_scoped3A : memref<!tpu.dma_semaphore, #tpu.memory_space<semaphore_mem>>)
      %dma_wait3A_375 = arith.constant 0 : i32
      %dma_wait3A_376 = tpu.memref_slice %arg12[%add3A_25, %dma_wait3A_375] : memref<10240x128xf32, #tpu.memory_space<vmem_shared>> -> memref<64x128xf32, #tpu.memory_space<vmem_shared>>
      %dma_wait3A_377 = arith.constant 0 : i32
      %dma_wait3A_378 = tpu.memref_slice %arg12[%add3A_25, %dma_wait3A_377] : memref<10240x128xf32, #tpu.memory_space<vmem_shared>> -> memref<64x128xf32, #tpu.memory_space<vmem_shared>>
      tpu.wait_dma2 semaphore(%run_scoped3A : memref<!tpu.dma_semaphore, #tpu.memory_space<semaphore_mem>>) src(%arg11 : memref<64x128xf32, #tpu.memory_space<vmem>>) dst(%dma_wait3A_378 : memref<64x128xf32, #tpu.memory_space<vmem_shared>>)
      tpu.yield
    }) : () -> ()
    %mul3A_26 = arith.constant 640 : i32
    %mul3A_27 = arith.muli %arg1, %mul3A_26 : i32
    %add3A_28 = arith.constant 192 : i32
    %add3A_29 = arith.addi %mul3A_27, %add3A_28 : i32
    "tpu.region"() ({
      %run_scoped3A = tpu.sem_alloc : memref<!tpu.dma_semaphore, #tpu.memory_space<semaphore_mem>>
      %dma_start3A_371 = arith.constant 0 : i32
      %dma_start3A_372 = tpu.memref_slice %arg12[%add3A_29, %dma_start3A_371] : memref<10240x128xf32, #tpu.memory_space<vmem_shared>> -> memref<64x128xf32, #tpu.memory_space<vmem_shared>>
      %dma_start3A_373 = arith.constant 0 : i32
      %dma_start3A_374 = tpu.memref_slice %arg12[%add3A_29, %dma_start3A_373] : memref<10240x128xf32, #tpu.memory_space<vmem_shared>> -> memref<64x128xf32, #tpu.memory_space<vmem_shared>>
      tpu.enqueue_dma source(%arg11 : memref<64x128xf32, #tpu.memory_space<vmem>>) target(%dma_start3A_374 : memref<64x128xf32, #tpu.memory_space<vmem_shared>>) target_semaphore(%run_scoped3A : memref<!tpu.dma_semaphore, #tpu.memory_space<semaphore_mem>>)
      %dma_wait3A_375 = arith.constant 0 : i32
      %dma_wait3A_376 = tpu.memref_slice %arg12[%add3A_29, %dma_wait3A_375] : memref<10240x128xf32, #tpu.memory_space<vmem_shared>> -> memref<64x128xf32, #tpu.memory_space<vmem_shared>>
      %dma_wait3A_377 = arith.constant 0 : i32
      %dma_wait3A_378 = tpu.memref_slice %arg12[%add3A_29, %dma_wait3A_377] : memref<10240x128xf32, #tpu.memory_space<vmem_shared>> -> memref<64x128xf32, #tpu.memory_space<vmem_shared>>
      tpu.wait_dma2 semaphore(%run_scoped3A : memref<!tpu.dma_semaphore, #tpu.memory_space<semaphore_mem>>) src(%arg11 : memref<64x128xf32, #tpu.memory_space<vmem>>) dst(%dma_wait3A_378 : memref<64x128xf32, #tpu.memory_space<vmem_shared>>)
      tpu.yield
    }) : () -> ()
    %mul3A_30 = arith.constant 640 : i32
    %mul3A_31 = arith.muli %arg1, %mul3A_30 : i32
    %add3A_32 = arith.constant 256 : i32
    %add3A_33 = arith.addi %mul3A_31, %add3A_32 : i32
    "tpu.region"() ({
      %run_scoped3A = tpu.sem_alloc : memref<!tpu.dma_semaphore, #tpu.memory_space<semaphore_mem>>
      %dma_start3A_371 = arith.constant 0 : i32
      %dma_start3A_372 = tpu.memref_slice %arg12[%add3A_33, %dma_start3A_371] : memref<10240x128xf32, #tpu.memory_space<vmem_shared>> -> memref<64x128xf32, #tpu.memory_space<vmem_shared>>
      %dma_start3A_373 = arith.constant 0 : i32
      %dma_start3A_374 = tpu.memref_slice %arg12[%add3A_33, %dma_start3A_373] : memref<10240x128xf32, #tpu.memory_space<vmem_shared>> -> memref<64x128xf32, #tpu.memory_space<vmem_shared>>
      tpu.enqueue_dma source(%arg11 : memref<64x128xf32, #tpu.memory_space<vmem>>) target(%dma_start3A_374 : memref<64x128xf32, #tpu.memory_space<vmem_shared>>) target_semaphore(%run_scoped3A : memref<!tpu.dma_semaphore, #tpu.memory_space<semaphore_mem>>)
      %dma_wait3A_375 = arith.constant 0 : i32
      %dma_wait3A_376 = tpu.memref_slice %arg12[%add3A_33, %dma_wait3A_375] : memref<10240x128xf32, #tpu.memory_space<vmem_shared>> -> memref<64x128xf32, #tpu.memory_space<vmem_shared>>
      %dma_wait3A_377 = arith.constant 0 : i32
      %dma_wait3A_378 = tpu.memref_slice %arg12[%add3A_33, %dma_wait3A_377] : memref<10240x128xf32, #tpu.memory_space<vmem_shared>> -> memref<64x128xf32, #tpu.memory_space<vmem_shared>>
      tpu.wait_dma2 semaphore(%run_scoped3A : memref<!tpu.dma_semaphore, #tpu.memory_space<semaphore_mem>>) src(%arg11 : memref<64x128xf32, #tpu.memory_space<vmem>>) dst(%dma_wait3A_378 : memref<64x128xf32, #tpu.memory_space<vmem_shared>>)
      tpu.yield
    }) : () -> ()
    %mul3A_34 = arith.constant 640 : i32
    %mul3A_35 = arith.muli %arg1, %mul3A_34 : i32
    %add3A_36 = arith.constant 320 : i32
    %add3A_37 = arith.addi %mul3A_35, %add3A_36 : i32
    "tpu.region"() ({
      %run_scoped3A = tpu.sem_alloc : memref<!tpu.dma_semaphore, #tpu.memory_space<semaphore_mem>>
      %dma_start3A_371 = arith.constant 0 : i32
      %dma_start3A_372 = tpu.memref_slice %arg12[%add3A_37, %dma_start3A_371] : memref<10240x128xf32, #tpu.memory_space<vmem_shared>> -> memref<64x128xf32, #tpu.memory_space<vmem_shared>>
      %dma_start3A_373 = arith.constant 0 : i32
      %dma_start3A_374 = tpu.memref_slice %arg12[%add3A_37, %dma_start3A_373] : memref<10240x128xf32, #tpu.memory_space<vmem_shared>> -> memref<64x128xf32, #tpu.memory_space<vmem_shared>>
      tpu.enqueue_dma source(%arg11 : memref<64x128xf32, #tpu.memory_space<vmem>>) target(%dma_start3A_374 : memref<64x128xf32, #tpu.memory_space<vmem_shared>>) target_semaphore(%run_scoped3A : memref<!tpu.dma_semaphore, #tpu.memory_space<semaphore_mem>>)
      %dma_wait3A_375 = arith.constant 0 : i32
      %dma_wait3A_376 = tpu.memref_slice %arg12[%add3A_37, %dma_wait3A_375] : memref<10240x128xf32, #tpu.memory_space<vmem_shared>> -> memref<64x128xf32, #tpu.memory_space<vmem_shared>>
      %dma_wait3A_377 = arith.constant 0 : i32
      %dma_wait3A_378 = tpu.memref_slice %arg12[%add3A_37, %dma_wait3A_377] : memref<10240x128xf32, #tpu.memory_space<vmem_shared>> -> memref<64x128xf32, #tpu.memory_space<vmem_shared>>
      tpu.wait_dma2 semaphore(%run_scoped3A : memref<!tpu.dma_semaphore, #tpu.memory_space<semaphore_mem>>) src(%arg11 : memref<64x128xf32, #tpu.memory_space<vmem>>) dst(%dma_wait3A_378 : memref<64x128xf32, #tpu.memory_space<vmem_shared>>)
      tpu.yield
    }) : () -> ()
    %mul3A_38 = arith.constant 640 : i32
    %mul3A_39 = arith.muli %arg1, %mul3A_38 : i32
    %add3A_40 = arith.constant 384 : i32
    %add3A_41 = arith.addi %mul3A_39, %add3A_40 : i32
    "tpu.region"() ({
      %run_scoped3A = tpu.sem_alloc : memref<!tpu.dma_semaphore, #tpu.memory_space<semaphore_mem>>
      %dma_start3A_371 = arith.constant 0 : i32
      %dma_start3A_372 = tpu.memref_slice %arg12[%add3A_41, %dma_start3A_371] : memref<10240x128xf32, #tpu.memory_space<vmem_shared>> -> memref<64x128xf32, #tpu.memory_space<vmem_shared>>
      %dma_start3A_373 = arith.constant 0 : i32
      %dma_start3A_374 = tpu.memref_slice %arg12[%add3A_41, %dma_start3A_373] : memref<10240x128xf32, #tpu.memory_space<vmem_shared>> -> memref<64x128xf32, #tpu.memory_space<vmem_shared>>
      tpu.enqueue_dma source(%arg11 : memref<64x128xf32, #tpu.memory_space<vmem>>) target(%dma_start3A_374 : memref<64x128xf32, #tpu.memory_space<vmem_shared>>) target_semaphore(%run_scoped3A : memref<!tpu.dma_semaphore, #tpu.memory_space<semaphore_mem>>)
      %dma_wait3A_375 = arith.constant 0 : i32
      %dma_wait3A_376 = tpu.memref_slice %arg12[%add3A_41, %dma_wait3A_375] : memref<10240x128xf32, #tpu.memory_space<vmem_shared>> -> memref<64x128xf32, #tpu.memory_space<vmem_shared>>
      %dma_wait3A_377 = arith.constant 0 : i32
      %dma_wait3A_378 = tpu.memref_slice %arg12[%add3A_41, %dma_wait3A_377] : memref<10240x128xf32, #tpu.memory_space<vmem_shared>> -> memref<64x128xf32, #tpu.memory_space<vmem_shared>>
      tpu.wait_dma2 semaphore(%run_scoped3A : memref<!tpu.dma_semaphore, #tpu.memory_space<semaphore_mem>>) src(%arg11 : memref<64x128xf32, #tpu.memory_space<vmem>>) dst(%dma_wait3A_378 : memref<64x128xf32, #tpu.memory_space<vmem_shared>>)
      tpu.yield
    }) : () -> ()
    %mul3A_42 = arith.constant 640 : i32
    %mul3A_43 = arith.muli %arg1, %mul3A_42 : i32
    %add3A_44 = arith.constant 448 : i32
    %add3A_45 = arith.addi %mul3A_43, %add3A_44 : i32
    "tpu.region"() ({
      %run_scoped3A = tpu.sem_alloc : memref<!tpu.dma_semaphore, #tpu.memory_space<semaphore_mem>>
      %dma_start3A_371 = arith.constant 0 : i32
      %dma_start3A_372 = tpu.memref_slice %arg12[%add3A_45, %dma_start3A_371] : memref<10240x128xf32, #tpu.memory_space<vmem_shared>> -> memref<64x128xf32, #tpu.memory_space<vmem_shared>>
      %dma_start3A_373 = arith.constant 0 : i32
      %dma_start3A_374 = tpu.memref_slice %arg12[%add3A_45, %dma_start3A_373] : memref<10240x128xf32, #tpu.memory_space<vmem_shared>> -> memref<64x128xf32, #tpu.memory_space<vmem_shared>>
      tpu.enqueue_dma source(%arg11 : memref<64x128xf32, #tpu.memory_space<vmem>>) target(%dma_start3A_374 : memref<64x128xf32, #tpu.memory_space<vmem_shared>>) target_semaphore(%run_scoped3A : memref<!tpu.dma_semaphore, #tpu.memory_space<semaphore_mem>>)
      %dma_wait3A_375 = arith.constant 0 : i32
      %dma_wait3A_376 = tpu.memref_slice %arg12[%add3A_45, %dma_wait3A_375] : memref<10240x128xf32, #tpu.memory_space<vmem_shared>> -> memref<64x128xf32, #tpu.memory_space<vmem_shared>>
      %dma_wait3A_377 = arith.constant 0 : i32
      %dma_wait3A_378 = tpu.memref_slice %arg12[%add3A_45, %dma_wait3A_377] : memref<10240x128xf32, #tpu.memory_space<vmem_shared>> -> memref<64x128xf32, #tpu.memory_space<vmem_shared>>
      tpu.wait_dma2 semaphore(%run_scoped3A : memref<!tpu.dma_semaphore, #tpu.memory_space<semaphore_mem>>) src(%arg11 : memref<64x128xf32, #tpu.memory_space<vmem>>) dst(%dma_wait3A_378 : memref<64x128xf32, #tpu.memory_space<vmem_shared>>)
      tpu.yield
    }) : () -> ()
    %mul3A_46 = arith.constant 640 : i32
    %mul3A_47 = arith.muli %arg1, %mul3A_46 : i32
    %add3A_48 = arith.constant 512 : i32
    %add3A_49 = arith.addi %mul3A_47, %add3A_48 : i32
    "tpu.region"() ({
      %run_scoped3A = tpu.sem_alloc : memref<!tpu.dma_semaphore, #tpu.memory_space<semaphore_mem>>
      %dma_start3A_371 = arith.constant 0 : i32
      %dma_start3A_372 = tpu.memref_slice %arg12[%add3A_49, %dma_start3A_371] : memref<10240x128xf32, #tpu.memory_space<vmem_shared>> -> memref<64x128xf32, #tpu.memory_space<vmem_shared>>
      %dma_start3A_373 = arith.constant 0 : i32
      %dma_start3A_374 = tpu.memref_slice %arg12[%add3A_49, %dma_start3A_373] : memref<10240x128xf32, #tpu.memory_space<vmem_shared>> -> memref<64x128xf32, #tpu.memory_space<vmem_shared>>
      tpu.enqueue_dma source(%arg11 : memref<64x128xf32, #tpu.memory_space<vmem>>) target(%dma_start3A_374 : memref<64x128xf32, #tpu.memory_space<vmem_shared>>) target_semaphore(%run_scoped3A : memref<!tpu.dma_semaphore, #tpu.memory_space<semaphore_mem>>)
      %dma_wait3A_375 = arith.constant 0 : i32
      %dma_wait3A_376 = tpu.memref_slice %arg12[%add3A_49, %dma_wait3A_375] : memref<10240x128xf32, #tpu.memory_space<vmem_shared>> -> memref<64x128xf32, #tpu.memory_space<vmem_shared>>
      %dma_wait3A_377 = arith.constant 0 : i32
      %dma_wait3A_378 = tpu.memref_slice %arg12[%add3A_49, %dma_wait3A_377] : memref<10240x128xf32, #tpu.memory_space<vmem_shared>> -> memref<64x128xf32, #tpu.memory_space<vmem_shared>>
      tpu.wait_dma2 semaphore(%run_scoped3A : memref<!tpu.dma_semaphore, #tpu.memory_space<semaphore_mem>>) src(%arg11 : memref<64x128xf32, #tpu.memory_space<vmem>>) dst(%dma_wait3A_378 : memref<64x128xf32, #tpu.memory_space<vmem_shared>>)
      tpu.yield
    }) : () -> ()
    %mul3A_50 = arith.constant 640 : i32
    %mul3A_51 = arith.muli %arg1, %mul3A_50 : i32
    %add3A_52 = arith.constant 576 : i32
    %add3A_53 = arith.addi %mul3A_51, %add3A_52 : i32
    "tpu.region"() ({
      %run_scoped3A = tpu.sem_alloc : memref<!tpu.dma_semaphore, #tpu.memory_space<semaphore_mem>>
      %dma_start3A_371 = arith.constant 0 : i32
      %dma_start3A_372 = tpu.memref_slice %arg12[%add3A_53, %dma_start3A_371] : memref<10240x128xf32, #tpu.memory_space<vmem_shared>> -> memref<64x128xf32, #tpu.memory_space<vmem_shared>>
      %dma_start3A_373 = arith.constant 0 : i32
      %dma_start3A_374 = tpu.memref_slice %arg12[%add3A_53, %dma_start3A_373] : memref<10240x128xf32, #tpu.memory_space<vmem_shared>> -> memref<64x128xf32, #tpu.memory_space<vmem_shared>>
      tpu.enqueue_dma source(%arg11 : memref<64x128xf32, #tpu.memory_space<vmem>>) target(%dma_start3A_374 : memref<64x128xf32, #tpu.memory_space<vmem_shared>>) target_semaphore(%run_scoped3A : memref<!tpu.dma_semaphore, #tpu.memory_space<semaphore_mem>>)
      %dma_wait3A_375 = arith.constant 0 : i32
      %dma_wait3A_376 = tpu.memref_slice %arg12[%add3A_53, %dma_wait3A_375] : memref<10240x128xf32, #tpu.memory_space<vmem_shared>> -> memref<64x128xf32, #tpu.memory_space<vmem_shared>>
      %dma_wait3A_377 = arith.constant 0 : i32
      %dma_wait3A_378 = tpu.memref_slice %arg12[%add3A_53, %dma_wait3A_377] : memref<10240x128xf32, #tpu.memory_space<vmem_shared>> -> memref<64x128xf32, #tpu.memory_space<vmem_shared>>
      tpu.wait_dma2 semaphore(%run_scoped3A : memref<!tpu.dma_semaphore, #tpu.memory_space<semaphore_mem>>) src(%arg11 : memref<64x128xf32, #tpu.memory_space<vmem>>) dst(%dma_wait3A_378 : memref<64x128xf32, #tpu.memory_space<vmem_shared>>)
      tpu.yield
    }) : () -> ()
    %scan3A_54 = arith.constant 0 : i32
    %scan3A_55 = arith.constant 0 : i32
    %scan3A_56 = arith.constant 40 : i32
    %scan3A_57 = arith.addi %scan3A_55, %scan3A_56 : i32
    %scan3A_58 = arith.constant 1 : i32
    scf.for %scan3A_371 = %scan3A_55 to %scan3A_57 step %scan3A_58  : i32 {
      %broadcast_in_dim3A_372 = arith.constant 0.000000e+00 : f32
      %broadcast_in_dim3A_373 = vector.broadcast %broadcast_in_dim3A_372 : f32 to vector<16xf32>
      %mul3A_374 = arith.constant 16 : i32
      %mul3A_375 = arith.muli %scan3A_371, %mul3A_374 : i32
      %swap3A_376 = arith.index_cast %mul3A_375 : i32 to index
      %swap3A_377 = tpu.vector_load %arg20[%swap3A_376] {strides = array<i32>} : memref<640xf32, #tpu.memory_space<vmem>>, vector<16xf32>,
      %swap3A_378 = vector.shape_cast %swap3A_377 : vector<16xf32> to vector<16xf32>
      %swap3A_379 = vector.shape_cast %broadcast_in_dim3A_373 : vector<16xf32> to vector<16xf32>
      tpu.vector_store %arg20[%swap3A_376], %swap3A_379 {strides = array<i32>} : memref<640xf32, #tpu.memory_space<vmem>>, vector<16xf32>,
    }
    %scan3A_59 = arith.constant 40 : i32
    %mul3A_60 = arith.constant 640 : i32
    %mul3A_61 = arith.muli %arg1, %mul3A_60 : i32
    "tpu.region"() ({
      %run_scoped3A = tpu.sem_alloc : memref<!tpu.dma_semaphore, #tpu.memory_space<semaphore_mem>>
      %dma_start3A_371 = tpu.memref_slice %arg21[%mul3A_61] : memref<10240xf32, #tpu.memory_space<vmem_shared>> -> memref<640xf32, #tpu.memory_space<vmem_shared>>
      %dma_start3A_372 = tpu.memref_slice %arg21[%mul3A_61] : memref<10240xf32, #tpu.memory_space<vmem_shared>> -> memref<640xf32, #tpu.memory_space<vmem_shared>>
      tpu.enqueue_dma source(%arg20 : memref<640xf32, #tpu.memory_space<vmem>>) target(%dma_start3A_372 : memref<640xf32, #tpu.memory_space<vmem_shared>>) target_semaphore(%run_scoped3A : memref<!tpu.dma_semaphore, #tpu.memory_space<semaphore_mem>>)
      %dma_wait3A_373 = tpu.memref_slice %arg21[%mul3A_61] : memref<10240xf32, #tpu.memory_space<vmem_shared>> -> memref<640xf32, #tpu.memory_space<vmem_shared>>
      %dma_wait3A_374 = tpu.memref_slice %arg21[%mul3A_61] : memref<10240xf32, #tpu.memory_space<vmem_shared>> -> memref<640xf32, #tpu.memory_space<vmem_shared>>
      tpu.wait_dma2 semaphore(%run_scoped3A : memref<!tpu.dma_semaphore, #tpu.memory_space<semaphore_mem>>) src(%arg20 : memref<640xf32, #tpu.memory_space<vmem>>) dst(%dma_wait3A_374 : memref<640xf32, #tpu.memory_space<vmem_shared>>)
      tpu.yield
    }) : () -> ()
    %mul3A_62 = arith.constant 640 : i32
    %mul3A_63 = arith.muli %arg1, %mul3A_62 : i32
    "tpu.region"() ({
      %run_scoped3A = tpu.sem_alloc : memref<!tpu.dma_semaphore, #tpu.memory_space<semaphore_mem>>
      %dma_start3A_371 = tpu.memref_slice %arg22[%mul3A_63] : memref<10240xf32, #tpu.memory_space<vmem_shared>> -> memref<640xf32, #tpu.memory_space<vmem_shared>>
      %dma_start3A_372 = tpu.memref_slice %arg22[%mul3A_63] : memref<10240xf32, #tpu.memory_space<vmem_shared>> -> memref<640xf32, #tpu.memory_space<vmem_shared>>
      tpu.enqueue_dma source(%arg20 : memref<640xf32, #tpu.memory_space<vmem>>) target(%dma_start3A_372 : memref<640xf32, #tpu.memory_space<vmem_shared>>) target_semaphore(%run_scoped3A : memref<!tpu.dma_semaphore, #tpu.memory_space<semaphore_mem>>)
      %dma_wait3A_373 = tpu.memref_slice %arg22[%mul3A_63] : memref<10240xf32, #tpu.memory_space<vmem_shared>> -> memref<640xf32, #tpu.memory_space<vmem_shared>>
      %dma_wait3A_374 = tpu.memref_slice %arg22[%mul3A_63] : memref<10240xf32, #tpu.memory_space<vmem_shared>> -> memref<640xf32, #tpu.memory_space<vmem_shared>>
      tpu.wait_dma2 semaphore(%run_scoped3A : memref<!tpu.dma_semaphore, #tpu.memory_space<semaphore_mem>>) src(%arg20 : memref<640xf32, #tpu.memory_space<vmem>>) dst(%dma_wait3A_374 : memref<640xf32, #tpu.memory_space<vmem_shared>>)
      tpu.yield
    }) : () -> ()
    %broadcast_in_dim3A = arith.constant 1.000000e+00 : f32
    %broadcast_in_dim3A_64 = vector.broadcast %broadcast_in_dim3A : f32 to vector<16xf32>
    %swap3A = arith.constant 0 : index
    %swap3A_65 = tpu.vector_load %arg19[%swap3A] {strides = array<i32>} : memref<128xf32, #tpu.memory_space<vmem>>, vector<16xf32>,
    %swap3A_66 = vector.shape_cast %swap3A_65 : vector<16xf32> to vector<16xf32>
    %swap3A_67 = vector.shape_cast %broadcast_in_dim3A_64 : vector<16xf32> to vector<16xf32>
    tpu.vector_store %arg19[%swap3A], %swap3A_67 {strides = array<i32>} : memref<128xf32, #tpu.memory_space<vmem>>, vector<16xf32>,
    %broadcast_in_dim3A_68 = arith.constant 1.000000e+00 : f32
    %broadcast_in_dim3A_69 = vector.broadcast %broadcast_in_dim3A_68 : f32 to vector<16xf32>
    %swap3A_70 = arith.constant 16 : index
    %swap3A_71 = tpu.vector_load %arg19[%swap3A_70] {strides = array<i32>} : memref<128xf32, #tpu.memory_space<vmem>>, vector<16xf32>,
    %swap3A_72 = vector.shape_cast %swap3A_71 : vector<16xf32> to vector<16xf32>
    %swap3A_73 = vector.shape_cast %broadcast_in_dim3A_69 : vector<16xf32> to vector<16xf32>
    tpu.vector_store %arg19[%swap3A_70], %swap3A_73 {strides = array<i32>} : memref<128xf32, #tpu.memory_space<vmem>>, vector<16xf32>,
    %broadcast_in_dim3A_74 = arith.constant 1.000000e+00 : f32
    %broadcast_in_dim3A_75 = vector.broadcast %broadcast_in_dim3A_74 : f32 to vector<16xf32>
    %swap3A_76 = arith.constant 32 : index
    %swap3A_77 = tpu.vector_load %arg19[%swap3A_76] {strides = array<i32>} : memref<128xf32, #tpu.memory_space<vmem>>, vector<16xf32>,
    %swap3A_78 = vector.shape_cast %swap3A_77 : vector<16xf32> to vector<16xf32>
    %swap3A_79 = vector.shape_cast %broadcast_in_dim3A_75 : vector<16xf32> to vector<16xf32>
    tpu.vector_store %arg19[%swap3A_76], %swap3A_79 {strides = array<i32>} : memref<128xf32, #tpu.memory_space<vmem>>, vector<16xf32>,
    %broadcast_in_dim3A_80 = arith.constant 1.000000e+00 : f32
    %broadcast_in_dim3A_81 = vector.broadcast %broadcast_in_dim3A_80 : f32 to vector<16xf32>
    %swap3A_82 = arith.constant 48 : index
    %swap3A_83 = tpu.vector_load %arg19[%swap3A_82] {strides = array<i32>} : memref<128xf32, #tpu.memory_space<vmem>>, vector<16xf32>,
    %swap3A_84 = vector.shape_cast %swap3A_83 : vector<16xf32> to vector<16xf32>
    %swap3A_85 = vector.shape_cast %broadcast_in_dim3A_81 : vector<16xf32> to vector<16xf32>
    tpu.vector_store %arg19[%swap3A_82], %swap3A_85 {strides = array<i32>} : memref<128xf32, #tpu.memory_space<vmem>>, vector<16xf32>,
    %broadcast_in_dim3A_86 = arith.constant 1.000000e+00 : f32
    %broadcast_in_dim3A_87 = vector.broadcast %broadcast_in_dim3A_86 : f32 to vector<16xf32>
    %swap3A_88 = arith.constant 64 : index
    %swap3A_89 = tpu.vector_load %arg19[%swap3A_88] {strides = array<i32>} : memref<128xf32, #tpu.memory_space<vmem>>, vector<16xf32>,
    %swap3A_90 = vector.shape_cast %swap3A_89 : vector<16xf32> to vector<16xf32>
    %swap3A_91 = vector.shape_cast %broadcast_in_dim3A_87 : vector<16xf32> to vector<16xf32>
    tpu.vector_store %arg19[%swap3A_88], %swap3A_91 {strides = array<i32>} : memref<128xf32, #tpu.memory_space<vmem>>, vector<16xf32>,
    %broadcast_in_dim3A_92 = arith.constant 1.000000e+00 : f32
    %broadcast_in_dim3A_93 = vector.broadcast %broadcast_in_dim3A_92 : f32 to vector<16xf32>
    %swap3A_94 = arith.constant 80 : index
    %swap3A_95 = tpu.vector_load %arg19[%swap3A_94] {strides = array<i32>} : memref<128xf32, #tpu.memory_space<vmem>>, vector<16xf32>,
    %swap3A_96 = vector.shape_cast %swap3A_95 : vector<16xf32> to vector<16xf32>
    %swap3A_97 = vector.shape_cast %broadcast_in_dim3A_93 : vector<16xf32> to vector<16xf32>
    tpu.vector_store %arg19[%swap3A_94], %swap3A_97 {strides = array<i32>} : memref<128xf32, #tpu.memory_space<vmem>>, vector<16xf32>,
    %broadcast_in_dim3A_98 = arith.constant 1.000000e+00 : f32
    %broadcast_in_dim3A_99 = vector.broadcast %broadcast_in_dim3A_98 : f32 to vector<16xf32>
    %swap3A_100 = arith.constant 96 : index
    %swap3A_101 = tpu.vector_load %arg19[%swap3A_100] {strides = array<i32>} : memref<128xf32, #tpu.memory_space<vmem>>, vector<16xf32>,
    %swap3A_102 = vector.shape_cast %swap3A_101 : vector<16xf32> to vector<16xf32>
    %swap3A_103 = vector.shape_cast %broadcast_in_dim3A_99 : vector<16xf32> to vector<16xf32>
    tpu.vector_store %arg19[%swap3A_100], %swap3A_103 {strides = array<i32>} : memref<128xf32, #tpu.memory_space<vmem>>, vector<16xf32>,
    %broadcast_in_dim3A_104 = arith.constant 1.000000e+00 : f32
    %broadcast_in_dim3A_105 = vector.broadcast %broadcast_in_dim3A_104 : f32 to vector<16xf32>
    %swap3A_106 = arith.constant 112 : index
    %swap3A_107 = tpu.vector_load %arg19[%swap3A_106] {strides = array<i32>} : memref<128xf32, #tpu.memory_space<vmem>>, vector<16xf32>,
    %swap3A_108 = vector.shape_cast %swap3A_107 : vector<16xf32> to vector<16xf32>
    %swap3A_109 = vector.shape_cast %broadcast_in_dim3A_105 : vector<16xf32> to vector<16xf32>
    tpu.vector_store %arg19[%swap3A_106], %swap3A_109 {strides = array<i32>} : memref<128xf32, #tpu.memory_space<vmem>>, vector<16xf32>,
    %barrier3A = arith.constant 0 : index
    tpu.barrier barrier_id(%barrier3A)
    %jit3A_110 = arith.constant 2 : i32
    %div3A = arith.divsi %select_n3A, %jit3A_110 : i32
    %sign3A = arith.constant 0 : i32
    %sign3A_111 = arith.cmpi sgt, %select_n3A, %sign3A : i32
    %sign3A_112 = arith.extui %sign3A_111 : i1 to i32
    %sign3A_113 = arith.constant 0 : i32
    %sign3A_114 = arith.cmpi slt, %select_n3A, %sign3A_113 : i32
    %sign3A_115 = arith.extui %sign3A_114 : i1 to i32
    %sign3A_116 = arith.subi %sign3A_112, %sign3A_115 : i32
    %sign3A_117 = arith.constant 0 : i32
    %sign3A_118 = arith.cmpi sgt, %jit3A_110, %sign3A_117 : i32
    %sign3A_119 = arith.extui %sign3A_118 : i1 to i32
    %sign3A_120 = arith.constant 0 : i32
    %sign3A_121 = arith.cmpi slt, %jit3A_110, %sign3A_120 : i32
    %sign3A_122 = arith.extui %sign3A_121 : i1 to i32
    %sign3A_123 = arith.subi %sign3A_119, %sign3A_122 : i32
    %ne3A = arith.cmpi ne, %sign3A_116, %sign3A_123 : i32
    %rem3A = arith.remsi %select_n3A, %jit3A_110 : i32
    %ne3A_124 = arith.constant 0 : i32
    %ne3A_125 = arith.cmpi ne, %rem3A, %ne3A_124 : i32
    %and3A = arith.andi %ne3A, %ne3A_125 : i1
    %sub3A = arith.constant 1 : i32
    %sub3A_126 = arith.subi %div3A, %sub3A : i32
    %select_n3A_127 = arith.select %and3A, %sub3A_126, %div3A : i32
    %while3A = arith.constant 0 : i32
    %while3A_128 = arith.constant 0 : i32
    %while3A_129 = arith.subi %select_n3A_127, %while3A_128 : i32
    %while3A_130 = arith.addi %while3A_128, %while3A_129 : i32
    %while3A_131 = arith.constant 1 : i32
    %while3A_132 = arith.divsi %while3A_129, %while3A_131 : i32
    %while3A_133 = arith.muli %while3A_132, %while3A_131 : i32
    %while3A_134 = arith.addi %while3A_128, %while3A_133 : i32
    %while3A_135 = arith.constant 1 : i32
    scf.for %while3A_371 = %while3A_128 to %while3A_134 step %while3A_135  : i32 {
      %ge3A = arith.constant 1 : i32
      %ge3A_372 = arith.cmpi sge, %while3A_371, %ge3A : i32
      %convert_element_type3A = arith.extui %ge3A_372 : i1 to i32
      %cond3A = arith.constant 0 : i32
      %cond3A_373 = arith.cmpi ne, %convert_element_type3A, %cond3A : i32
      scf.if %cond3A_373 {
        %dma_wait3A_587 = arith.constant 1 : i32
        %dma_wait3A_588 = arith.constant 0 : i32
        %dma_wait3A_589 = tpu.memref_slice %arg7[%dma_wait3A_587, %dma_wait3A_588] : memref<2x128xi32, #tpu.memory_space<vmem>> -> memref<1x128xi32, #tpu.memory_space<vmem>>
        %dma_wait3A_590 = tpu.memref_squeeze %dma_wait3A_589 : memref<1x128xi32, #tpu.memory_space<vmem>> -> memref<128xi32, #tpu.memory_space<vmem>>
        %dma_wait3A_591 = arith.constant 0 : i32
        %dma_wait3A_592 = arith.constant 0 : i32
        %dma_wait3A_593 = tpu.memref_slice %arg12[%dma_wait3A_591, %dma_wait3A_592] : memref<10240x128xf32, #tpu.memory_space<vmem_shared>> -> memref<10240x128xf32, #tpu.memory_space<vmem_shared>>
        tpu.wait_indirect_dma semaphore(%arg15 : memref<!tpu.dma_semaphore, #tpu.memory_space<semaphore_mem>>) src(%arg9 : memref<128x128xf32, #tpu.memory_space<vmem>>) dst(%dma_wait3A_593 : memref<10240x128xf32, #tpu.memory_space<vmem_shared>>)
        %dma_wait3A_594 = arith.constant 1 : i32
        %dma_wait3A_595 = arith.constant 0 : i32
        %dma_wait3A_596 = tpu.memref_slice %arg7[%dma_wait3A_594, %dma_wait3A_595] : memref<2x128xi32, #tpu.memory_space<vmem>> -> memref<1x128xi32, #tpu.memory_space<vmem>>
        %dma_wait3A_597 = tpu.memref_squeeze %dma_wait3A_596 : memref<1x128xi32, #tpu.memory_space<vmem>> -> memref<128xi32, #tpu.memory_space<vmem>>
        %dma_wait3A_598 = arith.constant 0 : i32
        %dma_wait3A_599 = tpu.memref_slice %arg21[%dma_wait3A_598] : memref<10240xf32, #tpu.memory_space<vmem_shared>> -> memref<10240xf32, #tpu.memory_space<vmem_shared>>
        tpu.wait_indirect_dma semaphore(%arg23 : memref<!tpu.dma_semaphore, #tpu.memory_space<semaphore_mem>>) src(%arg19 : memref<128xf32, #tpu.memory_space<vmem>>) dst(%dma_wait3A_599 : memref<10240xf32, #tpu.memory_space<vmem_shared>>)
        %dma_wait3A_600 = arith.constant 0 : i32
        %dma_wait3A_601 = arith.constant 0 : i32
        %dma_wait3A_602 = tpu.memref_slice %arg7[%dma_wait3A_600, %dma_wait3A_601] : memref<2x128xi32, #tpu.memory_space<vmem>> -> memref<1x128xi32, #tpu.memory_space<vmem>>
        %dma_wait3A_603 = tpu.memref_squeeze %dma_wait3A_602 : memref<1x128xi32, #tpu.memory_space<vmem>> -> memref<128xi32, #tpu.memory_space<vmem>>
        %dma_wait3A_604 = arith.constant 0 : i32
        %dma_wait3A_605 = tpu.memref_slice %arg22[%dma_wait3A_604] : memref<10240xf32, #tpu.memory_space<vmem_shared>> -> memref<10240xf32, #tpu.memory_space<vmem_shared>>
        tpu.wait_indirect_dma semaphore(%arg25 : memref<!tpu.dma_semaphore, #tpu.memory_space<semaphore_mem>>) src(%arg17 : memref<128xf32, #tpu.memory_space<vmem>>) dst(%dma_wait3A_605 : memref<10240xf32, #tpu.memory_space<vmem_shared>>)
      } else {
      }
      %mul3A_374 = arith.constant 2 : i32
      %mul3A_375 = arith.muli %mul3A_374, %while3A_371 : i32
      %add3A_376 = arith.addi %select_n3A_8, %mul3A_375 : i32
      "tpu.region"() ({
        %run_scoped3A = tpu.sem_alloc : memref<!tpu.dma_semaphore, #tpu.memory_space<semaphore_mem>>
        %dma_start3A_587 = arith.constant 0 : i32
        %dma_start3A_588 = arith.constant 0 : i32
        %dma_start3A_589 = tpu.memref_slice %arg3[%add3A_376, %dma_start3A_587, %dma_start3A_588] : memref<2528x2x128xi32, #tpu.memory_space<hbm>> -> memref<1x2x128xi32, #tpu.memory_space<hbm>>
        %dma_start3A_590 = tpu.memref_squeeze %dma_start3A_589 : memref<1x2x128xi32, #tpu.memory_space<hbm>> -> memref<2x128xi32, #tpu.memory_space<hbm>>
        %dma_start3A_591 = arith.constant 0 : i32
        %dma_start3A_592 = arith.constant 0 : i32
        %dma_start3A_593 = tpu.memref_slice %arg3[%add3A_376, %dma_start3A_591, %dma_start3A_592] : memref<2528x2x128xi32, #tpu.memory_space<hbm>> -> memref<1x2x128xi32, #tpu.memory_space<hbm>>
        %dma_start3A_594 = tpu.memref_squeeze %dma_start3A_593 : memref<1x2x128xi32, #tpu.memory_space<hbm>> -> memref<2x128xi32, #tpu.memory_space<hbm>>
        tpu.enqueue_dma source(%dma_start3A_594 : memref<2x128xi32, #tpu.memory_space<hbm>>) target(%arg7 : memref<2x128xi32, #tpu.memory_space<vmem>>) target_semaphore(%run_scoped3A : memref<!tpu.dma_semaphore, #tpu.memory_space<semaphore_mem>>)
        %dma_wait3A_595 = arith.constant 0 : i32
        %dma_wait3A_596 = arith.constant 0 : i32
        %dma_wait3A_597 = tpu.memref_slice %arg3[%add3A_376, %dma_wait3A_595, %dma_wait3A_596] : memref<2528x2x128xi32, #tpu.memory_space<hbm>> -> memref<1x2x128xi32, #tpu.memory_space<hbm>>
        %dma_wait3A_598 = tpu.memref_squeeze %dma_wait3A_597 : memref<1x2x128xi32, #tpu.memory_space<hbm>> -> memref<2x128xi32, #tpu.memory_space<hbm>>
        %dma_wait3A_599 = arith.constant 0 : i32
        %dma_wait3A_600 = arith.constant 0 : i32
        %dma_wait3A_601 = tpu.memref_slice %arg3[%add3A_376, %dma_wait3A_599, %dma_wait3A_600] : memref<2528x2x128xi32, #tpu.memory_space<hbm>> -> memref<1x2x128xi32, #tpu.memory_space<hbm>>
        %dma_wait3A_602 = tpu.memref_squeeze %dma_wait3A_601 : memref<1x2x128xi32, #tpu.memory_space<hbm>> -> memref<2x128xi32, #tpu.memory_space<hbm>>
        tpu.wait_dma2 semaphore(%run_scoped3A : memref<!tpu.dma_semaphore, #tpu.memory_space<semaphore_mem>>) src(%dma_wait3A_602 : memref<2x128xi32, #tpu.memory_space<hbm>>) dst(%arg7 : memref<2x128xi32, #tpu.memory_space<vmem>>)
        tpu.yield
      }) : () -> ()
      %dma_start3A_377 = arith.constant 0 : i32
      %dma_start3A_378 = arith.constant 0 : i32
      %dma_start3A_379 = tpu.memref_slice %arg7[%dma_start3A_377, %dma_start3A_378] : memref<2x128xi32, #tpu.memory_space<vmem>> -> memref<1x128xi32, #tpu.memory_space<vmem>>
      %dma_start3A_380 = tpu.memref_squeeze %dma_start3A_379 : memref<1x128xi32, #tpu.memory_space<vmem>> -> memref<128xi32, #tpu.memory_space<vmem>>
      %dma_start3A_381 = arith.constant 0 : i32
      %dma_start3A_382 = arith.constant 0 : i32
      %dma_start3A_383 = tpu.memref_slice %arg2[%dma_start3A_381, %dma_start3A_382] : memref<10000x128xf32, #tpu.memory_space<hbm>> -> memref<10000x128xf32, #tpu.memory_space<hbm>>
      tpu.enqueue_indirect_dma source(%dma_start3A_383 : memref<10000x128xf32, #tpu.memory_space<hbm>>) target(%arg9 : memref<128x128xf32, #tpu.memory_space<vmem>>) offsets(%dma_start3A_380 : memref<128xi32, #tpu.memory_space<vmem>>) semaphore(%arg13 : memref<!tpu.dma_semaphore, #tpu.memory_space<semaphore_mem>>)
      %ge3A_384 = arith.constant 1 : i32
      %ge3A_385 = arith.cmpi sge, %while3A_371, %ge3A_384 : i32
      %convert_element_type3A_386 = arith.extui %ge3A_385 : i1 to i32
      %cond3A_387 = arith.constant 0 : i32
      %cond3A_388 = arith.cmpi ne, %convert_element_type3A_386, %cond3A_387 : i32
      scf.if %cond3A_388 {
        %dma_wait3A_587 = arith.constant 0 : i32
        %dma_wait3A_588 = arith.constant 0 : i32
        %dma_wait3A_589 = tpu.memref_slice %arg8[%dma_wait3A_587, %dma_wait3A_588] : memref<2x128xi32, #tpu.memory_space<vmem>> -> memref<1x128xi32, #tpu.memory_space<vmem>>
        %dma_wait3A_590 = tpu.memref_squeeze %dma_wait3A_589 : memref<1x128xi32, #tpu.memory_space<vmem>> -> memref<128xi32, #tpu.memory_space<vmem>>
        %dma_wait3A_591 = arith.constant 0 : i32
        %dma_wait3A_592 = arith.constant 0 : i32
        %dma_wait3A_593 = tpu.memref_slice %arg2[%dma_wait3A_591, %dma_wait3A_592] : memref<10000x128xf32, #tpu.memory_space<hbm>> -> memref<10000x128xf32, #tpu.memory_space<hbm>>
        tpu.wait_indirect_dma semaphore(%arg14 : memref<!tpu.dma_semaphore, #tpu.memory_space<semaphore_mem>>) src(%dma_wait3A_593 : memref<10000x128xf32, #tpu.memory_space<hbm>>) dst(%arg10 : memref<128x128xf32, #tpu.memory_space<vmem>>)
        %dma_start3A_594 = arith.constant 1 : i32
        %dma_start3A_595 = arith.constant 0 : i32
        %dma_start3A_596 = tpu.memref_slice %arg8[%dma_start3A_594, %dma_start3A_595] : memref<2x128xi32, #tpu.memory_space<vmem>> -> memref<1x128xi32, #tpu.memory_space<vmem>>
        %dma_start3A_597 = tpu.memref_squeeze %dma_start3A_596 : memref<1x128xi32, #tpu.memory_space<vmem>> -> memref<128xi32, #tpu.memory_space<vmem>>
        %dma_start3A_598 = arith.constant 0 : i32
        %dma_start3A_599 = arith.constant 0 : i32
        %dma_start3A_600 = tpu.memref_slice %arg12[%dma_start3A_598, %dma_start3A_599] : memref<10240x128xf32, #tpu.memory_space<vmem_shared>> -> memref<10240x128xf32, #tpu.memory_space<vmem_shared>>
        tpu.enqueue_indirect_dma source(%arg10 : memref<128x128xf32, #tpu.memory_space<vmem>>) target(%dma_start3A_600 : memref<10240x128xf32, #tpu.memory_space<vmem_shared>>) offsets(%dma_start3A_597 : memref<128xi32, #tpu.memory_space<vmem>>) semaphore(%arg16 : memref<!tpu.dma_semaphore, #tpu.memory_space<semaphore_mem>>) {add = true}
        %dma_start3A_601 = arith.constant 1 : i32
        %dma_start3A_602 = arith.constant 0 : i32
        %dma_start3A_603 = tpu.memref_slice %arg8[%dma_start3A_601, %dma_start3A_602] : memref<2x128xi32, #tpu.memory_space<vmem>> -> memref<1x128xi32, #tpu.memory_space<vmem>>
        %dma_start3A_604 = tpu.memref_squeeze %dma_start3A_603 : memref<1x128xi32, #tpu.memory_space<vmem>> -> memref<128xi32, #tpu.memory_space<vmem>>
        %dma_start3A_605 = arith.constant 0 : i32
        %dma_start3A_606 = tpu.memref_slice %arg21[%dma_start3A_605] : memref<10240xf32, #tpu.memory_space<vmem_shared>> -> memref<10240xf32, #tpu.memory_space<vmem_shared>>
        tpu.enqueue_indirect_dma source(%arg19 : memref<128xf32, #tpu.memory_space<vmem>>) target(%dma_start3A_606 : memref<10240xf32, #tpu.memory_space<vmem_shared>>) offsets(%dma_start3A_604 : memref<128xi32, #tpu.memory_space<vmem>>) semaphore(%arg24 : memref<!tpu.dma_semaphore, #tpu.memory_space<semaphore_mem>>) {add = true}
        %get3A_607 = arith.constant 0 : i32
        %get3A_608 = arith.index_cast %get3A_607 : i32 to index
        %get3A_609 = arith.constant 0 : index
        %get3A_610 = tpu.vector_load %arg8[%get3A_608, %get3A_609] {strides = array<i32>} : memref<2x128xi32, #tpu.memory_space<vmem>>, vector<1x16xi32>,
        %get3A_611 = vector.shape_cast %get3A_610 : vector<1x16xi32> to vector<16xi32>
        %get3A_612 = arith.constant 1 : i32
        %get3A_613 = arith.index_cast %get3A_612 : i32 to index
        %get3A_614 = arith.constant 0 : index
        %get3A_615 = tpu.vector_load %arg8[%get3A_613, %get3A_614] {strides = array<i32>} : memref<2x128xi32, #tpu.memory_space<vmem>>, vector<1x16xi32>,
        %get3A_616 = vector.shape_cast %get3A_615 : vector<1x16xi32> to vector<16xi32>
        %eq3A_617 = arith.cmpi eq, %get3A_611, %get3A_616 : vector<16xi32>
        %jit3A_618 = arith.constant 1.000000e+00 : f32
        %jit3A_619 = arith.constant 0.000000e+00 : f32
        %broadcast_in_dim3A_620 = vector.broadcast %jit3A_618 : f32 to vector<16xf32>
        %broadcast_in_dim3A_621 = vector.broadcast %jit3A_619 : f32 to vector<16xf32>
        %select_n3A_622 = arith.select %eq3A_617, %broadcast_in_dim3A_620, %broadcast_in_dim3A_621 : vector<16xi1>, vector<16xf32>
        %swap3A_623 = arith.constant 0 : index
        %swap3A_624 = tpu.vector_load %arg18[%swap3A_623] {strides = array<i32>} : memref<128xf32, #tpu.memory_space<vmem>>, vector<16xf32>,
        %swap3A_625 = vector.shape_cast %swap3A_624 : vector<16xf32> to vector<16xf32>
        %swap3A_626 = vector.shape_cast %select_n3A_622 : vector<16xf32> to vector<16xf32>
        tpu.vector_store %arg18[%swap3A_623], %swap3A_626 {strides = array<i32>} : memref<128xf32, #tpu.memory_space<vmem>>, vector<16xf32>,
        %get3A_627 = arith.constant 0 : i32
        %get3A_628 = arith.index_cast %get3A_627 : i32 to index
        %get3A_629 = arith.constant 16 : index
        %get3A_630 = tpu.vector_load %arg8[%get3A_628, %get3A_629] {strides = array<i32>} : memref<2x128xi32, #tpu.memory_space<vmem>>, vector<1x16xi32>,
        %get3A_631 = vector.shape_cast %get3A_630 : vector<1x16xi32> to vector<16xi32>
        %get3A_632 = arith.constant 1 : i32
        %get3A_633 = arith.index_cast %get3A_632 : i32 to index
        %get3A_634 = arith.constant 16 : index
        %get3A_635 = tpu.vector_load %arg8[%get3A_633, %get3A_634] {strides = array<i32>} : memref<2x128xi32, #tpu.memory_space<vmem>>, vector<1x16xi32>,
        %get3A_636 = vector.shape_cast %get3A_635 : vector<1x16xi32> to vector<16xi32>
        %eq3A_637 = arith.cmpi eq, %get3A_631, %get3A_636 : vector<16xi32>
        %jit3A_638 = arith.constant 1.000000e+00 : f32
        %jit3A_639 = arith.constant 0.000000e+00 : f32
        %broadcast_in_dim3A_640 = vector.broadcast %jit3A_638 : f32 to vector<16xf32>
        %broadcast_in_dim3A_641 = vector.broadcast %jit3A_639 : f32 to vector<16xf32>
        %select_n3A_642 = arith.select %eq3A_637, %broadcast_in_dim3A_640, %broadcast_in_dim3A_641 : vector<16xi1>, vector<16xf32>
        %swap3A_643 = arith.constant 16 : index
        %swap3A_644 = tpu.vector_load %arg18[%swap3A_643] {strides = array<i32>} : memref<128xf32, #tpu.memory_space<vmem>>, vector<16xf32>,
        %swap3A_645 = vector.shape_cast %swap3A_644 : vector<16xf32> to vector<16xf32>
        %swap3A_646 = vector.shape_cast %select_n3A_642 : vector<16xf32> to vector<16xf32>
        tpu.vector_store %arg18[%swap3A_643], %swap3A_646 {strides = array<i32>} : memref<128xf32, #tpu.memory_space<vmem>>, vector<16xf32>,
        %get3A_647 = arith.constant 0 : i32
        %get3A_648 = arith.index_cast %get3A_647 : i32 to index
        %get3A_649 = arith.constant 32 : index
        %get3A_650 = tpu.vector_load %arg8[%get3A_648, %get3A_649] {strides = array<i32>} : memref<2x128xi32, #tpu.memory_space<vmem>>, vector<1x16xi32>,
        %get3A_651 = vector.shape_cast %get3A_650 : vector<1x16xi32> to vector<16xi32>
        %get3A_652 = arith.constant 1 : i32
        %get3A_653 = arith.index_cast %get3A_652 : i32 to index
        %get3A_654 = arith.constant 32 : index
        %get3A_655 = tpu.vector_load %arg8[%get3A_653, %get3A_654] {strides = array<i32>} : memref<2x128xi32, #tpu.memory_space<vmem>>, vector<1x16xi32>,
        %get3A_656 = vector.shape_cast %get3A_655 : vector<1x16xi32> to vector<16xi32>
        %eq3A_657 = arith.cmpi eq, %get3A_651, %get3A_656 : vector<16xi32>
        %jit3A_658 = arith.constant 1.000000e+00 : f32
        %jit3A_659 = arith.constant 0.000000e+00 : f32
        %broadcast_in_dim3A_660 = vector.broadcast %jit3A_658 : f32 to vector<16xf32>
        %broadcast_in_dim3A_661 = vector.broadcast %jit3A_659 : f32 to vector<16xf32>
        %select_n3A_662 = arith.select %eq3A_657, %broadcast_in_dim3A_660, %broadcast_in_dim3A_661 : vector<16xi1>, vector<16xf32>
        %swap3A_663 = arith.constant 32 : index
        %swap3A_664 = tpu.vector_load %arg18[%swap3A_663] {strides = array<i32>} : memref<128xf32, #tpu.memory_space<vmem>>, vector<16xf32>,
        %swap3A_665 = vector.shape_cast %swap3A_664 : vector<16xf32> to vector<16xf32>
        %swap3A_666 = vector.shape_cast %select_n3A_662 : vector<16xf32> to vector<16xf32>
        tpu.vector_store %arg18[%swap3A_663], %swap3A_666 {strides = array<i32>} : memref<128xf32, #tpu.memory_space<vmem>>, vector<16xf32>,
        %get3A_667 = arith.constant 0 : i32
        %get3A_668 = arith.index_cast %get3A_667 : i32 to index
        %get3A_669 = arith.constant 48 : index
        %get3A_670 = tpu.vector_load %arg8[%get3A_668, %get3A_669] {strides = array<i32>} : memref<2x128xi32, #tpu.memory_space<vmem>>, vector<1x16xi32>,
        %get3A_671 = vector.shape_cast %get3A_670 : vector<1x16xi32> to vector<16xi32>
        %get3A_672 = arith.constant 1 : i32
        %get3A_673 = arith.index_cast %get3A_672 : i32 to index
        %get3A_674 = arith.constant 48 : index
        %get3A_675 = tpu.vector_load %arg8[%get3A_673, %get3A_674] {strides = array<i32>} : memref<2x128xi32, #tpu.memory_space<vmem>>, vector<1x16xi32>,
        %get3A_676 = vector.shape_cast %get3A_675 : vector<1x16xi32> to vector<16xi32>
        %eq3A_677 = arith.cmpi eq, %get3A_671, %get3A_676 : vector<16xi32>
        %jit3A_678 = arith.constant 1.000000e+00 : f32
        %jit3A_679 = arith.constant 0.000000e+00 : f32
        %broadcast_in_dim3A_680 = vector.broadcast %jit3A_678 : f32 to vector<16xf32>
        %broadcast_in_dim3A_681 = vector.broadcast %jit3A_679 : f32 to vector<16xf32>
        %select_n3A_682 = arith.select %eq3A_677, %broadcast_in_dim3A_680, %broadcast_in_dim3A_681 : vector<16xi1>, vector<16xf32>
        %swap3A_683 = arith.constant 48 : index
        %swap3A_684 = tpu.vector_load %arg18[%swap3A_683] {strides = array<i32>} : memref<128xf32, #tpu.memory_space<vmem>>, vector<16xf32>,
        %swap3A_685 = vector.shape_cast %swap3A_684 : vector<16xf32> to vector<16xf32>
        %swap3A_686 = vector.shape_cast %select_n3A_682 : vector<16xf32> to vector<16xf32>
        tpu.vector_store %arg18[%swap3A_683], %swap3A_686 {strides = array<i32>} : memref<128xf32, #tpu.memory_space<vmem>>, vector<16xf32>,
        %get3A_687 = arith.constant 0 : i32
        %get3A_688 = arith.index_cast %get3A_687 : i32 to index
        %get3A_689 = arith.constant 64 : index
        %get3A_690 = tpu.vector_load %arg8[%get3A_688, %get3A_689] {strides = array<i32>} : memref<2x128xi32, #tpu.memory_space<vmem>>, vector<1x16xi32>,
        %get3A_691 = vector.shape_cast %get3A_690 : vector<1x16xi32> to vector<16xi32>
        %get3A_692 = arith.constant 1 : i32
        %get3A_693 = arith.index_cast %get3A_692 : i32 to index
        %get3A_694 = arith.constant 64 : index
        %get3A_695 = tpu.vector_load %arg8[%get3A_693, %get3A_694] {strides = array<i32>} : memref<2x128xi32, #tpu.memory_space<vmem>>, vector<1x16xi32>,
        %get3A_696 = vector.shape_cast %get3A_695 : vector<1x16xi32> to vector<16xi32>
        %eq3A_697 = arith.cmpi eq, %get3A_691, %get3A_696 : vector<16xi32>
        %jit3A_698 = arith.constant 1.000000e+00 : f32
        %jit3A_699 = arith.constant 0.000000e+00 : f32
        %broadcast_in_dim3A_700 = vector.broadcast %jit3A_698 : f32 to vector<16xf32>
        %broadcast_in_dim3A_701 = vector.broadcast %jit3A_699 : f32 to vector<16xf32>
        %select_n3A_702 = arith.select %eq3A_697, %broadcast_in_dim3A_700, %broadcast_in_dim3A_701 : vector<16xi1>, vector<16xf32>
        %swap3A_703 = arith.constant 64 : index
        %swap3A_704 = tpu.vector_load %arg18[%swap3A_703] {strides = array<i32>} : memref<128xf32, #tpu.memory_space<vmem>>, vector<16xf32>,
        %swap3A_705 = vector.shape_cast %swap3A_704 : vector<16xf32> to vector<16xf32>
        %swap3A_706 = vector.shape_cast %select_n3A_702 : vector<16xf32> to vector<16xf32>
        tpu.vector_store %arg18[%swap3A_703], %swap3A_706 {strides = array<i32>} : memref<128xf32, #tpu.memory_space<vmem>>, vector<16xf32>,
        %get3A_707 = arith.constant 0 : i32
        %get3A_708 = arith.index_cast %get3A_707 : i32 to index
        %get3A_709 = arith.constant 80 : index
        %get3A_710 = tpu.vector_load %arg8[%get3A_708, %get3A_709] {strides = array<i32>} : memref<2x128xi32, #tpu.memory_space<vmem>>, vector<1x16xi32>,
        %get3A_711 = vector.shape_cast %get3A_710 : vector<1x16xi32> to vector<16xi32>
        %get3A_712 = arith.constant 1 : i32
        %get3A_713 = arith.index_cast %get3A_712 : i32 to index
        %get3A_714 = arith.constant 80 : index
        %get3A_715 = tpu.vector_load %arg8[%get3A_713, %get3A_714] {strides = array<i32>} : memref<2x128xi32, #tpu.memory_space<vmem>>, vector<1x16xi32>,
        %get3A_716 = vector.shape_cast %get3A_715 : vector<1x16xi32> to vector<16xi32>
        %eq3A_717 = arith.cmpi eq, %get3A_711, %get3A_716 : vector<16xi32>
        %jit3A_718 = arith.constant 1.000000e+00 : f32
        %jit3A_719 = arith.constant 0.000000e+00 : f32
        %broadcast_in_dim3A_720 = vector.broadcast %jit3A_718 : f32 to vector<16xf32>
        %broadcast_in_dim3A_721 = vector.broadcast %jit3A_719 : f32 to vector<16xf32>
        %select_n3A_722 = arith.select %eq3A_717, %broadcast_in_dim3A_720, %broadcast_in_dim3A_721 : vector<16xi1>, vector<16xf32>
        %swap3A_723 = arith.constant 80 : index
        %swap3A_724 = tpu.vector_load %arg18[%swap3A_723] {strides = array<i32>} : memref<128xf32, #tpu.memory_space<vmem>>, vector<16xf32>,
        %swap3A_725 = vector.shape_cast %swap3A_724 : vector<16xf32> to vector<16xf32>
        %swap3A_726 = vector.shape_cast %select_n3A_722 : vector<16xf32> to vector<16xf32>
        tpu.vector_store %arg18[%swap3A_723], %swap3A_726 {strides = array<i32>} : memref<128xf32, #tpu.memory_space<vmem>>, vector<16xf32>,
        %get3A_727 = arith.constant 0 : i32
        %get3A_728 = arith.index_cast %get3A_727 : i32 to index
        %get3A_729 = arith.constant 96 : index
        %get3A_730 = tpu.vector_load %arg8[%get3A_728, %get3A_729] {strides = array<i32>} : memref<2x128xi32, #tpu.memory_space<vmem>>, vector<1x16xi32>,
        %get3A_731 = vector.shape_cast %get3A_730 : vector<1x16xi32> to vector<16xi32>
        %get3A_732 = arith.constant 1 : i32
        %get3A_733 = arith.index_cast %get3A_732 : i32 to index
        %get3A_734 = arith.constant 96 : index
        %get3A_735 = tpu.vector_load %arg8[%get3A_733, %get3A_734] {strides = array<i32>} : memref<2x128xi32, #tpu.memory_space<vmem>>, vector<1x16xi32>,
        %get3A_736 = vector.shape_cast %get3A_735 : vector<1x16xi32> to vector<16xi32>
        %eq3A_737 = arith.cmpi eq, %get3A_731, %get3A_736 : vector<16xi32>
        %jit3A_738 = arith.constant 1.000000e+00 : f32
        %jit3A_739 = arith.constant 0.000000e+00 : f32
        %broadcast_in_dim3A_740 = vector.broadcast %jit3A_738 : f32 to vector<16xf32>
        %broadcast_in_dim3A_741 = vector.broadcast %jit3A_739 : f32 to vector<16xf32>
        %select_n3A_742 = arith.select %eq3A_737, %broadcast_in_dim3A_740, %broadcast_in_dim3A_741 : vector<16xi1>, vector<16xf32>
        %swap3A_743 = arith.constant 96 : index
        %swap3A_744 = tpu.vector_load %arg18[%swap3A_743] {strides = array<i32>} : memref<128xf32, #tpu.memory_space<vmem>>, vector<16xf32>,
        %swap3A_745 = vector.shape_cast %swap3A_744 : vector<16xf32> to vector<16xf32>
        %swap3A_746 = vector.shape_cast %select_n3A_742 : vector<16xf32> to vector<16xf32>
        tpu.vector_store %arg18[%swap3A_743], %swap3A_746 {strides = array<i32>} : memref<128xf32, #tpu.memory_space<vmem>>, vector<16xf32>,
        %get3A_747 = arith.constant 0 : i32
        %get3A_748 = arith.index_cast %get3A_747 : i32 to index
        %get3A_749 = arith.constant 112 : index
        %get3A_750 = tpu.vector_load %arg8[%get3A_748, %get3A_749] {strides = array<i32>} : memref<2x128xi32, #tpu.memory_space<vmem>>, vector<1x16xi32>,
        %get3A_751 = vector.shape_cast %get3A_750 : vector<1x16xi32> to vector<16xi32>
        %get3A_752 = arith.constant 1 : i32
        %get3A_753 = arith.index_cast %get3A_752 : i32 to index
        %get3A_754 = arith.constant 112 : index
        %get3A_755 = tpu.vector_load %arg8[%get3A_753, %get3A_754] {strides = array<i32>} : memref<2x128xi32, #tpu.memory_space<vmem>>, vector<1x16xi32>,
        %get3A_756 = vector.shape_cast %get3A_755 : vector<1x16xi32> to vector<16xi32>
        %eq3A_757 = arith.cmpi eq, %get3A_751, %get3A_756 : vector<16xi32>
        %jit3A_758 = arith.constant 1.000000e+00 : f32
        %jit3A_759 = arith.constant 0.000000e+00 : f32
        %broadcast_in_dim3A_760 = vector.broadcast %jit3A_758 : f32 to vector<16xf32>
        %broadcast_in_dim3A_761 = vector.broadcast %jit3A_759 : f32 to vector<16xf32>
        %select_n3A_762 = arith.select %eq3A_757, %broadcast_in_dim3A_760, %broadcast_in_dim3A_761 : vector<16xi1>, vector<16xf32>
        %swap3A_763 = arith.constant 112 : index
        %swap3A_764 = tpu.vector_load %arg18[%swap3A_763] {strides = array<i32>} : memref<128xf32, #tpu.memory_space<vmem>>, vector<16xf32>,
        %swap3A_765 = vector.shape_cast %swap3A_764 : vector<16xf32> to vector<16xf32>
        %swap3A_766 = vector.shape_cast %select_n3A_762 : vector<16xf32> to vector<16xf32>
        tpu.vector_store %arg18[%swap3A_763], %swap3A_766 {strides = array<i32>} : memref<128xf32, #tpu.memory_space<vmem>>, vector<16xf32>,
        %dma_start3A_767 = arith.constant 0 : i32
        %dma_start3A_768 = arith.constant 0 : i32
        %dma_start3A_769 = tpu.memref_slice %arg8[%dma_start3A_767, %dma_start3A_768] : memref<2x128xi32, #tpu.memory_space<vmem>> -> memref<1x128xi32, #tpu.memory_space<vmem>>
        %dma_start3A_770 = tpu.memref_squeeze %dma_start3A_769 : memref<1x128xi32, #tpu.memory_space<vmem>> -> memref<128xi32, #tpu.memory_space<vmem>>
        %dma_start3A_771 = arith.constant 0 : i32
        %dma_start3A_772 = tpu.memref_slice %arg22[%dma_start3A_771] : memref<10240xf32, #tpu.memory_space<vmem_shared>> -> memref<10240xf32, #tpu.memory_space<vmem_shared>>
        tpu.enqueue_indirect_dma source(%arg18 : memref<128xf32, #tpu.memory_space<vmem>>) target(%dma_start3A_772 : memref<10240xf32, #tpu.memory_space<vmem_shared>>) offsets(%dma_start3A_770 : memref<128xi32, #tpu.memory_space<vmem>>) semaphore(%arg26 : memref<!tpu.dma_semaphore, #tpu.memory_space<semaphore_mem>>) {add = true}
        %dma_wait3A_773 = arith.constant 1 : i32
        %dma_wait3A_774 = arith.constant 0 : i32
        %dma_wait3A_775 = tpu.memref_slice %arg8[%dma_wait3A_773, %dma_wait3A_774] : memref<2x128xi32, #tpu.memory_space<vmem>> -> memref<1x128xi32, #tpu.memory_space<vmem>>
        %dma_wait3A_776 = tpu.memref_squeeze %dma_wait3A_775 : memref<1x128xi32, #tpu.memory_space<vmem>> -> memref<128xi32, #tpu.memory_space<vmem>>
        %dma_wait3A_777 = arith.constant 0 : i32
        %dma_wait3A_778 = arith.constant 0 : i32
        %dma_wait3A_779 = tpu.memref_slice %arg12[%dma_wait3A_777, %dma_wait3A_778] : memref<10240x128xf32, #tpu.memory_space<vmem_shared>> -> memref<10240x128xf32, #tpu.memory_space<vmem_shared>>
        tpu.wait_indirect_dma semaphore(%arg16 : memref<!tpu.dma_semaphore, #tpu.memory_space<semaphore_mem>>) src(%arg10 : memref<128x128xf32, #tpu.memory_space<vmem>>) dst(%dma_wait3A_779 : memref<10240x128xf32, #tpu.memory_space<vmem_shared>>)
        %dma_wait3A_780 = arith.constant 1 : i32
        %dma_wait3A_781 = arith.constant 0 : i32
        %dma_wait3A_782 = tpu.memref_slice %arg8[%dma_wait3A_780, %dma_wait3A_781] : memref<2x128xi32, #tpu.memory_space<vmem>> -> memref<1x128xi32, #tpu.memory_space<vmem>>
        %dma_wait3A_783 = tpu.memref_squeeze %dma_wait3A_782 : memref<1x128xi32, #tpu.memory_space<vmem>> -> memref<128xi32, #tpu.memory_space<vmem>>
        %dma_wait3A_784 = arith.constant 0 : i32
        %dma_wait3A_785 = tpu.memref_slice %arg21[%dma_wait3A_784] : memref<10240xf32, #tpu.memory_space<vmem_shared>> -> memref<10240xf32, #tpu.memory_space<vmem_shared>>
        tpu.wait_indirect_dma semaphore(%arg24 : memref<!tpu.dma_semaphore, #tpu.memory_space<semaphore_mem>>) src(%arg19 : memref<128xf32, #tpu.memory_space<vmem>>) dst(%dma_wait3A_785 : memref<10240xf32, #tpu.memory_space<vmem_shared>>)
        %dma_wait3A_786 = arith.constant 0 : i32
        %dma_wait3A_787 = arith.constant 0 : i32
        %dma_wait3A_788 = tpu.memref_slice %arg8[%dma_wait3A_786, %dma_wait3A_787] : memref<2x128xi32, #tpu.memory_space<vmem>> -> memref<1x128xi32, #tpu.memory_space<vmem>>
        %dma_wait3A_789 = tpu.memref_squeeze %dma_wait3A_788 : memref<1x128xi32, #tpu.memory_space<vmem>> -> memref<128xi32, #tpu.memory_space<vmem>>
        %dma_wait3A_790 = arith.constant 0 : i32
        %dma_wait3A_791 = tpu.memref_slice %arg22[%dma_wait3A_790] : memref<10240xf32, #tpu.memory_space<vmem_shared>> -> memref<10240xf32, #tpu.memory_space<vmem_shared>>
        tpu.wait_indirect_dma semaphore(%arg26 : memref<!tpu.dma_semaphore, #tpu.memory_space<semaphore_mem>>) src(%arg18 : memref<128xf32, #tpu.memory_space<vmem>>) dst(%dma_wait3A_791 : memref<10240xf32, #tpu.memory_space<vmem_shared>>)
      } else {
      }
      %mul3A_389 = arith.constant 2 : i32
      %mul3A_390 = arith.muli %mul3A_389, %while3A_371 : i32
      %add3A_391 = arith.constant 1 : i32
      %add3A_392 = arith.addi %mul3A_390, %add3A_391 : i32
      %add3A_393 = arith.addi %select_n3A_8, %add3A_392 : i32
      "tpu.region"() ({
        %run_scoped3A = tpu.sem_alloc : memref<!tpu.dma_semaphore, #tpu.memory_space<semaphore_mem>>
        %dma_start3A_587 = arith.constant 0 : i32
        %dma_start3A_588 = arith.constant 0 : i32
        %dma_start3A_589 = tpu.memref_slice %arg3[%add3A_393, %dma_start3A_587, %dma_start3A_588] : memref<2528x2x128xi32, #tpu.memory_space<hbm>> -> memref<1x2x128xi32, #tpu.memory_space<hbm>>
        %dma_start3A_590 = tpu.memref_squeeze %dma_start3A_589 : memref<1x2x128xi32, #tpu.memory_space<hbm>> -> memref<2x128xi32, #tpu.memory_space<hbm>>
        %dma_start3A_591 = arith.constant 0 : i32
        %dma_start3A_592 = arith.constant 0 : i32
        %dma_start3A_593 = tpu.memref_slice %arg3[%add3A_393, %dma_start3A_591, %dma_start3A_592] : memref<2528x2x128xi32, #tpu.memory_space<hbm>> -> memref<1x2x128xi32, #tpu.memory_space<hbm>>
        %dma_start3A_594 = tpu.memref_squeeze %dma_start3A_593 : memref<1x2x128xi32, #tpu.memory_space<hbm>> -> memref<2x128xi32, #tpu.memory_space<hbm>>
        tpu.enqueue_dma source(%dma_start3A_594 : memref<2x128xi32, #tpu.memory_space<hbm>>) target(%arg8 : memref<2x128xi32, #tpu.memory_space<vmem>>) target_semaphore(%run_scoped3A : memref<!tpu.dma_semaphore, #tpu.memory_space<semaphore_mem>>)
        %dma_wait3A_595 = arith.constant 0 : i32
        %dma_wait3A_596 = arith.constant 0 : i32
        %dma_wait3A_597 = tpu.memref_slice %arg3[%add3A_393, %dma_wait3A_595, %dma_wait3A_596] : memref<2528x2x128xi32, #tpu.memory_space<hbm>> -> memref<1x2x128xi32, #tpu.memory_space<hbm>>
        %dma_wait3A_598 = tpu.memref_squeeze %dma_wait3A_597 : memref<1x2x128xi32, #tpu.memory_space<hbm>> -> memref<2x128xi32, #tpu.memory_space<hbm>>
        %dma_wait3A_599 = arith.constant 0 : i32
        %dma_wait3A_600 = arith.constant 0 : i32
        %dma_wait3A_601 = tpu.memref_slice %arg3[%add3A_393, %dma_wait3A_599, %dma_wait3A_600] : memref<2528x2x128xi32, #tpu.memory_space<hbm>> -> memref<1x2x128xi32, #tpu.memory_space<hbm>>
        %dma_wait3A_602 = tpu.memref_squeeze %dma_wait3A_601 : memref<1x2x128xi32, #tpu.memory_space<hbm>> -> memref<2x128xi32, #tpu.memory_space<hbm>>
        tpu.wait_dma2 semaphore(%run_scoped3A : memref<!tpu.dma_semaphore, #tpu.memory_space<semaphore_mem>>) src(%dma_wait3A_602 : memref<2x128xi32, #tpu.memory_space<hbm>>) dst(%arg8 : memref<2x128xi32, #tpu.memory_space<vmem>>)
        tpu.yield
      }) : () -> ()
      %dma_start3A_394 = arith.constant 0 : i32
      %dma_start3A_395 = arith.constant 0 : i32
      %dma_start3A_396 = tpu.memref_slice %arg8[%dma_start3A_394, %dma_start3A_395] : memref<2x128xi32, #tpu.memory_space<vmem>> -> memref<1x128xi32, #tpu.memory_space<vmem>>
      %dma_start3A_397 = tpu.memref_squeeze %dma_start3A_396 : memref<1x128xi32, #tpu.memory_space<vmem>> -> memref<128xi32, #tpu.memory_space<vmem>>
      %dma_start3A_398 = arith.constant 0 : i32
      %dma_start3A_399 = arith.constant 0 : i32
      %dma_start3A_400 = tpu.memref_slice %arg2[%dma_start3A_398, %dma_start3A_399] : memref<10000x128xf32, #tpu.memory_space<hbm>> -> memref<10000x128xf32, #tpu.memory_space<hbm>>
      tpu.enqueue_indirect_dma source(%dma_start3A_400 : memref<10000x128xf32, #tpu.memory_space<hbm>>) target(%arg10 : memref<128x128xf32, #tpu.memory_space<vmem>>) offsets(%dma_start3A_397 : memref<128xi32, #tpu.memory_space<vmem>>) semaphore(%arg14 : memref<!tpu.dma_semaphore, #tpu.memory_space<semaphore_mem>>)
      %dma_wait3A_401 = arith.constant 0 : i32
      %dma_wait3A_402 = arith.constant 0 : i32
      %dma_wait3A_403 = tpu.memref_slice %arg7[%dma_wait3A_401, %dma_wait3A_402] : memref<2x128xi32, #tpu.memory_space<vmem>> -> memref<1x128xi32, #tpu.memory_space<vmem>>
      %dma_wait3A_404 = tpu.memref_squeeze %dma_wait3A_403 : memref<1x128xi32, #tpu.memory_space<vmem>> -> memref<128xi32, #tpu.memory_space<vmem>>
      %dma_wait3A_405 = arith.constant 0 : i32
      %dma_wait3A_406 = arith.constant 0 : i32
      %dma_wait3A_407 = tpu.memref_slice %arg2[%dma_wait3A_405, %dma_wait3A_406] : memref<10000x128xf32, #tpu.memory_space<hbm>> -> memref<10000x128xf32, #tpu.memory_space<hbm>>
      tpu.wait_indirect_dma semaphore(%arg13 : memref<!tpu.dma_semaphore, #tpu.memory_space<semaphore_mem>>) src(%dma_wait3A_407 : memref<10000x128xf32, #tpu.memory_space<hbm>>) dst(%arg9 : memref<128x128xf32, #tpu.memory_space<vmem>>)
      %dma_start3A_408 = arith.constant 1 : i32
      %dma_start3A_409 = arith.constant 0 : i32
      %dma_start3A_410 = tpu.memref_slice %arg7[%dma_start3A_408, %dma_start3A_409] : memref<2x128xi32, #tpu.memory_space<vmem>> -> memref<1x128xi32, #tpu.memory_space<vmem>>
      %dma_start3A_411 = tpu.memref_squeeze %dma_start3A_410 : memref<1x128xi32, #tpu.memory_space<vmem>> -> memref<128xi32, #tpu.memory_space<vmem>>
      %dma_start3A_412 = arith.constant 0 : i32
      %dma_start3A_413 = arith.constant 0 : i32
      %dma_start3A_414 = tpu.memref_slice %arg12[%dma_start3A_412, %dma_start3A_413] : memref<10240x128xf32, #tpu.memory_space<vmem_shared>> -> memref<10240x128xf32, #tpu.memory_space<vmem_shared>>
      tpu.enqueue_indirect_dma source(%arg9 : memref<128x128xf32, #tpu.memory_space<vmem>>) target(%dma_start3A_414 : memref<10240x128xf32, #tpu.memory_space<vmem_shared>>) offsets(%dma_start3A_411 : memref<128xi32, #tpu.memory_space<vmem>>) semaphore(%arg15 : memref<!tpu.dma_semaphore, #tpu.memory_space<semaphore_mem>>) {add = true}
      %dma_start3A_415 = arith.constant 1 : i32
      %dma_start3A_416 = arith.constant 0 : i32
      %dma_start3A_417 = tpu.memref_slice %arg7[%dma_start3A_415, %dma_start3A_416] : memref<2x128xi32, #tpu.memory_space<vmem>> -> memref<1x128xi32, #tpu.memory_space<vmem>>
      %dma_start3A_418 = tpu.memref_squeeze %dma_start3A_417 : memref<1x128xi32, #tpu.memory_space<vmem>> -> memref<128xi32, #tpu.memory_space<vmem>>
      %dma_start3A_419 = arith.constant 0 : i32
      %dma_start3A_420 = tpu.memref_slice %arg21[%dma_start3A_419] : memref<10240xf32, #tpu.memory_space<vmem_shared>> -> memref<10240xf32, #tpu.memory_space<vmem_shared>>
      tpu.enqueue_indirect_dma source(%arg19 : memref<128xf32, #tpu.memory_space<vmem>>) target(%dma_start3A_420 : memref<10240xf32, #tpu.memory_space<vmem_shared>>) offsets(%dma_start3A_418 : memref<128xi32, #tpu.memory_space<vmem>>) semaphore(%arg23 : memref<!tpu.dma_semaphore, #tpu.memory_space<semaphore_mem>>) {add = true}
      %get3A_421 = arith.constant 0 : i32
      %get3A_422 = arith.index_cast %get3A_421 : i32 to index
      %get3A_423 = arith.constant 0 : index
      %get3A_424 = tpu.vector_load %arg7[%get3A_422, %get3A_423] {strides = array<i32>} : memref<2x128xi32, #tpu.memory_space<vmem>>, vector<1x16xi32>,
      %get3A_425 = vector.shape_cast %get3A_424 : vector<1x16xi32> to vector<16xi32>
      %get3A_426 = arith.constant 1 : i32
      %get3A_427 = arith.index_cast %get3A_426 : i32 to index
      %get3A_428 = arith.constant 0 : index
      %get3A_429 = tpu.vector_load %arg7[%get3A_427, %get3A_428] {strides = array<i32>} : memref<2x128xi32, #tpu.memory_space<vmem>>, vector<1x16xi32>,
      %get3A_430 = vector.shape_cast %get3A_429 : vector<1x16xi32> to vector<16xi32>
      %eq3A_431 = arith.cmpi eq, %get3A_425, %get3A_430 : vector<16xi32>
      %jit3A_432 = arith.constant 1.000000e+00 : f32
      %jit3A_433 = arith.constant 0.000000e+00 : f32
      %broadcast_in_dim3A_434 = vector.broadcast %jit3A_432 : f32 to vector<16xf32>
      %broadcast_in_dim3A_435 = vector.broadcast %jit3A_433 : f32 to vector<16xf32>
      %select_n3A_436 = arith.select %eq3A_431, %broadcast_in_dim3A_434, %broadcast_in_dim3A_435 : vector<16xi1>, vector<16xf32>
      %swap3A_437 = arith.constant 0 : index
      %swap3A_438 = tpu.vector_load %arg17[%swap3A_437] {strides = array<i32>} : memref<128xf32, #tpu.memory_space<vmem>>, vector<16xf32>,
      %swap3A_439 = vector.shape_cast %swap3A_438 : vector<16xf32> to vector<16xf32>
      %swap3A_440 = vector.shape_cast %select_n3A_436 : vector<16xf32> to vector<16xf32>
      tpu.vector_store %arg17[%swap3A_437], %swap3A_440 {strides = array<i32>} : memref<128xf32, #tpu.memory_space<vmem>>, vector<16xf32>,
      %get3A_441 = arith.constant 0 : i32
      %get3A_442 = arith.index_cast %get3A_441 : i32 to index
      %get3A_443 = arith.constant 16 : index
      %get3A_444 = tpu.vector_load %arg7[%get3A_442, %get3A_443] {strides = array<i32>} : memref<2x128xi32, #tpu.memory_space<vmem>>, vector<1x16xi32>,
      %get3A_445 = vector.shape_cast %get3A_444 : vector<1x16xi32> to vector<16xi32>
      %get3A_446 = arith.constant 1 : i32
      %get3A_447 = arith.index_cast %get3A_446 : i32 to index
      %get3A_448 = arith.constant 16 : index
      %get3A_449 = tpu.vector_load %arg7[%get3A_447, %get3A_448] {strides = array<i32>} : memref<2x128xi32, #tpu.memory_space<vmem>>, vector<1x16xi32>,
      %get3A_450 = vector.shape_cast %get3A_449 : vector<1x16xi32> to vector<16xi32>
      %eq3A_451 = arith.cmpi eq, %get3A_445, %get3A_450 : vector<16xi32>
      %jit3A_452 = arith.constant 1.000000e+00 : f32
      %jit3A_453 = arith.constant 0.000000e+00 : f32
      %broadcast_in_dim3A_454 = vector.broadcast %jit3A_452 : f32 to vector<16xf32>
      %broadcast_in_dim3A_455 = vector.broadcast %jit3A_453 : f32 to vector<16xf32>
      %select_n3A_456 = arith.select %eq3A_451, %broadcast_in_dim3A_454, %broadcast_in_dim3A_455 : vector<16xi1>, vector<16xf32>
      %swap3A_457 = arith.constant 16 : index
      %swap3A_458 = tpu.vector_load %arg17[%swap3A_457] {strides = array<i32>} : memref<128xf32, #tpu.memory_space<vmem>>, vector<16xf32>,
      %swap3A_459 = vector.shape_cast %swap3A_458 : vector<16xf32> to vector<16xf32>
      %swap3A_460 = vector.shape_cast %select_n3A_456 : vector<16xf32> to vector<16xf32>
      tpu.vector_store %arg17[%swap3A_457], %swap3A_460 {strides = array<i32>} : memref<128xf32, #tpu.memory_space<vmem>>, vector<16xf32>,
      %get3A_461 = arith.constant 0 : i32
      %get3A_462 = arith.index_cast %get3A_461 : i32 to index
      %get3A_463 = arith.constant 32 : index
      %get3A_464 = tpu.vector_load %arg7[%get3A_462, %get3A_463] {strides = array<i32>} : memref<2x128xi32, #tpu.memory_space<vmem>>, vector<1x16xi32>,
      %get3A_465 = vector.shape_cast %get3A_464 : vector<1x16xi32> to vector<16xi32>
      %get3A_466 = arith.constant 1 : i32
      %get3A_467 = arith.index_cast %get3A_466 : i32 to index
      %get3A_468 = arith.constant 32 : index
      %get3A_469 = tpu.vector_load %arg7[%get3A_467, %get3A_468] {strides = array<i32>} : memref<2x128xi32, #tpu.memory_space<vmem>>, vector<1x16xi32>,
      %get3A_470 = vector.shape_cast %get3A_469 : vector<1x16xi32> to vector<16xi32>
      %eq3A_471 = arith.cmpi eq, %get3A_465, %get3A_470 : vector<16xi32>
      %jit3A_472 = arith.constant 1.000000e+00 : f32
      %jit3A_473 = arith.constant 0.000000e+00 : f32
      %broadcast_in_dim3A_474 = vector.broadcast %jit3A_472 : f32 to vector<16xf32>
      %broadcast_in_dim3A_475 = vector.broadcast %jit3A_473 : f32 to vector<16xf32>
      %select_n3A_476 = arith.select %eq3A_471, %broadcast_in_dim3A_474, %broadcast_in_dim3A_475 : vector<16xi1>, vector<16xf32>
      %swap3A_477 = arith.constant 32 : index
      %swap3A_478 = tpu.vector_load %arg17[%swap3A_477] {strides = array<i32>} : memref<128xf32, #tpu.memory_space<vmem>>, vector<16xf32>,
      %swap3A_479 = vector.shape_cast %swap3A_478 : vector<16xf32> to vector<16xf32>
      %swap3A_480 = vector.shape_cast %select_n3A_476 : vector<16xf32> to vector<16xf32>
      tpu.vector_store %arg17[%swap3A_477], %swap3A_480 {strides = array<i32>} : memref<128xf32, #tpu.memory_space<vmem>>, vector<16xf32>,
      %get3A_481 = arith.constant 0 : i32
      %get3A_482 = arith.index_cast %get3A_481 : i32 to index
      %get3A_483 = arith.constant 48 : index
      %get3A_484 = tpu.vector_load %arg7[%get3A_482, %get3A_483] {strides = array<i32>} : memref<2x128xi32, #tpu.memory_space<vmem>>, vector<1x16xi32>,
      %get3A_485 = vector.shape_cast %get3A_484 : vector<1x16xi32> to vector<16xi32>
      %get3A_486 = arith.constant 1 : i32
      %get3A_487 = arith.index_cast %get3A_486 : i32 to index
      %get3A_488 = arith.constant 48 : index
      %get3A_489 = tpu.vector_load %arg7[%get3A_487, %get3A_488] {strides = array<i32>} : memref<2x128xi32, #tpu.memory_space<vmem>>, vector<1x16xi32>,
      %get3A_490 = vector.shape_cast %get3A_489 : vector<1x16xi32> to vector<16xi32>
      %eq3A_491 = arith.cmpi eq, %get3A_485, %get3A_490 : vector<16xi32>
      %jit3A_492 = arith.constant 1.000000e+00 : f32
      %jit3A_493 = arith.constant 0.000000e+00 : f32
      %broadcast_in_dim3A_494 = vector.broadcast %jit3A_492 : f32 to vector<16xf32>
      %broadcast_in_dim3A_495 = vector.broadcast %jit3A_493 : f32 to vector<16xf32>
      %select_n3A_496 = arith.select %eq3A_491, %broadcast_in_dim3A_494, %broadcast_in_dim3A_495 : vector<16xi1>, vector<16xf32>
      %swap3A_497 = arith.constant 48 : index
      %swap3A_498 = tpu.vector_load %arg17[%swap3A_497] {strides = array<i32>} : memref<128xf32, #tpu.memory_space<vmem>>, vector<16xf32>,
      %swap3A_499 = vector.shape_cast %swap3A_498 : vector<16xf32> to vector<16xf32>
      %swap3A_500 = vector.shape_cast %select_n3A_496 : vector<16xf32> to vector<16xf32>
      tpu.vector_store %arg17[%swap3A_497], %swap3A_500 {strides = array<i32>} : memref<128xf32, #tpu.memory_space<vmem>>, vector<16xf32>,
      %get3A_501 = arith.constant 0 : i32
      %get3A_502 = arith.index_cast %get3A_501 : i32 to index
      %get3A_503 = arith.constant 64 : index
      %get3A_504 = tpu.vector_load %arg7[%get3A_502, %get3A_503] {strides = array<i32>} : memref<2x128xi32, #tpu.memory_space<vmem>>, vector<1x16xi32>,
      %get3A_505 = vector.shape_cast %get3A_504 : vector<1x16xi32> to vector<16xi32>
      %get3A_506 = arith.constant 1 : i32
      %get3A_507 = arith.index_cast %get3A_506 : i32 to index
      %get3A_508 = arith.constant 64 : index
      %get3A_509 = tpu.vector_load %arg7[%get3A_507, %get3A_508] {strides = array<i32>} : memref<2x128xi32, #tpu.memory_space<vmem>>, vector<1x16xi32>,
      %get3A_510 = vector.shape_cast %get3A_509 : vector<1x16xi32> to vector<16xi32>
      %eq3A_511 = arith.cmpi eq, %get3A_505, %get3A_510 : vector<16xi32>
      %jit3A_512 = arith.constant 1.000000e+00 : f32
      %jit3A_513 = arith.constant 0.000000e+00 : f32
      %broadcast_in_dim3A_514 = vector.broadcast %jit3A_512 : f32 to vector<16xf32>
      %broadcast_in_dim3A_515 = vector.broadcast %jit3A_513 : f32 to vector<16xf32>
      %select_n3A_516 = arith.select %eq3A_511, %broadcast_in_dim3A_514, %broadcast_in_dim3A_515 : vector<16xi1>, vector<16xf32>
      %swap3A_517 = arith.constant 64 : index
      %swap3A_518 = tpu.vector_load %arg17[%swap3A_517] {strides = array<i32>} : memref<128xf32, #tpu.memory_space<vmem>>, vector<16xf32>,
      %swap3A_519 = vector.shape_cast %swap3A_518 : vector<16xf32> to vector<16xf32>
      %swap3A_520 = vector.shape_cast %select_n3A_516 : vector<16xf32> to vector<16xf32>
      tpu.vector_store %arg17[%swap3A_517], %swap3A_520 {strides = array<i32>} : memref<128xf32, #tpu.memory_space<vmem>>, vector<16xf32>,
      %get3A_521 = arith.constant 0 : i32
      %get3A_522 = arith.index_cast %get3A_521 : i32 to index
      %get3A_523 = arith.constant 80 : index
      %get3A_524 = tpu.vector_load %arg7[%get3A_522, %get3A_523] {strides = array<i32>} : memref<2x128xi32, #tpu.memory_space<vmem>>, vector<1x16xi32>,
      %get3A_525 = vector.shape_cast %get3A_524 : vector<1x16xi32> to vector<16xi32>
      %get3A_526 = arith.constant 1 : i32
      %get3A_527 = arith.index_cast %get3A_526 : i32 to index
      %get3A_528 = arith.constant 80 : index
      %get3A_529 = tpu.vector_load %arg7[%get3A_527, %get3A_528] {strides = array<i32>} : memref<2x128xi32, #tpu.memory_space<vmem>>, vector<1x16xi32>,
      %get3A_530 = vector.shape_cast %get3A_529 : vector<1x16xi32> to vector<16xi32>
      %eq3A_531 = arith.cmpi eq, %get3A_525, %get3A_530 : vector<16xi32>
      %jit3A_532 = arith.constant 1.000000e+00 : f32
      %jit3A_533 = arith.constant 0.000000e+00 : f32
      %broadcast_in_dim3A_534 = vector.broadcast %jit3A_532 : f32 to vector<16xf32>
      %broadcast_in_dim3A_535 = vector.broadcast %jit3A_533 : f32 to vector<16xf32>
      %select_n3A_536 = arith.select %eq3A_531, %broadcast_in_dim3A_534, %broadcast_in_dim3A_535 : vector<16xi1>, vector<16xf32>
      %swap3A_537 = arith.constant 80 : index
      %swap3A_538 = tpu.vector_load %arg17[%swap3A_537] {strides = array<i32>} : memref<128xf32, #tpu.memory_space<vmem>>, vector<16xf32>,
      %swap3A_539 = vector.shape_cast %swap3A_538 : vector<16xf32> to vector<16xf32>
      %swap3A_540 = vector.shape_cast %select_n3A_536 : vector<16xf32> to vector<16xf32>
      tpu.vector_store %arg17[%swap3A_537], %swap3A_540 {strides = array<i32>} : memref<128xf32, #tpu.memory_space<vmem>>, vector<16xf32>,
      %get3A_541 = arith.constant 0 : i32
      %get3A_542 = arith.index_cast %get3A_541 : i32 to index
      %get3A_543 = arith.constant 96 : index
      %get3A_544 = tpu.vector_load %arg7[%get3A_542, %get3A_543] {strides = array<i32>} : memref<2x128xi32, #tpu.memory_space<vmem>>, vector<1x16xi32>,
      %get3A_545 = vector.shape_cast %get3A_544 : vector<1x16xi32> to vector<16xi32>
      %get3A_546 = arith.constant 1 : i32
      %get3A_547 = arith.index_cast %get3A_546 : i32 to index
      %get3A_548 = arith.constant 96 : index
      %get3A_549 = tpu.vector_load %arg7[%get3A_547, %get3A_548] {strides = array<i32>} : memref<2x128xi32, #tpu.memory_space<vmem>>, vector<1x16xi32>,
      %get3A_550 = vector.shape_cast %get3A_549 : vector<1x16xi32> to vector<16xi32>
      %eq3A_551 = arith.cmpi eq, %get3A_545, %get3A_550 : vector<16xi32>
      %jit3A_552 = arith.constant 1.000000e+00 : f32
      %jit3A_553 = arith.constant 0.000000e+00 : f32
      %broadcast_in_dim3A_554 = vector.broadcast %jit3A_552 : f32 to vector<16xf32>
      %broadcast_in_dim3A_555 = vector.broadcast %jit3A_553 : f32 to vector<16xf32>
      %select_n3A_556 = arith.select %eq3A_551, %broadcast_in_dim3A_554, %broadcast_in_dim3A_555 : vector<16xi1>, vector<16xf32>
      %swap3A_557 = arith.constant 96 : index
      %swap3A_558 = tpu.vector_load %arg17[%swap3A_557] {strides = array<i32>} : memref<128xf32, #tpu.memory_space<vmem>>, vector<16xf32>,
      %swap3A_559 = vector.shape_cast %swap3A_558 : vector<16xf32> to vector<16xf32>
      %swap3A_560 = vector.shape_cast %select_n3A_556 : vector<16xf32> to vector<16xf32>
      tpu.vector_store %arg17[%swap3A_557], %swap3A_560 {strides = array<i32>} : memref<128xf32, #tpu.memory_space<vmem>>, vector<16xf32>,
      %get3A_561 = arith.constant 0 : i32
      %get3A_562 = arith.index_cast %get3A_561 : i32 to index
      %get3A_563 = arith.constant 112 : index
      %get3A_564 = tpu.vector_load %arg7[%get3A_562, %get3A_563] {strides = array<i32>} : memref<2x128xi32, #tpu.memory_space<vmem>>, vector<1x16xi32>,
      %get3A_565 = vector.shape_cast %get3A_564 : vector<1x16xi32> to vector<16xi32>
      %get3A_566 = arith.constant 1 : i32
      %get3A_567 = arith.index_cast %get3A_566 : i32 to index
      %get3A_568 = arith.constant 112 : index
      %get3A_569 = tpu.vector_load %arg7[%get3A_567, %get3A_568] {strides = array<i32>} : memref<2x128xi32, #tpu.memory_space<vmem>>, vector<1x16xi32>,
      %get3A_570 = vector.shape_cast %get3A_569 : vector<1x16xi32> to vector<16xi32>
      %eq3A_571 = arith.cmpi eq, %get3A_565, %get3A_570 : vector<16xi32>
      %jit3A_572 = arith.constant 1.000000e+00 : f32
      %jit3A_573 = arith.constant 0.000000e+00 : f32
      %broadcast_in_dim3A_574 = vector.broadcast %jit3A_572 : f32 to vector<16xf32>
      %broadcast_in_dim3A_575 = vector.broadcast %jit3A_573 : f32 to vector<16xf32>
      %select_n3A_576 = arith.select %eq3A_571, %broadcast_in_dim3A_574, %broadcast_in_dim3A_575 : vector<16xi1>, vector<16xf32>
      %swap3A_577 = arith.constant 112 : index
      %swap3A_578 = tpu.vector_load %arg17[%swap3A_577] {strides = array<i32>} : memref<128xf32, #tpu.memory_space<vmem>>, vector<16xf32>,
      %swap3A_579 = vector.shape_cast %swap3A_578 : vector<16xf32> to vector<16xf32>
      %swap3A_580 = vector.shape_cast %select_n3A_576 : vector<16xf32> to vector<16xf32>
      tpu.vector_store %arg17[%swap3A_577], %swap3A_580 {strides = array<i32>} : memref<128xf32, #tpu.memory_space<vmem>>, vector<16xf32>,
      %dma_start3A_581 = arith.constant 0 : i32
      %dma_start3A_582 = arith.constant 0 : i32
      %dma_start3A_583 = tpu.memref_slice %arg7[%dma_start3A_581, %dma_start3A_582] : memref<2x128xi32, #tpu.memory_space<vmem>> -> memref<1x128xi32, #tpu.memory_space<vmem>>
      %dma_start3A_584 = tpu.memref_squeeze %dma_start3A_583 : memref<1x128xi32, #tpu.memory_space<vmem>> -> memref<128xi32, #tpu.memory_space<vmem>>
      %dma_start3A_585 = arith.constant 0 : i32
      %dma_start3A_586 = tpu.memref_slice %arg22[%dma_start3A_585] : memref<10240xf32, #tpu.memory_space<vmem_shared>> -> memref<10240xf32, #tpu.memory_space<vmem_shared>>
      tpu.enqueue_indirect_dma source(%arg17 : memref<128xf32, #tpu.memory_space<vmem>>) target(%dma_start3A_586 : memref<10240xf32, #tpu.memory_space<vmem_shared>>) offsets(%dma_start3A_584 : memref<128xi32, #tpu.memory_space<vmem>>) semaphore(%arg25 : memref<!tpu.dma_semaphore, #tpu.memory_space<semaphore_mem>>) {add = true}
    }
    %while3A_136 = arith.constant 1 : i32
    scf.for %while3A_371 = %while3A_134 to %while3A_130 step %while3A_136  : i32 {
      %ge3A = arith.constant 1 : i32
      %ge3A_372 = arith.cmpi sge, %while3A_371, %ge3A : i32
      %convert_element_type3A = arith.extui %ge3A_372 : i1 to i32
      %cond3A = arith.constant 0 : i32
      %cond3A_373 = arith.cmpi ne, %convert_element_type3A, %cond3A : i32
      scf.if %cond3A_373 {
        %dma_wait3A_587 = arith.constant 1 : i32
        %dma_wait3A_588 = arith.constant 0 : i32
        %dma_wait3A_589 = tpu.memref_slice %arg7[%dma_wait3A_587, %dma_wait3A_588] : memref<2x128xi32, #tpu.memory_space<vmem>> -> memref<1x128xi32, #tpu.memory_space<vmem>>
        %dma_wait3A_590 = tpu.memref_squeeze %dma_wait3A_589 : memref<1x128xi32, #tpu.memory_space<vmem>> -> memref<128xi32, #tpu.memory_space<vmem>>
        %dma_wait3A_591 = arith.constant 0 : i32
        %dma_wait3A_592 = arith.constant 0 : i32
        %dma_wait3A_593 = tpu.memref_slice %arg12[%dma_wait3A_591, %dma_wait3A_592] : memref<10240x128xf32, #tpu.memory_space<vmem_shared>> -> memref<10240x128xf32, #tpu.memory_space<vmem_shared>>
        tpu.wait_indirect_dma semaphore(%arg15 : memref<!tpu.dma_semaphore, #tpu.memory_space<semaphore_mem>>) src(%arg9 : memref<128x128xf32, #tpu.memory_space<vmem>>) dst(%dma_wait3A_593 : memref<10240x128xf32, #tpu.memory_space<vmem_shared>>)
        %dma_wait3A_594 = arith.constant 1 : i32
        %dma_wait3A_595 = arith.constant 0 : i32
        %dma_wait3A_596 = tpu.memref_slice %arg7[%dma_wait3A_594, %dma_wait3A_595] : memref<2x128xi32, #tpu.memory_space<vmem>> -> memref<1x128xi32, #tpu.memory_space<vmem>>
        %dma_wait3A_597 = tpu.memref_squeeze %dma_wait3A_596 : memref<1x128xi32, #tpu.memory_space<vmem>> -> memref<128xi32, #tpu.memory_space<vmem>>
        %dma_wait3A_598 = arith.constant 0 : i32
        %dma_wait3A_599 = tpu.memref_slice %arg21[%dma_wait3A_598] : memref<10240xf32, #tpu.memory_space<vmem_shared>> -> memref<10240xf32, #tpu.memory_space<vmem_shared>>
        tpu.wait_indirect_dma semaphore(%arg23 : memref<!tpu.dma_semaphore, #tpu.memory_space<semaphore_mem>>) src(%arg19 : memref<128xf32, #tpu.memory_space<vmem>>) dst(%dma_wait3A_599 : memref<10240xf32, #tpu.memory_space<vmem_shared>>)
        %dma_wait3A_600 = arith.constant 0 : i32
        %dma_wait3A_601 = arith.constant 0 : i32
        %dma_wait3A_602 = tpu.memref_slice %arg7[%dma_wait3A_600, %dma_wait3A_601] : memref<2x128xi32, #tpu.memory_space<vmem>> -> memref<1x128xi32, #tpu.memory_space<vmem>>
        %dma_wait3A_603 = tpu.memref_squeeze %dma_wait3A_602 : memref<1x128xi32, #tpu.memory_space<vmem>> -> memref<128xi32, #tpu.memory_space<vmem>>
        %dma_wait3A_604 = arith.constant 0 : i32
        %dma_wait3A_605 = tpu.memref_slice %arg22[%dma_wait3A_604] : memref<10240xf32, #tpu.memory_space<vmem_shared>> -> memref<10240xf32, #tpu.memory_space<vmem_shared>>
        tpu.wait_indirect_dma semaphore(%arg25 : memref<!tpu.dma_semaphore, #tpu.memory_space<semaphore_mem>>) src(%arg17 : memref<128xf32, #tpu.memory_space<vmem>>) dst(%dma_wait3A_605 : memref<10240xf32, #tpu.memory_space<vmem_shared>>)
      } else {
      }
      %mul3A_374 = arith.constant 2 : i32
      %mul3A_375 = arith.muli %mul3A_374, %while3A_371 : i32
      %add3A_376 = arith.addi %select_n3A_8, %mul3A_375 : i32
      "tpu.region"() ({
        %run_scoped3A = tpu.sem_alloc : memref<!tpu.dma_semaphore, #tpu.memory_space<semaphore_mem>>
        %dma_start3A_587 = arith.constant 0 : i32
        %dma_start3A_588 = arith.constant 0 : i32
        %dma_start3A_589 = tpu.memref_slice %arg3[%add3A_376, %dma_start3A_587, %dma_start3A_588] : memref<2528x2x128xi32, #tpu.memory_space<hbm>> -> memref<1x2x128xi32, #tpu.memory_space<hbm>>
        %dma_start3A_590 = tpu.memref_squeeze %dma_start3A_589 : memref<1x2x128xi32, #tpu.memory_space<hbm>> -> memref<2x128xi32, #tpu.memory_space<hbm>>
        %dma_start3A_591 = arith.constant 0 : i32
        %dma_start3A_592 = arith.constant 0 : i32
        %dma_start3A_593 = tpu.memref_slice %arg3[%add3A_376, %dma_start3A_591, %dma_start3A_592] : memref<2528x2x128xi32, #tpu.memory_space<hbm>> -> memref<1x2x128xi32, #tpu.memory_space<hbm>>
        %dma_start3A_594 = tpu.memref_squeeze %dma_start3A_593 : memref<1x2x128xi32, #tpu.memory_space<hbm>> -> memref<2x128xi32, #tpu.memory_space<hbm>>
        tpu.enqueue_dma source(%dma_start3A_594 : memref<2x128xi32, #tpu.memory_space<hbm>>) target(%arg7 : memref<2x128xi32, #tpu.memory_space<vmem>>) target_semaphore(%run_scoped3A : memref<!tpu.dma_semaphore, #tpu.memory_space<semaphore_mem>>)
        %dma_wait3A_595 = arith.constant 0 : i32
        %dma_wait3A_596 = arith.constant 0 : i32
        %dma_wait3A_597 = tpu.memref_slice %arg3[%add3A_376, %dma_wait3A_595, %dma_wait3A_596] : memref<2528x2x128xi32, #tpu.memory_space<hbm>> -> memref<1x2x128xi32, #tpu.memory_space<hbm>>
        %dma_wait3A_598 = tpu.memref_squeeze %dma_wait3A_597 : memref<1x2x128xi32, #tpu.memory_space<hbm>> -> memref<2x128xi32, #tpu.memory_space<hbm>>
        %dma_wait3A_599 = arith.constant 0 : i32
        %dma_wait3A_600 = arith.constant 0 : i32
        %dma_wait3A_601 = tpu.memref_slice %arg3[%add3A_376, %dma_wait3A_599, %dma_wait3A_600] : memref<2528x2x128xi32, #tpu.memory_space<hbm>> -> memref<1x2x128xi32, #tpu.memory_space<hbm>>
        %dma_wait3A_602 = tpu.memref_squeeze %dma_wait3A_601 : memref<1x2x128xi32, #tpu.memory_space<hbm>> -> memref<2x128xi32, #tpu.memory_space<hbm>>
        tpu.wait_dma2 semaphore(%run_scoped3A : memref<!tpu.dma_semaphore, #tpu.memory_space<semaphore_mem>>) src(%dma_wait3A_602 : memref<2x128xi32, #tpu.memory_space<hbm>>) dst(%arg7 : memref<2x128xi32, #tpu.memory_space<vmem>>)
        tpu.yield
      }) : () -> ()
      %dma_start3A_377 = arith.constant 0 : i32
      %dma_start3A_378 = arith.constant 0 : i32
      %dma_start3A_379 = tpu.memref_slice %arg7[%dma_start3A_377, %dma_start3A_378] : memref<2x128xi32, #tpu.memory_space<vmem>> -> memref<1x128xi32, #tpu.memory_space<vmem>>
      %dma_start3A_380 = tpu.memref_squeeze %dma_start3A_379 : memref<1x128xi32, #tpu.memory_space<vmem>> -> memref<128xi32, #tpu.memory_space<vmem>>
      %dma_start3A_381 = arith.constant 0 : i32
      %dma_start3A_382 = arith.constant 0 : i32
      %dma_start3A_383 = tpu.memref_slice %arg2[%dma_start3A_381, %dma_start3A_382] : memref<10000x128xf32, #tpu.memory_space<hbm>> -> memref<10000x128xf32, #tpu.memory_space<hbm>>
      tpu.enqueue_indirect_dma source(%dma_start3A_383 : memref<10000x128xf32, #tpu.memory_space<hbm>>) target(%arg9 : memref<128x128xf32, #tpu.memory_space<vmem>>) offsets(%dma_start3A_380 : memref<128xi32, #tpu.memory_space<vmem>>) semaphore(%arg13 : memref<!tpu.dma_semaphore, #tpu.memory_space<semaphore_mem>>)
      %ge3A_384 = arith.constant 1 : i32
      %ge3A_385 = arith.cmpi sge, %while3A_371, %ge3A_384 : i32
      %convert_element_type3A_386 = arith.extui %ge3A_385 : i1 to i32
      %cond3A_387 = arith.constant 0 : i32
      %cond3A_388 = arith.cmpi ne, %convert_element_type3A_386, %cond3A_387 : i32
      scf.if %cond3A_388 {
        %dma_wait3A_587 = arith.constant 0 : i32
        %dma_wait3A_588 = arith.constant 0 : i32
        %dma_wait3A_589 = tpu.memref_slice %arg8[%dma_wait3A_587, %dma_wait3A_588] : memref<2x128xi32, #tpu.memory_space<vmem>> -> memref<1x128xi32, #tpu.memory_space<vmem>>
        %dma_wait3A_590 = tpu.memref_squeeze %dma_wait3A_589 : memref<1x128xi32, #tpu.memory_space<vmem>> -> memref<128xi32, #tpu.memory_space<vmem>>
        %dma_wait3A_591 = arith.constant 0 : i32
        %dma_wait3A_592 = arith.constant 0 : i32
        %dma_wait3A_593 = tpu.memref_slice %arg2[%dma_wait3A_591, %dma_wait3A_592] : memref<10000x128xf32, #tpu.memory_space<hbm>> -> memref<10000x128xf32, #tpu.memory_space<hbm>>
        tpu.wait_indirect_dma semaphore(%arg14 : memref<!tpu.dma_semaphore, #tpu.memory_space<semaphore_mem>>) src(%dma_wait3A_593 : memref<10000x128xf32, #tpu.memory_space<hbm>>) dst(%arg10 : memref<128x128xf32, #tpu.memory_space<vmem>>)
        %dma_start3A_594 = arith.constant 1 : i32
        %dma_start3A_595 = arith.constant 0 : i32
        %dma_start3A_596 = tpu.memref_slice %arg8[%dma_start3A_594, %dma_start3A_595] : memref<2x128xi32, #tpu.memory_space<vmem>> -> memref<1x128xi32, #tpu.memory_space<vmem>>
        %dma_start3A_597 = tpu.memref_squeeze %dma_start3A_596 : memref<1x128xi32, #tpu.memory_space<vmem>> -> memref<128xi32, #tpu.memory_space<vmem>>
        %dma_start3A_598 = arith.constant 0 : i32
        %dma_start3A_599 = arith.constant 0 : i32
        %dma_start3A_600 = tpu.memref_slice %arg12[%dma_start3A_598, %dma_start3A_599] : memref<10240x128xf32, #tpu.memory_space<vmem_shared>> -> memref<10240x128xf32, #tpu.memory_space<vmem_shared>>
        tpu.enqueue_indirect_dma source(%arg10 : memref<128x128xf32, #tpu.memory_space<vmem>>) target(%dma_start3A_600 : memref<10240x128xf32, #tpu.memory_space<vmem_shared>>) offsets(%dma_start3A_597 : memref<128xi32, #tpu.memory_space<vmem>>) semaphore(%arg16 : memref<!tpu.dma_semaphore, #tpu.memory_space<semaphore_mem>>) {add = true}
        %dma_start3A_601 = arith.constant 1 : i32
        %dma_start3A_602 = arith.constant 0 : i32
        %dma_start3A_603 = tpu.memref_slice %arg8[%dma_start3A_601, %dma_start3A_602] : memref<2x128xi32, #tpu.memory_space<vmem>> -> memref<1x128xi32, #tpu.memory_space<vmem>>
        %dma_start3A_604 = tpu.memref_squeeze %dma_start3A_603 : memref<1x128xi32, #tpu.memory_space<vmem>> -> memref<128xi32, #tpu.memory_space<vmem>>
        %dma_start3A_605 = arith.constant 0 : i32
        %dma_start3A_606 = tpu.memref_slice %arg21[%dma_start3A_605] : memref<10240xf32, #tpu.memory_space<vmem_shared>> -> memref<10240xf32, #tpu.memory_space<vmem_shared>>
        tpu.enqueue_indirect_dma source(%arg19 : memref<128xf32, #tpu.memory_space<vmem>>) target(%dma_start3A_606 : memref<10240xf32, #tpu.memory_space<vmem_shared>>) offsets(%dma_start3A_604 : memref<128xi32, #tpu.memory_space<vmem>>) semaphore(%arg24 : memref<!tpu.dma_semaphore, #tpu.memory_space<semaphore_mem>>) {add = true}
        %get3A_607 = arith.constant 0 : i32
        %get3A_608 = arith.index_cast %get3A_607 : i32 to index
        %get3A_609 = arith.constant 0 : index
        %get3A_610 = tpu.vector_load %arg8[%get3A_608, %get3A_609] {strides = array<i32>} : memref<2x128xi32, #tpu.memory_space<vmem>>, vector<1x16xi32>,
        %get3A_611 = vector.shape_cast %get3A_610 : vector<1x16xi32> to vector<16xi32>
        %get3A_612 = arith.constant 1 : i32
        %get3A_613 = arith.index_cast %get3A_612 : i32 to index
        %get3A_614 = arith.constant 0 : index
        %get3A_615 = tpu.vector_load %arg8[%get3A_613, %get3A_614] {strides = array<i32>} : memref<2x128xi32, #tpu.memory_space<vmem>>, vector<1x16xi32>,
        %get3A_616 = vector.shape_cast %get3A_615 : vector<1x16xi32> to vector<16xi32>
        %eq3A_617 = arith.cmpi eq, %get3A_611, %get3A_616 : vector<16xi32>
        %jit3A_618 = arith.constant 1.000000e+00 : f32
        %jit3A_619 = arith.constant 0.000000e+00 : f32
        %broadcast_in_dim3A_620 = vector.broadcast %jit3A_618 : f32 to vector<16xf32>
        %broadcast_in_dim3A_621 = vector.broadcast %jit3A_619 : f32 to vector<16xf32>
        %select_n3A_622 = arith.select %eq3A_617, %broadcast_in_dim3A_620, %broadcast_in_dim3A_621 : vector<16xi1>, vector<16xf32>
        %swap3A_623 = arith.constant 0 : index
        %swap3A_624 = tpu.vector_load %arg18[%swap3A_623] {strides = array<i32>} : memref<128xf32, #tpu.memory_space<vmem>>, vector<16xf32>,
        %swap3A_625 = vector.shape_cast %swap3A_624 : vector<16xf32> to vector<16xf32>
        %swap3A_626 = vector.shape_cast %select_n3A_622 : vector<16xf32> to vector<16xf32>
        tpu.vector_store %arg18[%swap3A_623], %swap3A_626 {strides = array<i32>} : memref<128xf32, #tpu.memory_space<vmem>>, vector<16xf32>,
        %get3A_627 = arith.constant 0 : i32
        %get3A_628 = arith.index_cast %get3A_627 : i32 to index
        %get3A_629 = arith.constant 16 : index
        %get3A_630 = tpu.vector_load %arg8[%get3A_628, %get3A_629] {strides = array<i32>} : memref<2x128xi32, #tpu.memory_space<vmem>>, vector<1x16xi32>,
        %get3A_631 = vector.shape_cast %get3A_630 : vector<1x16xi32> to vector<16xi32>
        %get3A_632 = arith.constant 1 : i32
        %get3A_633 = arith.index_cast %get3A_632 : i32 to index
        %get3A_634 = arith.constant 16 : index
        %get3A_635 = tpu.vector_load %arg8[%get3A_633, %get3A_634] {strides = array<i32>} : memref<2x128xi32, #tpu.memory_space<vmem>>, vector<1x16xi32>,
        %get3A_636 = vector.shape_cast %get3A_635 : vector<1x16xi32> to vector<16xi32>
        %eq3A_637 = arith.cmpi eq, %get3A_631, %get3A_636 : vector<16xi32>
        %jit3A_638 = arith.constant 1.000000e+00 : f32
        %jit3A_639 = arith.constant 0.000000e+00 : f32
        %broadcast_in_dim3A_640 = vector.broadcast %jit3A_638 : f32 to vector<16xf32>
        %broadcast_in_dim3A_641 = vector.broadcast %jit3A_639 : f32 to vector<16xf32>
        %select_n3A_642 = arith.select %eq3A_637, %broadcast_in_dim3A_640, %broadcast_in_dim3A_641 : vector<16xi1>, vector<16xf32>
        %swap3A_643 = arith.constant 16 : index
        %swap3A_644 = tpu.vector_load %arg18[%swap3A_643] {strides = array<i32>} : memref<128xf32, #tpu.memory_space<vmem>>, vector<16xf32>,
        %swap3A_645 = vector.shape_cast %swap3A_644 : vector<16xf32> to vector<16xf32>
        %swap3A_646 = vector.shape_cast %select_n3A_642 : vector<16xf32> to vector<16xf32>
        tpu.vector_store %arg18[%swap3A_643], %swap3A_646 {strides = array<i32>} : memref<128xf32, #tpu.memory_space<vmem>>, vector<16xf32>,
        %get3A_647 = arith.constant 0 : i32
        %get3A_648 = arith.index_cast %get3A_647 : i32 to index
        %get3A_649 = arith.constant 32 : index
        %get3A_650 = tpu.vector_load %arg8[%get3A_648, %get3A_649] {strides = array<i32>} : memref<2x128xi32, #tpu.memory_space<vmem>>, vector<1x16xi32>,
        %get3A_651 = vector.shape_cast %get3A_650 : vector<1x16xi32> to vector<16xi32>
        %get3A_652 = arith.constant 1 : i32
        %get3A_653 = arith.index_cast %get3A_652 : i32 to index
        %get3A_654 = arith.constant 32 : index
        %get3A_655 = tpu.vector_load %arg8[%get3A_653, %get3A_654] {strides = array<i32>} : memref<2x128xi32, #tpu.memory_space<vmem>>, vector<1x16xi32>,
        %get3A_656 = vector.shape_cast %get3A_655 : vector<1x16xi32> to vector<16xi32>
        %eq3A_657 = arith.cmpi eq, %get3A_651, %get3A_656 : vector<16xi32>
        %jit3A_658 = arith.constant 1.000000e+00 : f32
        %jit3A_659 = arith.constant 0.000000e+00 : f32
        %broadcast_in_dim3A_660 = vector.broadcast %jit3A_658 : f32 to vector<16xf32>
        %broadcast_in_dim3A_661 = vector.broadcast %jit3A_659 : f32 to vector<16xf32>
        %select_n3A_662 = arith.select %eq3A_657, %broadcast_in_dim3A_660, %broadcast_in_dim3A_661 : vector<16xi1>, vector<16xf32>
        %swap3A_663 = arith.constant 32 : index
        %swap3A_664 = tpu.vector_load %arg18[%swap3A_663] {strides = array<i32>} : memref<128xf32, #tpu.memory_space<vmem>>, vector<16xf32>,
        %swap3A_665 = vector.shape_cast %swap3A_664 : vector<16xf32> to vector<16xf32>
        %swap3A_666 = vector.shape_cast %select_n3A_662 : vector<16xf32> to vector<16xf32>
        tpu.vector_store %arg18[%swap3A_663], %swap3A_666 {strides = array<i32>} : memref<128xf32, #tpu.memory_space<vmem>>, vector<16xf32>,
        %get3A_667 = arith.constant 0 : i32
        %get3A_668 = arith.index_cast %get3A_667 : i32 to index
        %get3A_669 = arith.constant 48 : index
        %get3A_670 = tpu.vector_load %arg8[%get3A_668, %get3A_669] {strides = array<i32>} : memref<2x128xi32, #tpu.memory_space<vmem>>, vector<1x16xi32>,
        %get3A_671 = vector.shape_cast %get3A_670 : vector<1x16xi32> to vector<16xi32>
        %get3A_672 = arith.constant 1 : i32
        %get3A_673 = arith.index_cast %get3A_672 : i32 to index
        %get3A_674 = arith.constant 48 : index
        %get3A_675 = tpu.vector_load %arg8[%get3A_673, %get3A_674] {strides = array<i32>} : memref<2x128xi32, #tpu.memory_space<vmem>>, vector<1x16xi32>,
        %get3A_676 = vector.shape_cast %get3A_675 : vector<1x16xi32> to vector<16xi32>
        %eq3A_677 = arith.cmpi eq, %get3A_671, %get3A_676 : vector<16xi32>
        %jit3A_678 = arith.constant 1.000000e+00 : f32
        %jit3A_679 = arith.constant 0.000000e+00 : f32
        %broadcast_in_dim3A_680 = vector.broadcast %jit3A_678 : f32 to vector<16xf32>
        %broadcast_in_dim3A_681 = vector.broadcast %jit3A_679 : f32 to vector<16xf32>
        %select_n3A_682 = arith.select %eq3A_677, %broadcast_in_dim3A_680, %broadcast_in_dim3A_681 : vector<16xi1>, vector<16xf32>
        %swap3A_683 = arith.constant 48 : index
        %swap3A_684 = tpu.vector_load %arg18[%swap3A_683] {strides = array<i32>} : memref<128xf32, #tpu.memory_space<vmem>>, vector<16xf32>,
        %swap3A_685 = vector.shape_cast %swap3A_684 : vector<16xf32> to vector<16xf32>
        %swap3A_686 = vector.shape_cast %select_n3A_682 : vector<16xf32> to vector<16xf32>
        tpu.vector_store %arg18[%swap3A_683], %swap3A_686 {strides = array<i32>} : memref<128xf32, #tpu.memory_space<vmem>>, vector<16xf32>,
        %get3A_687 = arith.constant 0 : i32
        %get3A_688 = arith.index_cast %get3A_687 : i32 to index
        %get3A_689 = arith.constant 64 : index
        %get3A_690 = tpu.vector_load %arg8[%get3A_688, %get3A_689] {strides = array<i32>} : memref<2x128xi32, #tpu.memory_space<vmem>>, vector<1x16xi32>,
        %get3A_691 = vector.shape_cast %get3A_690 : vector<1x16xi32> to vector<16xi32>
        %get3A_692 = arith.constant 1 : i32
        %get3A_693 = arith.index_cast %get3A_692 : i32 to index
        %get3A_694 = arith.constant 64 : index
        %get3A_695 = tpu.vector_load %arg8[%get3A_693, %get3A_694] {strides = array<i32>} : memref<2x128xi32, #tpu.memory_space<vmem>>, vector<1x16xi32>,
        %get3A_696 = vector.shape_cast %get3A_695 : vector<1x16xi32> to vector<16xi32>
        %eq3A_697 = arith.cmpi eq, %get3A_691, %get3A_696 : vector<16xi32>
        %jit3A_698 = arith.constant 1.000000e+00 : f32
        %jit3A_699 = arith.constant 0.000000e+00 : f32
        %broadcast_in_dim3A_700 = vector.broadcast %jit3A_698 : f32 to vector<16xf32>
        %broadcast_in_dim3A_701 = vector.broadcast %jit3A_699 : f32 to vector<16xf32>
        %select_n3A_702 = arith.select %eq3A_697, %broadcast_in_dim3A_700, %broadcast_in_dim3A_701 : vector<16xi1>, vector<16xf32>
        %swap3A_703 = arith.constant 64 : index
        %swap3A_704 = tpu.vector_load %arg18[%swap3A_703] {strides = array<i32>} : memref<128xf32, #tpu.memory_space<vmem>>, vector<16xf32>,
        %swap3A_705 = vector.shape_cast %swap3A_704 : vector<16xf32> to vector<16xf32>
        %swap3A_706 = vector.shape_cast %select_n3A_702 : vector<16xf32> to vector<16xf32>
        tpu.vector_store %arg18[%swap3A_703], %swap3A_706 {strides = array<i32>} : memref<128xf32, #tpu.memory_space<vmem>>, vector<16xf32>,
        %get3A_707 = arith.constant 0 : i32
        %get3A_708 = arith.index_cast %get3A_707 : i32 to index
        %get3A_709 = arith.constant 80 : index
        %get3A_710 = tpu.vector_load %arg8[%get3A_708, %get3A_709] {strides = array<i32>} : memref<2x128xi32, #tpu.memory_space<vmem>>, vector<1x16xi32>,
        %get3A_711 = vector.shape_cast %get3A_710 : vector<1x16xi32> to vector<16xi32>
        %get3A_712 = arith.constant 1 : i32
        %get3A_713 = arith.index_cast %get3A_712 : i32 to index
        %get3A_714 = arith.constant 80 : index
        %get3A_715 = tpu.vector_load %arg8[%get3A_713, %get3A_714] {strides = array<i32>} : memref<2x128xi32, #tpu.memory_space<vmem>>, vector<1x16xi32>,
        %get3A_716 = vector.shape_cast %get3A_715 : vector<1x16xi32> to vector<16xi32>
        %eq3A_717 = arith.cmpi eq, %get3A_711, %get3A_716 : vector<16xi32>
        %jit3A_718 = arith.constant 1.000000e+00 : f32
        %jit3A_719 = arith.constant 0.000000e+00 : f32
        %broadcast_in_dim3A_720 = vector.broadcast %jit3A_718 : f32 to vector<16xf32>
        %broadcast_in_dim3A_721 = vector.broadcast %jit3A_719 : f32 to vector<16xf32>
        %select_n3A_722 = arith.select %eq3A_717, %broadcast_in_dim3A_720, %broadcast_in_dim3A_721 : vector<16xi1>, vector<16xf32>
        %swap3A_723 = arith.constant 80 : index
        %swap3A_724 = tpu.vector_load %arg18[%swap3A_723] {strides = array<i32>} : memref<128xf32, #tpu.memory_space<vmem>>, vector<16xf32>,
        %swap3A_725 = vector.shape_cast %swap3A_724 : vector<16xf32> to vector<16xf32>
        %swap3A_726 = vector.shape_cast %select_n3A_722 : vector<16xf32> to vector<16xf32>
        tpu.vector_store %arg18[%swap3A_723], %swap3A_726 {strides = array<i32>} : memref<128xf32, #tpu.memory_space<vmem>>, vector<16xf32>,
        %get3A_727 = arith.constant 0 : i32
        %get3A_728 = arith.index_cast %get3A_727 : i32 to index
        %get3A_729 = arith.constant 96 : index
        %get3A_730 = tpu.vector_load %arg8[%get3A_728, %get3A_729] {strides = array<i32>} : memref<2x128xi32, #tpu.memory_space<vmem>>, vector<1x16xi32>,
        %get3A_731 = vector.shape_cast %get3A_730 : vector<1x16xi32> to vector<16xi32>
        %get3A_732 = arith.constant 1 : i32
        %get3A_733 = arith.index_cast %get3A_732 : i32 to index
        %get3A_734 = arith.constant 96 : index
        %get3A_735 = tpu.vector_load %arg8[%get3A_733, %get3A_734] {strides = array<i32>} : memref<2x128xi32, #tpu.memory_space<vmem>>, vector<1x16xi32>,
        %get3A_736 = vector.shape_cast %get3A_735 : vector<1x16xi32> to vector<16xi32>
        %eq3A_737 = arith.cmpi eq, %get3A_731, %get3A_736 : vector<16xi32>
        %jit3A_738 = arith.constant 1.000000e+00 : f32
        %jit3A_739 = arith.constant 0.000000e+00 : f32
        %broadcast_in_dim3A_740 = vector.broadcast %jit3A_738 : f32 to vector<16xf32>
        %broadcast_in_dim3A_741 = vector.broadcast %jit3A_739 : f32 to vector<16xf32>
        %select_n3A_742 = arith.select %eq3A_737, %broadcast_in_dim3A_740, %broadcast_in_dim3A_741 : vector<16xi1>, vector<16xf32>
        %swap3A_743 = arith.constant 96 : index
        %swap3A_744 = tpu.vector_load %arg18[%swap3A_743] {strides = array<i32>} : memref<128xf32, #tpu.memory_space<vmem>>, vector<16xf32>,
        %swap3A_745 = vector.shape_cast %swap3A_744 : vector<16xf32> to vector<16xf32>
        %swap3A_746 = vector.shape_cast %select_n3A_742 : vector<16xf32> to vector<16xf32>
        tpu.vector_store %arg18[%swap3A_743], %swap3A_746 {strides = array<i32>} : memref<128xf32, #tpu.memory_space<vmem>>, vector<16xf32>,
        %get3A_747 = arith.constant 0 : i32
        %get3A_748 = arith.index_cast %get3A_747 : i32 to index
        %get3A_749 = arith.constant 112 : index
        %get3A_750 = tpu.vector_load %arg8[%get3A_748, %get3A_749] {strides = array<i32>} : memref<2x128xi32, #tpu.memory_space<vmem>>, vector<1x16xi32>,
        %get3A_751 = vector.shape_cast %get3A_750 : vector<1x16xi32> to vector<16xi32>
        %get3A_752 = arith.constant 1 : i32
        %get3A_753 = arith.index_cast %get3A_752 : i32 to index
        %get3A_754 = arith.constant 112 : index
        %get3A_755 = tpu.vector_load %arg8[%get3A_753, %get3A_754] {strides = array<i32>} : memref<2x128xi32, #tpu.memory_space<vmem>>, vector<1x16xi32>,
        %get3A_756 = vector.shape_cast %get3A_755 : vector<1x16xi32> to vector<16xi32>
        %eq3A_757 = arith.cmpi eq, %get3A_751, %get3A_756 : vector<16xi32>
        %jit3A_758 = arith.constant 1.000000e+00 : f32
        %jit3A_759 = arith.constant 0.000000e+00 : f32
        %broadcast_in_dim3A_760 = vector.broadcast %jit3A_758 : f32 to vector<16xf32>
        %broadcast_in_dim3A_761 = vector.broadcast %jit3A_759 : f32 to vector<16xf32>
        %select_n3A_762 = arith.select %eq3A_757, %broadcast_in_dim3A_760, %broadcast_in_dim3A_761 : vector<16xi1>, vector<16xf32>
        %swap3A_763 = arith.constant 112 : index
        %swap3A_764 = tpu.vector_load %arg18[%swap3A_763] {strides = array<i32>} : memref<128xf32, #tpu.memory_space<vmem>>, vector<16xf32>,
        %swap3A_765 = vector.shape_cast %swap3A_764 : vector<16xf32> to vector<16xf32>
        %swap3A_766 = vector.shape_cast %select_n3A_762 : vector<16xf32> to vector<16xf32>
        tpu.vector_store %arg18[%swap3A_763], %swap3A_766 {strides = array<i32>} : memref<128xf32, #tpu.memory_space<vmem>>, vector<16xf32>,
        %dma_start3A_767 = arith.constant 0 : i32
        %dma_start3A_768 = arith.constant 0 : i32
        %dma_start3A_769 = tpu.memref_slice %arg8[%dma_start3A_767, %dma_start3A_768] : memref<2x128xi32, #tpu.memory_space<vmem>> -> memref<1x128xi32, #tpu.memory_space<vmem>>
        %dma_start3A_770 = tpu.memref_squeeze %dma_start3A_769 : memref<1x128xi32, #tpu.memory_space<vmem>> -> memref<128xi32, #tpu.memory_space<vmem>>
        %dma_start3A_771 = arith.constant 0 : i32
        %dma_start3A_772 = tpu.memref_slice %arg22[%dma_start3A_771] : memref<10240xf32, #tpu.memory_space<vmem_shared>> -> memref<10240xf32, #tpu.memory_space<vmem_shared>>
        tpu.enqueue_indirect_dma source(%arg18 : memref<128xf32, #tpu.memory_space<vmem>>) target(%dma_start3A_772 : memref<10240xf32, #tpu.memory_space<vmem_shared>>) offsets(%dma_start3A_770 : memref<128xi32, #tpu.memory_space<vmem>>) semaphore(%arg26 : memref<!tpu.dma_semaphore, #tpu.memory_space<semaphore_mem>>) {add = true}
        %dma_wait3A_773 = arith.constant 1 : i32
        %dma_wait3A_774 = arith.constant 0 : i32
        %dma_wait3A_775 = tpu.memref_slice %arg8[%dma_wait3A_773, %dma_wait3A_774] : memref<2x128xi32, #tpu.memory_space<vmem>> -> memref<1x128xi32, #tpu.memory_space<vmem>>
        %dma_wait3A_776 = tpu.memref_squeeze %dma_wait3A_775 : memref<1x128xi32, #tpu.memory_space<vmem>> -> memref<128xi32, #tpu.memory_space<vmem>>
        %dma_wait3A_777 = arith.constant 0 : i32
        %dma_wait3A_778 = arith.constant 0 : i32
        %dma_wait3A_779 = tpu.memref_slice %arg12[%dma_wait3A_777, %dma_wait3A_778] : memref<10240x128xf32, #tpu.memory_space<vmem_shared>> -> memref<10240x128xf32, #tpu.memory_space<vmem_shared>>
        tpu.wait_indirect_dma semaphore(%arg16 : memref<!tpu.dma_semaphore, #tpu.memory_space<semaphore_mem>>) src(%arg10 : memref<128x128xf32, #tpu.memory_space<vmem>>) dst(%dma_wait3A_779 : memref<10240x128xf32, #tpu.memory_space<vmem_shared>>)
        %dma_wait3A_780 = arith.constant 1 : i32
        %dma_wait3A_781 = arith.constant 0 : i32
        %dma_wait3A_782 = tpu.memref_slice %arg8[%dma_wait3A_780, %dma_wait3A_781] : memref<2x128xi32, #tpu.memory_space<vmem>> -> memref<1x128xi32, #tpu.memory_space<vmem>>
        %dma_wait3A_783 = tpu.memref_squeeze %dma_wait3A_782 : memref<1x128xi32, #tpu.memory_space<vmem>> -> memref<128xi32, #tpu.memory_space<vmem>>
        %dma_wait3A_784 = arith.constant 0 : i32
        %dma_wait3A_785 = tpu.memref_slice %arg21[%dma_wait3A_784] : memref<10240xf32, #tpu.memory_space<vmem_shared>> -> memref<10240xf32, #tpu.memory_space<vmem_shared>>
        tpu.wait_indirect_dma semaphore(%arg24 : memref<!tpu.dma_semaphore, #tpu.memory_space<semaphore_mem>>) src(%arg19 : memref<128xf32, #tpu.memory_space<vmem>>) dst(%dma_wait3A_785 : memref<10240xf32, #tpu.memory_space<vmem_shared>>)
        %dma_wait3A_786 = arith.constant 0 : i32
        %dma_wait3A_787 = arith.constant 0 : i32
        %dma_wait3A_788 = tpu.memref_slice %arg8[%dma_wait3A_786, %dma_wait3A_787] : memref<2x128xi32, #tpu.memory_space<vmem>> -> memref<1x128xi32, #tpu.memory_space<vmem>>
        %dma_wait3A_789 = tpu.memref_squeeze %dma_wait3A_788 : memref<1x128xi32, #tpu.memory_space<vmem>> -> memref<128xi32, #tpu.memory_space<vmem>>
        %dma_wait3A_790 = arith.constant 0 : i32
        %dma_wait3A_791 = tpu.memref_slice %arg22[%dma_wait3A_790] : memref<10240xf32, #tpu.memory_space<vmem_shared>> -> memref<10240xf32, #tpu.memory_space<vmem_shared>>
        tpu.wait_indirect_dma semaphore(%arg26 : memref<!tpu.dma_semaphore, #tpu.memory_space<semaphore_mem>>) src(%arg18 : memref<128xf32, #tpu.memory_space<vmem>>) dst(%dma_wait3A_791 : memref<10240xf32, #tpu.memory_space<vmem_shared>>)
      } else {
      }
      %mul3A_389 = arith.constant 2 : i32
      %mul3A_390 = arith.muli %mul3A_389, %while3A_371 : i32
      %add3A_391 = arith.constant 1 : i32
      %add3A_392 = arith.addi %mul3A_390, %add3A_391 : i32
      %add3A_393 = arith.addi %select_n3A_8, %add3A_392 : i32
      "tpu.region"() ({
        %run_scoped3A = tpu.sem_alloc : memref<!tpu.dma_semaphore, #tpu.memory_space<semaphore_mem>>
        %dma_start3A_587 = arith.constant 0 : i32
        %dma_start3A_588 = arith.constant 0 : i32
        %dma_start3A_589 = tpu.memref_slice %arg3[%add3A_393, %dma_start3A_587, %dma_start3A_588] : memref<2528x2x128xi32, #tpu.memory_space<hbm>> -> memref<1x2x128xi32, #tpu.memory_space<hbm>>
        %dma_start3A_590 = tpu.memref_squeeze %dma_start3A_589 : memref<1x2x128xi32, #tpu.memory_space<hbm>> -> memref<2x128xi32, #tpu.memory_space<hbm>>
        %dma_start3A_591 = arith.constant 0 : i32
        %dma_start3A_592 = arith.constant 0 : i32
        %dma_start3A_593 = tpu.memref_slice %arg3[%add3A_393, %dma_start3A_591, %dma_start3A_592] : memref<2528x2x128xi32, #tpu.memory_space<hbm>> -> memref<1x2x128xi32, #tpu.memory_space<hbm>>
        %dma_start3A_594 = tpu.memref_squeeze %dma_start3A_593 : memref<1x2x128xi32, #tpu.memory_space<hbm>> -> memref<2x128xi32, #tpu.memory_space<hbm>>
        tpu.enqueue_dma source(%dma_start3A_594 : memref<2x128xi32, #tpu.memory_space<hbm>>) target(%arg8 : memref<2x128xi32, #tpu.memory_space<vmem>>) target_semaphore(%run_scoped3A : memref<!tpu.dma_semaphore, #tpu.memory_space<semaphore_mem>>)
        %dma_wait3A_595 = arith.constant 0 : i32
        %dma_wait3A_596 = arith.constant 0 : i32
        %dma_wait3A_597 = tpu.memref_slice %arg3[%add3A_393, %dma_wait3A_595, %dma_wait3A_596] : memref<2528x2x128xi32, #tpu.memory_space<hbm>> -> memref<1x2x128xi32, #tpu.memory_space<hbm>>
        %dma_wait3A_598 = tpu.memref_squeeze %dma_wait3A_597 : memref<1x2x128xi32, #tpu.memory_space<hbm>> -> memref<2x128xi32, #tpu.memory_space<hbm>>
        %dma_wait3A_599 = arith.constant 0 : i32
        %dma_wait3A_600 = arith.constant 0 : i32
        %dma_wait3A_601 = tpu.memref_slice %arg3[%add3A_393, %dma_wait3A_599, %dma_wait3A_600] : memref<2528x2x128xi32, #tpu.memory_space<hbm>> -> memref<1x2x128xi32, #tpu.memory_space<hbm>>
        %dma_wait3A_602 = tpu.memref_squeeze %dma_wait3A_601 : memref<1x2x128xi32, #tpu.memory_space<hbm>> -> memref<2x128xi32, #tpu.memory_space<hbm>>
        tpu.wait_dma2 semaphore(%run_scoped3A : memref<!tpu.dma_semaphore, #tpu.memory_space<semaphore_mem>>) src(%dma_wait3A_602 : memref<2x128xi32, #tpu.memory_space<hbm>>) dst(%arg8 : memref<2x128xi32, #tpu.memory_space<vmem>>)
        tpu.yield
      }) : () -> ()
      %dma_start3A_394 = arith.constant 0 : i32
      %dma_start3A_395 = arith.constant 0 : i32
      %dma_start3A_396 = tpu.memref_slice %arg8[%dma_start3A_394, %dma_start3A_395] : memref<2x128xi32, #tpu.memory_space<vmem>> -> memref<1x128xi32, #tpu.memory_space<vmem>>
      %dma_start3A_397 = tpu.memref_squeeze %dma_start3A_396 : memref<1x128xi32, #tpu.memory_space<vmem>> -> memref<128xi32, #tpu.memory_space<vmem>>
      %dma_start3A_398 = arith.constant 0 : i32
      %dma_start3A_399 = arith.constant 0 : i32
      %dma_start3A_400 = tpu.memref_slice %arg2[%dma_start3A_398, %dma_start3A_399] : memref<10000x128xf32, #tpu.memory_space<hbm>> -> memref<10000x128xf32, #tpu.memory_space<hbm>>
      tpu.enqueue_indirect_dma source(%dma_start3A_400 : memref<10000x128xf32, #tpu.memory_space<hbm>>) target(%arg10 : memref<128x128xf32, #tpu.memory_space<vmem>>) offsets(%dma_start3A_397 : memref<128xi32, #tpu.memory_space<vmem>>) semaphore(%arg14 : memref<!tpu.dma_semaphore, #tpu.memory_space<semaphore_mem>>)
      %dma_wait3A_401 = arith.constant 0 : i32
      %dma_wait3A_402 = arith.constant 0 : i32
      %dma_wait3A_403 = tpu.memref_slice %arg7[%dma_wait3A_401, %dma_wait3A_402] : memref<2x128xi32, #tpu.memory_space<vmem>> -> memref<1x128xi32, #tpu.memory_space<vmem>>
      %dma_wait3A_404 = tpu.memref_squeeze %dma_wait3A_403 : memref<1x128xi32, #tpu.memory_space<vmem>> -> memref<128xi32, #tpu.memory_space<vmem>>
      %dma_wait3A_405 = arith.constant 0 : i32
      %dma_wait3A_406 = arith.constant 0 : i32
      %dma_wait3A_407 = tpu.memref_slice %arg2[%dma_wait3A_405, %dma_wait3A_406] : memref<10000x128xf32, #tpu.memory_space<hbm>> -> memref<10000x128xf32, #tpu.memory_space<hbm>>
      tpu.wait_indirect_dma semaphore(%arg13 : memref<!tpu.dma_semaphore, #tpu.memory_space<semaphore_mem>>) src(%dma_wait3A_407 : memref<10000x128xf32, #tpu.memory_space<hbm>>) dst(%arg9 : memref<128x128xf32, #tpu.memory_space<vmem>>)
      %dma_start3A_408 = arith.constant 1 : i32
      %dma_start3A_409 = arith.constant 0 : i32
      %dma_start3A_410 = tpu.memref_slice %arg7[%dma_start3A_408, %dma_start3A_409] : memref<2x128xi32, #tpu.memory_space<vmem>> -> memref<1x128xi32, #tpu.memory_space<vmem>>
      %dma_start3A_411 = tpu.memref_squeeze %dma_start3A_410 : memref<1x128xi32, #tpu.memory_space<vmem>> -> memref<128xi32, #tpu.memory_space<vmem>>
      %dma_start3A_412 = arith.constant 0 : i32
      %dma_start3A_413 = arith.constant 0 : i32
      %dma_start3A_414 = tpu.memref_slice %arg12[%dma_start3A_412, %dma_start3A_413] : memref<10240x128xf32, #tpu.memory_space<vmem_shared>> -> memref<10240x128xf32, #tpu.memory_space<vmem_shared>>
      tpu.enqueue_indirect_dma source(%arg9 : memref<128x128xf32, #tpu.memory_space<vmem>>) target(%dma_start3A_414 : memref<10240x128xf32, #tpu.memory_space<vmem_shared>>) offsets(%dma_start3A_411 : memref<128xi32, #tpu.memory_space<vmem>>) semaphore(%arg15 : memref<!tpu.dma_semaphore, #tpu.memory_space<semaphore_mem>>) {add = true}
      %dma_start3A_415 = arith.constant 1 : i32
      %dma_start3A_416 = arith.constant 0 : i32
      %dma_start3A_417 = tpu.memref_slice %arg7[%dma_start3A_415, %dma_start3A_416] : memref<2x128xi32, #tpu.memory_space<vmem>> -> memref<1x128xi32, #tpu.memory_space<vmem>>
      %dma_start3A_418 = tpu.memref_squeeze %dma_start3A_417 : memref<1x128xi32, #tpu.memory_space<vmem>> -> memref<128xi32, #tpu.memory_space<vmem>>
      %dma_start3A_419 = arith.constant 0 : i32
      %dma_start3A_420 = tpu.memref_slice %arg21[%dma_start3A_419] : memref<10240xf32, #tpu.memory_space<vmem_shared>> -> memref<10240xf32, #tpu.memory_space<vmem_shared>>
      tpu.enqueue_indirect_dma source(%arg19 : memref<128xf32, #tpu.memory_space<vmem>>) target(%dma_start3A_420 : memref<10240xf32, #tpu.memory_space<vmem_shared>>) offsets(%dma_start3A_418 : memref<128xi32, #tpu.memory_space<vmem>>) semaphore(%arg23 : memref<!tpu.dma_semaphore, #tpu.memory_space<semaphore_mem>>) {add = true}
      %get3A_421 = arith.constant 0 : i32
      %get3A_422 = arith.index_cast %get3A_421 : i32 to index
      %get3A_423 = arith.constant 0 : index
      %get3A_424 = tpu.vector_load %arg7[%get3A_422, %get3A_423] {strides = array<i32>} : memref<2x128xi32, #tpu.memory_space<vmem>>, vector<1x16xi32>,
      %get3A_425 = vector.shape_cast %get3A_424 : vector<1x16xi32> to vector<16xi32>
      %get3A_426 = arith.constant 1 : i32
      %get3A_427 = arith.index_cast %get3A_426 : i32 to index
      %get3A_428 = arith.constant 0 : index
      %get3A_429 = tpu.vector_load %arg7[%get3A_427, %get3A_428] {strides = array<i32>} : memref<2x128xi32, #tpu.memory_space<vmem>>, vector<1x16xi32>,
      %get3A_430 = vector.shape_cast %get3A_429 : vector<1x16xi32> to vector<16xi32>
      %eq3A_431 = arith.cmpi eq, %get3A_425, %get3A_430 : vector<16xi32>
      %jit3A_432 = arith.constant 1.000000e+00 : f32
      %jit3A_433 = arith.constant 0.000000e+00 : f32
      %broadcast_in_dim3A_434 = vector.broadcast %jit3A_432 : f32 to vector<16xf32>
      %broadcast_in_dim3A_435 = vector.broadcast %jit3A_433 : f32 to vector<16xf32>
      %select_n3A_436 = arith.select %eq3A_431, %broadcast_in_dim3A_434, %broadcast_in_dim3A_435 : vector<16xi1>, vector<16xf32>
      %swap3A_437 = arith.constant 0 : index
      %swap3A_438 = tpu.vector_load %arg17[%swap3A_437] {strides = array<i32>} : memref<128xf32, #tpu.memory_space<vmem>>, vector<16xf32>,
      %swap3A_439 = vector.shape_cast %swap3A_438 : vector<16xf32> to vector<16xf32>
      %swap3A_440 = vector.shape_cast %select_n3A_436 : vector<16xf32> to vector<16xf32>
      tpu.vector_store %arg17[%swap3A_437], %swap3A_440 {strides = array<i32>} : memref<128xf32, #tpu.memory_space<vmem>>, vector<16xf32>,
      %get3A_441 = arith.constant 0 : i32
      %get3A_442 = arith.index_cast %get3A_441 : i32 to index
      %get3A_443 = arith.constant 16 : index
      %get3A_444 = tpu.vector_load %arg7[%get3A_442, %get3A_443] {strides = array<i32>} : memref<2x128xi32, #tpu.memory_space<vmem>>, vector<1x16xi32>,
      %get3A_445 = vector.shape_cast %get3A_444 : vector<1x16xi32> to vector<16xi32>
      %get3A_446 = arith.constant 1 : i32
      %get3A_447 = arith.index_cast %get3A_446 : i32 to index
      %get3A_448 = arith.constant 16 : index
      %get3A_449 = tpu.vector_load %arg7[%get3A_447, %get3A_448] {strides = array<i32>} : memref<2x128xi32, #tpu.memory_space<vmem>>, vector<1x16xi32>,
      %get3A_450 = vector.shape_cast %get3A_449 : vector<1x16xi32> to vector<16xi32>
      %eq3A_451 = arith.cmpi eq, %get3A_445, %get3A_450 : vector<16xi32>
      %jit3A_452 = arith.constant 1.000000e+00 : f32
      %jit3A_453 = arith.constant 0.000000e+00 : f32
      %broadcast_in_dim3A_454 = vector.broadcast %jit3A_452 : f32 to vector<16xf32>
      %broadcast_in_dim3A_455 = vector.broadcast %jit3A_453 : f32 to vector<16xf32>
      %select_n3A_456 = arith.select %eq3A_451, %broadcast_in_dim3A_454, %broadcast_in_dim3A_455 : vector<16xi1>, vector<16xf32>
      %swap3A_457 = arith.constant 16 : index
      %swap3A_458 = tpu.vector_load %arg17[%swap3A_457] {strides = array<i32>} : memref<128xf32, #tpu.memory_space<vmem>>, vector<16xf32>,
      %swap3A_459 = vector.shape_cast %swap3A_458 : vector<16xf32> to vector<16xf32>
      %swap3A_460 = vector.shape_cast %select_n3A_456 : vector<16xf32> to vector<16xf32>
      tpu.vector_store %arg17[%swap3A_457], %swap3A_460 {strides = array<i32>} : memref<128xf32, #tpu.memory_space<vmem>>, vector<16xf32>,
      %get3A_461 = arith.constant 0 : i32
      %get3A_462 = arith.index_cast %get3A_461 : i32 to index
      %get3A_463 = arith.constant 32 : index
      %get3A_464 = tpu.vector_load %arg7[%get3A_462, %get3A_463] {strides = array<i32>} : memref<2x128xi32, #tpu.memory_space<vmem>>, vector<1x16xi32>,
      %get3A_465 = vector.shape_cast %get3A_464 : vector<1x16xi32> to vector<16xi32>
      %get3A_466 = arith.constant 1 : i32
      %get3A_467 = arith.index_cast %get3A_466 : i32 to index
      %get3A_468 = arith.constant 32 : index
      %get3A_469 = tpu.vector_load %arg7[%get3A_467, %get3A_468] {strides = array<i32>} : memref<2x128xi32, #tpu.memory_space<vmem>>, vector<1x16xi32>,
      %get3A_470 = vector.shape_cast %get3A_469 : vector<1x16xi32> to vector<16xi32>
      %eq3A_471 = arith.cmpi eq, %get3A_465, %get3A_470 : vector<16xi32>
      %jit3A_472 = arith.constant 1.000000e+00 : f32
      %jit3A_473 = arith.constant 0.000000e+00 : f32
      %broadcast_in_dim3A_474 = vector.broadcast %jit3A_472 : f32 to vector<16xf32>
      %broadcast_in_dim3A_475 = vector.broadcast %jit3A_473 : f32 to vector<16xf32>
      %select_n3A_476 = arith.select %eq3A_471, %broadcast_in_dim3A_474, %broadcast_in_dim3A_475 : vector<16xi1>, vector<16xf32>
      %swap3A_477 = arith.constant 32 : index
      %swap3A_478 = tpu.vector_load %arg17[%swap3A_477] {strides = array<i32>} : memref<128xf32, #tpu.memory_space<vmem>>, vector<16xf32>,
      %swap3A_479 = vector.shape_cast %swap3A_478 : vector<16xf32> to vector<16xf32>
      %swap3A_480 = vector.shape_cast %select_n3A_476 : vector<16xf32> to vector<16xf32>
      tpu.vector_store %arg17[%swap3A_477], %swap3A_480 {strides = array<i32>} : memref<128xf32, #tpu.memory_space<vmem>>, vector<16xf32>,
      %get3A_481 = arith.constant 0 : i32
      %get3A_482 = arith.index_cast %get3A_481 : i32 to index
      %get3A_483 = arith.constant 48 : index
      %get3A_484 = tpu.vector_load %arg7[%get3A_482, %get3A_483] {strides = array<i32>} : memref<2x128xi32, #tpu.memory_space<vmem>>, vector<1x16xi32>,
      %get3A_485 = vector.shape_cast %get3A_484 : vector<1x16xi32> to vector<16xi32>
      %get3A_486 = arith.constant 1 : i32
      %get3A_487 = arith.index_cast %get3A_486 : i32 to index
      %get3A_488 = arith.constant 48 : index
      %get3A_489 = tpu.vector_load %arg7[%get3A_487, %get3A_488] {strides = array<i32>} : memref<2x128xi32, #tpu.memory_space<vmem>>, vector<1x16xi32>,
      %get3A_490 = vector.shape_cast %get3A_489 : vector<1x16xi32> to vector<16xi32>
      %eq3A_491 = arith.cmpi eq, %get3A_485, %get3A_490 : vector<16xi32>
      %jit3A_492 = arith.constant 1.000000e+00 : f32
      %jit3A_493 = arith.constant 0.000000e+00 : f32
      %broadcast_in_dim3A_494 = vector.broadcast %jit3A_492 : f32 to vector<16xf32>
      %broadcast_in_dim3A_495 = vector.broadcast %jit3A_493 : f32 to vector<16xf32>
      %select_n3A_496 = arith.select %eq3A_491, %broadcast_in_dim3A_494, %broadcast_in_dim3A_495 : vector<16xi1>, vector<16xf32>
      %swap3A_497 = arith.constant 48 : index
      %swap3A_498 = tpu.vector_load %arg17[%swap3A_497] {strides = array<i32>} : memref<128xf32, #tpu.memory_space<vmem>>, vector<16xf32>,
      %swap3A_499 = vector.shape_cast %swap3A_498 : vector<16xf32> to vector<16xf32>
      %swap3A_500 = vector.shape_cast %select_n3A_496 : vector<16xf32> to vector<16xf32>
      tpu.vector_store %arg17[%swap3A_497], %swap3A_500 {strides = array<i32>} : memref<128xf32, #tpu.memory_space<vmem>>, vector<16xf32>,
      %get3A_501 = arith.constant 0 : i32
      %get3A_502 = arith.index_cast %get3A_501 : i32 to index
      %get3A_503 = arith.constant 64 : index
      %get3A_504 = tpu.vector_load %arg7[%get3A_502, %get3A_503] {strides = array<i32>} : memref<2x128xi32, #tpu.memory_space<vmem>>, vector<1x16xi32>,
      %get3A_505 = vector.shape_cast %get3A_504 : vector<1x16xi32> to vector<16xi32>
      %get3A_506 = arith.constant 1 : i32
      %get3A_507 = arith.index_cast %get3A_506 : i32 to index
      %get3A_508 = arith.constant 64 : index
      %get3A_509 = tpu.vector_load %arg7[%get3A_507, %get3A_508] {strides = array<i32>} : memref<2x128xi32, #tpu.memory_space<vmem>>, vector<1x16xi32>,
      %get3A_510 = vector.shape_cast %get3A_509 : vector<1x16xi32> to vector<16xi32>
      %eq3A_511 = arith.cmpi eq, %get3A_505, %get3A_510 : vector<16xi32>
      %jit3A_512 = arith.constant 1.000000e+00 : f32
      %jit3A_513 = arith.constant 0.000000e+00 : f32
      %broadcast_in_dim3A_514 = vector.broadcast %jit3A_512 : f32 to vector<16xf32>
      %broadcast_in_dim3A_515 = vector.broadcast %jit3A_513 : f32 to vector<16xf32>
      %select_n3A_516 = arith.select %eq3A_511, %broadcast_in_dim3A_514, %broadcast_in_dim3A_515 : vector<16xi1>, vector<16xf32>
      %swap3A_517 = arith.constant 64 : index
      %swap3A_518 = tpu.vector_load %arg17[%swap3A_517] {strides = array<i32>} : memref<128xf32, #tpu.memory_space<vmem>>, vector<16xf32>,
      %swap3A_519 = vector.shape_cast %swap3A_518 : vector<16xf32> to vector<16xf32>
      %swap3A_520 = vector.shape_cast %select_n3A_516 : vector<16xf32> to vector<16xf32>
      tpu.vector_store %arg17[%swap3A_517], %swap3A_520 {strides = array<i32>} : memref<128xf32, #tpu.memory_space<vmem>>, vector<16xf32>,
      %get3A_521 = arith.constant 0 : i32
      %get3A_522 = arith.index_cast %get3A_521 : i32 to index
      %get3A_523 = arith.constant 80 : index
      %get3A_524 = tpu.vector_load %arg7[%get3A_522, %get3A_523] {strides = array<i32>} : memref<2x128xi32, #tpu.memory_space<vmem>>, vector<1x16xi32>,
      %get3A_525 = vector.shape_cast %get3A_524 : vector<1x16xi32> to vector<16xi32>
      %get3A_526 = arith.constant 1 : i32
      %get3A_527 = arith.index_cast %get3A_526 : i32 to index
      %get3A_528 = arith.constant 80 : index
      %get3A_529 = tpu.vector_load %arg7[%get3A_527, %get3A_528] {strides = array<i32>} : memref<2x128xi32, #tpu.memory_space<vmem>>, vector<1x16xi32>,
      %get3A_530 = vector.shape_cast %get3A_529 : vector<1x16xi32> to vector<16xi32>
      %eq3A_531 = arith.cmpi eq, %get3A_525, %get3A_530 : vector<16xi32>
      %jit3A_532 = arith.constant 1.000000e+00 : f32
      %jit3A_533 = arith.constant 0.000000e+00 : f32
      %broadcast_in_dim3A_534 = vector.broadcast %jit3A_532 : f32 to vector<16xf32>
      %broadcast_in_dim3A_535 = vector.broadcast %jit3A_533 : f32 to vector<16xf32>
      %select_n3A_536 = arith.select %eq3A_531, %broadcast_in_dim3A_534, %broadcast_in_dim3A_535 : vector<16xi1>, vector<16xf32>
      %swap3A_537 = arith.constant 80 : index
      %swap3A_538 = tpu.vector_load %arg17[%swap3A_537] {strides = array<i32>} : memref<128xf32, #tpu.memory_space<vmem>>, vector<16xf32>,
      %swap3A_539 = vector.shape_cast %swap3A_538 : vector<16xf32> to vector<16xf32>
      %swap3A_540 = vector.shape_cast %select_n3A_536 : vector<16xf32> to vector<16xf32>
      tpu.vector_store %arg17[%swap3A_537], %swap3A_540 {strides = array<i32>} : memref<128xf32, #tpu.memory_space<vmem>>, vector<16xf32>,
      %get3A_541 = arith.constant 0 : i32
      %get3A_542 = arith.index_cast %get3A_541 : i32 to index
      %get3A_543 = arith.constant 96 : index
      %get3A_544 = tpu.vector_load %arg7[%get3A_542, %get3A_543] {strides = array<i32>} : memref<2x128xi32, #tpu.memory_space<vmem>>, vector<1x16xi32>,
      %get3A_545 = vector.shape_cast %get3A_544 : vector<1x16xi32> to vector<16xi32>
      %get3A_546 = arith.constant 1 : i32
      %get3A_547 = arith.index_cast %get3A_546 : i32 to index
      %get3A_548 = arith.constant 96 : index
      %get3A_549 = tpu.vector_load %arg7[%get3A_547, %get3A_548] {strides = array<i32>} : memref<2x128xi32, #tpu.memory_space<vmem>>, vector<1x16xi32>,
      %get3A_550 = vector.shape_cast %get3A_549 : vector<1x16xi32> to vector<16xi32>
      %eq3A_551 = arith.cmpi eq, %get3A_545, %get3A_550 : vector<16xi32>
      %jit3A_552 = arith.constant 1.000000e+00 : f32
      %jit3A_553 = arith.constant 0.000000e+00 : f32
      %broadcast_in_dim3A_554 = vector.broadcast %jit3A_552 : f32 to vector<16xf32>
      %broadcast_in_dim3A_555 = vector.broadcast %jit3A_553 : f32 to vector<16xf32>
      %select_n3A_556 = arith.select %eq3A_551, %broadcast_in_dim3A_554, %broadcast_in_dim3A_555 : vector<16xi1>, vector<16xf32>
      %swap3A_557 = arith.constant 96 : index
      %swap3A_558 = tpu.vector_load %arg17[%swap3A_557] {strides = array<i32>} : memref<128xf32, #tpu.memory_space<vmem>>, vector<16xf32>,
      %swap3A_559 = vector.shape_cast %swap3A_558 : vector<16xf32> to vector<16xf32>
      %swap3A_560 = vector.shape_cast %select_n3A_556 : vector<16xf32> to vector<16xf32>
      tpu.vector_store %arg17[%swap3A_557], %swap3A_560 {strides = array<i32>} : memref<128xf32, #tpu.memory_space<vmem>>, vector<16xf32>,
      %get3A_561 = arith.constant 0 : i32
      %get3A_562 = arith.index_cast %get3A_561 : i32 to index
      %get3A_563 = arith.constant 112 : index
      %get3A_564 = tpu.vector_load %arg7[%get3A_562, %get3A_563] {strides = array<i32>} : memref<2x128xi32, #tpu.memory_space<vmem>>, vector<1x16xi32>,
      %get3A_565 = vector.shape_cast %get3A_564 : vector<1x16xi32> to vector<16xi32>
      %get3A_566 = arith.constant 1 : i32
      %get3A_567 = arith.index_cast %get3A_566 : i32 to index
      %get3A_568 = arith.constant 112 : index
      %get3A_569 = tpu.vector_load %arg7[%get3A_567, %get3A_568] {strides = array<i32>} : memref<2x128xi32, #tpu.memory_space<vmem>>, vector<1x16xi32>,
      %get3A_570 = vector.shape_cast %get3A_569 : vector<1x16xi32> to vector<16xi32>
      %eq3A_571 = arith.cmpi eq, %get3A_565, %get3A_570 : vector<16xi32>
      %jit3A_572 = arith.constant 1.000000e+00 : f32
      %jit3A_573 = arith.constant 0.000000e+00 : f32
      %broadcast_in_dim3A_574 = vector.broadcast %jit3A_572 : f32 to vector<16xf32>
      %broadcast_in_dim3A_575 = vector.broadcast %jit3A_573 : f32 to vector<16xf32>
      %select_n3A_576 = arith.select %eq3A_571, %broadcast_in_dim3A_574, %broadcast_in_dim3A_575 : vector<16xi1>, vector<16xf32>
      %swap3A_577 = arith.constant 112 : index
      %swap3A_578 = tpu.vector_load %arg17[%swap3A_577] {strides = array<i32>} : memref<128xf32, #tpu.memory_space<vmem>>, vector<16xf32>,
      %swap3A_579 = vector.shape_cast %swap3A_578 : vector<16xf32> to vector<16xf32>
      %swap3A_580 = vector.shape_cast %select_n3A_576 : vector<16xf32> to vector<16xf32>
      tpu.vector_store %arg17[%swap3A_577], %swap3A_580 {strides = array<i32>} : memref<128xf32, #tpu.memory_space<vmem>>, vector<16xf32>,
      %dma_start3A_581 = arith.constant 0 : i32
      %dma_start3A_582 = arith.constant 0 : i32
      %dma_start3A_583 = tpu.memref_slice %arg7[%dma_start3A_581, %dma_start3A_582] : memref<2x128xi32, #tpu.memory_space<vmem>> -> memref<1x128xi32, #tpu.memory_space<vmem>>
      %dma_start3A_584 = tpu.memref_squeeze %dma_start3A_583 : memref<1x128xi32, #tpu.memory_space<vmem>> -> memref<128xi32, #tpu.memory_space<vmem>>
      %dma_start3A_585 = arith.constant 0 : i32
      %dma_start3A_586 = tpu.memref_slice %arg22[%dma_start3A_585] : memref<10240xf32, #tpu.memory_space<vmem_shared>> -> memref<10240xf32, #tpu.memory_space<vmem_shared>>
      tpu.enqueue_indirect_dma source(%arg17 : memref<128xf32, #tpu.memory_space<vmem>>) target(%dma_start3A_586 : memref<10240xf32, #tpu.memory_space<vmem_shared>>) offsets(%dma_start3A_584 : memref<128xi32, #tpu.memory_space<vmem>>) semaphore(%arg25 : memref<!tpu.dma_semaphore, #tpu.memory_space<semaphore_mem>>) {add = true}
    }
    %dma_wait3A = arith.constant 0 : i32
    %dma_wait3A_137 = arith.constant 0 : i32
    %dma_wait3A_138 = tpu.memref_slice %arg8[%dma_wait3A, %dma_wait3A_137] : memref<2x128xi32, #tpu.memory_space<vmem>> -> memref<1x128xi32, #tpu.memory_space<vmem>>
    %dma_wait3A_139 = tpu.memref_squeeze %dma_wait3A_138 : memref<1x128xi32, #tpu.memory_space<vmem>> -> memref<128xi32, #tpu.memory_space<vmem>>
    %dma_wait3A_140 = arith.constant 0 : i32
    %dma_wait3A_141 = arith.constant 0 : i32
    %dma_wait3A_142 = tpu.memref_slice %arg2[%dma_wait3A_140, %dma_wait3A_141] : memref<10000x128xf32, #tpu.memory_space<hbm>> -> memref<10000x128xf32, #tpu.memory_space<hbm>>
    tpu.wait_indirect_dma semaphore(%arg14 : memref<!tpu.dma_semaphore, #tpu.memory_space<semaphore_mem>>) src(%dma_wait3A_142 : memref<10000x128xf32, #tpu.memory_space<hbm>>) dst(%arg10 : memref<128x128xf32, #tpu.memory_space<vmem>>)
    %dma_start3A = arith.constant 1 : i32
    %dma_start3A_143 = arith.constant 0 : i32
    %dma_start3A_144 = tpu.memref_slice %arg8[%dma_start3A, %dma_start3A_143] : memref<2x128xi32, #tpu.memory_space<vmem>> -> memref<1x128xi32, #tpu.memory_space<vmem>>
    %dma_start3A_145 = tpu.memref_squeeze %dma_start3A_144 : memref<1x128xi32, #tpu.memory_space<vmem>> -> memref<128xi32, #tpu.memory_space<vmem>>
    %dma_start3A_146 = arith.constant 0 : i32
    %dma_start3A_147 = arith.constant 0 : i32
    %dma_start3A_148 = tpu.memref_slice %arg12[%dma_start3A_146, %dma_start3A_147] : memref<10240x128xf32, #tpu.memory_space<vmem_shared>> -> memref<10240x128xf32, #tpu.memory_space<vmem_shared>>
    tpu.enqueue_indirect_dma source(%arg10 : memref<128x128xf32, #tpu.memory_space<vmem>>) target(%dma_start3A_148 : memref<10240x128xf32, #tpu.memory_space<vmem_shared>>) offsets(%dma_start3A_145 : memref<128xi32, #tpu.memory_space<vmem>>) semaphore(%arg16 : memref<!tpu.dma_semaphore, #tpu.memory_space<semaphore_mem>>) {add = true}
    %dma_start3A_149 = arith.constant 1 : i32
    %dma_start3A_150 = arith.constant 0 : i32
    %dma_start3A_151 = tpu.memref_slice %arg8[%dma_start3A_149, %dma_start3A_150] : memref<2x128xi32, #tpu.memory_space<vmem>> -> memref<1x128xi32, #tpu.memory_space<vmem>>
    %dma_start3A_152 = tpu.memref_squeeze %dma_start3A_151 : memref<1x128xi32, #tpu.memory_space<vmem>> -> memref<128xi32, #tpu.memory_space<vmem>>
    %dma_start3A_153 = arith.constant 0 : i32
    %dma_start3A_154 = tpu.memref_slice %arg21[%dma_start3A_153] : memref<10240xf32, #tpu.memory_space<vmem_shared>> -> memref<10240xf32, #tpu.memory_space<vmem_shared>>
    tpu.enqueue_indirect_dma source(%arg19 : memref<128xf32, #tpu.memory_space<vmem>>) target(%dma_start3A_154 : memref<10240xf32, #tpu.memory_space<vmem_shared>>) offsets(%dma_start3A_152 : memref<128xi32, #tpu.memory_space<vmem>>) semaphore(%arg24 : memref<!tpu.dma_semaphore, #tpu.memory_space<semaphore_mem>>) {add = true}
    %get3A = arith.constant 0 : i32
    %get3A_155 = arith.index_cast %get3A : i32 to index
    %get3A_156 = arith.constant 0 : index
    %get3A_157 = tpu.vector_load %arg8[%get3A_155, %get3A_156] {strides = array<i32>} : memref<2x128xi32, #tpu.memory_space<vmem>>, vector<1x16xi32>,
    %get3A_158 = vector.shape_cast %get3A_157 : vector<1x16xi32> to vector<16xi32>
    %get3A_159 = arith.constant 1 : i32
    %get3A_160 = arith.index_cast %get3A_159 : i32 to index
    %get3A_161 = arith.constant 0 : index
    %get3A_162 = tpu.vector_load %arg8[%get3A_160, %get3A_161] {strides = array<i32>} : memref<2x128xi32, #tpu.memory_space<vmem>>, vector<1x16xi32>,
    %get3A_163 = vector.shape_cast %get3A_162 : vector<1x16xi32> to vector<16xi32>
    %eq3A_164 = arith.cmpi eq, %get3A_158, %get3A_163 : vector<16xi32>
    %jit3A_165 = arith.constant 1.000000e+00 : f32
    %jit3A_166 = arith.constant 0.000000e+00 : f32
    %broadcast_in_dim3A_167 = vector.broadcast %jit3A_165 : f32 to vector<16xf32>
    %broadcast_in_dim3A_168 = vector.broadcast %jit3A_166 : f32 to vector<16xf32>
    %select_n3A_169 = arith.select %eq3A_164, %broadcast_in_dim3A_167, %broadcast_in_dim3A_168 : vector<16xi1>, vector<16xf32>
    %swap3A_170 = arith.constant 0 : index
    %swap3A_171 = tpu.vector_load %arg18[%swap3A_170] {strides = array<i32>} : memref<128xf32, #tpu.memory_space<vmem>>, vector<16xf32>,
    %swap3A_172 = vector.shape_cast %swap3A_171 : vector<16xf32> to vector<16xf32>
    %swap3A_173 = vector.shape_cast %select_n3A_169 : vector<16xf32> to vector<16xf32>
    tpu.vector_store %arg18[%swap3A_170], %swap3A_173 {strides = array<i32>} : memref<128xf32, #tpu.memory_space<vmem>>, vector<16xf32>,
    %get3A_174 = arith.constant 0 : i32
    %get3A_175 = arith.index_cast %get3A_174 : i32 to index
    %get3A_176 = arith.constant 16 : index
    %get3A_177 = tpu.vector_load %arg8[%get3A_175, %get3A_176] {strides = array<i32>} : memref<2x128xi32, #tpu.memory_space<vmem>>, vector<1x16xi32>,
    %get3A_178 = vector.shape_cast %get3A_177 : vector<1x16xi32> to vector<16xi32>
    %get3A_179 = arith.constant 1 : i32
    %get3A_180 = arith.index_cast %get3A_179 : i32 to index
    %get3A_181 = arith.constant 16 : index
    %get3A_182 = tpu.vector_load %arg8[%get3A_180, %get3A_181] {strides = array<i32>} : memref<2x128xi32, #tpu.memory_space<vmem>>, vector<1x16xi32>,
    %get3A_183 = vector.shape_cast %get3A_182 : vector<1x16xi32> to vector<16xi32>
    %eq3A_184 = arith.cmpi eq, %get3A_178, %get3A_183 : vector<16xi32>
    %jit3A_185 = arith.constant 1.000000e+00 : f32
    %jit3A_186 = arith.constant 0.000000e+00 : f32
    %broadcast_in_dim3A_187 = vector.broadcast %jit3A_185 : f32 to vector<16xf32>
    %broadcast_in_dim3A_188 = vector.broadcast %jit3A_186 : f32 to vector<16xf32>
    %select_n3A_189 = arith.select %eq3A_184, %broadcast_in_dim3A_187, %broadcast_in_dim3A_188 : vector<16xi1>, vector<16xf32>
    %swap3A_190 = arith.constant 16 : index
    %swap3A_191 = tpu.vector_load %arg18[%swap3A_190] {strides = array<i32>} : memref<128xf32, #tpu.memory_space<vmem>>, vector<16xf32>,
    %swap3A_192 = vector.shape_cast %swap3A_191 : vector<16xf32> to vector<16xf32>
    %swap3A_193 = vector.shape_cast %select_n3A_189 : vector<16xf32> to vector<16xf32>
    tpu.vector_store %arg18[%swap3A_190], %swap3A_193 {strides = array<i32>} : memref<128xf32, #tpu.memory_space<vmem>>, vector<16xf32>,
    %get3A_194 = arith.constant 0 : i32
    %get3A_195 = arith.index_cast %get3A_194 : i32 to index
    %get3A_196 = arith.constant 32 : index
    %get3A_197 = tpu.vector_load %arg8[%get3A_195, %get3A_196] {strides = array<i32>} : memref<2x128xi32, #tpu.memory_space<vmem>>, vector<1x16xi32>,
    %get3A_198 = vector.shape_cast %get3A_197 : vector<1x16xi32> to vector<16xi32>
    %get3A_199 = arith.constant 1 : i32
    %get3A_200 = arith.index_cast %get3A_199 : i32 to index
    %get3A_201 = arith.constant 32 : index
    %get3A_202 = tpu.vector_load %arg8[%get3A_200, %get3A_201] {strides = array<i32>} : memref<2x128xi32, #tpu.memory_space<vmem>>, vector<1x16xi32>,
    %get3A_203 = vector.shape_cast %get3A_202 : vector<1x16xi32> to vector<16xi32>
    %eq3A_204 = arith.cmpi eq, %get3A_198, %get3A_203 : vector<16xi32>
    %jit3A_205 = arith.constant 1.000000e+00 : f32
    %jit3A_206 = arith.constant 0.000000e+00 : f32
    %broadcast_in_dim3A_207 = vector.broadcast %jit3A_205 : f32 to vector<16xf32>
    %broadcast_in_dim3A_208 = vector.broadcast %jit3A_206 : f32 to vector<16xf32>
    %select_n3A_209 = arith.select %eq3A_204, %broadcast_in_dim3A_207, %broadcast_in_dim3A_208 : vector<16xi1>, vector<16xf32>
    %swap3A_210 = arith.constant 32 : index
    %swap3A_211 = tpu.vector_load %arg18[%swap3A_210] {strides = array<i32>} : memref<128xf32, #tpu.memory_space<vmem>>, vector<16xf32>,
    %swap3A_212 = vector.shape_cast %swap3A_211 : vector<16xf32> to vector<16xf32>
    %swap3A_213 = vector.shape_cast %select_n3A_209 : vector<16xf32> to vector<16xf32>
    tpu.vector_store %arg18[%swap3A_210], %swap3A_213 {strides = array<i32>} : memref<128xf32, #tpu.memory_space<vmem>>, vector<16xf32>,
    %get3A_214 = arith.constant 0 : i32
    %get3A_215 = arith.index_cast %get3A_214 : i32 to index
    %get3A_216 = arith.constant 48 : index
    %get3A_217 = tpu.vector_load %arg8[%get3A_215, %get3A_216] {strides = array<i32>} : memref<2x128xi32, #tpu.memory_space<vmem>>, vector<1x16xi32>,
    %get3A_218 = vector.shape_cast %get3A_217 : vector<1x16xi32> to vector<16xi32>
    %get3A_219 = arith.constant 1 : i32
    %get3A_220 = arith.index_cast %get3A_219 : i32 to index
    %get3A_221 = arith.constant 48 : index
    %get3A_222 = tpu.vector_load %arg8[%get3A_220, %get3A_221] {strides = array<i32>} : memref<2x128xi32, #tpu.memory_space<vmem>>, vector<1x16xi32>,
    %get3A_223 = vector.shape_cast %get3A_222 : vector<1x16xi32> to vector<16xi32>
    %eq3A_224 = arith.cmpi eq, %get3A_218, %get3A_223 : vector<16xi32>
    %jit3A_225 = arith.constant 1.000000e+00 : f32
    %jit3A_226 = arith.constant 0.000000e+00 : f32
    %broadcast_in_dim3A_227 = vector.broadcast %jit3A_225 : f32 to vector<16xf32>
    %broadcast_in_dim3A_228 = vector.broadcast %jit3A_226 : f32 to vector<16xf32>
    %select_n3A_229 = arith.select %eq3A_224, %broadcast_in_dim3A_227, %broadcast_in_dim3A_228 : vector<16xi1>, vector<16xf32>
    %swap3A_230 = arith.constant 48 : index
    %swap3A_231 = tpu.vector_load %arg18[%swap3A_230] {strides = array<i32>} : memref<128xf32, #tpu.memory_space<vmem>>, vector<16xf32>,
    %swap3A_232 = vector.shape_cast %swap3A_231 : vector<16xf32> to vector<16xf32>
    %swap3A_233 = vector.shape_cast %select_n3A_229 : vector<16xf32> to vector<16xf32>
    tpu.vector_store %arg18[%swap3A_230], %swap3A_233 {strides = array<i32>} : memref<128xf32, #tpu.memory_space<vmem>>, vector<16xf32>,
    %get3A_234 = arith.constant 0 : i32
    %get3A_235 = arith.index_cast %get3A_234 : i32 to index
    %get3A_236 = arith.constant 64 : index
    %get3A_237 = tpu.vector_load %arg8[%get3A_235, %get3A_236] {strides = array<i32>} : memref<2x128xi32, #tpu.memory_space<vmem>>, vector<1x16xi32>,
    %get3A_238 = vector.shape_cast %get3A_237 : vector<1x16xi32> to vector<16xi32>
    %get3A_239 = arith.constant 1 : i32
    %get3A_240 = arith.index_cast %get3A_239 : i32 to index
    %get3A_241 = arith.constant 64 : index
    %get3A_242 = tpu.vector_load %arg8[%get3A_240, %get3A_241] {strides = array<i32>} : memref<2x128xi32, #tpu.memory_space<vmem>>, vector<1x16xi32>,
    %get3A_243 = vector.shape_cast %get3A_242 : vector<1x16xi32> to vector<16xi32>
    %eq3A_244 = arith.cmpi eq, %get3A_238, %get3A_243 : vector<16xi32>
    %jit3A_245 = arith.constant 1.000000e+00 : f32
    %jit3A_246 = arith.constant 0.000000e+00 : f32
    %broadcast_in_dim3A_247 = vector.broadcast %jit3A_245 : f32 to vector<16xf32>
    %broadcast_in_dim3A_248 = vector.broadcast %jit3A_246 : f32 to vector<16xf32>
    %select_n3A_249 = arith.select %eq3A_244, %broadcast_in_dim3A_247, %broadcast_in_dim3A_248 : vector<16xi1>, vector<16xf32>
    %swap3A_250 = arith.constant 64 : index
    %swap3A_251 = tpu.vector_load %arg18[%swap3A_250] {strides = array<i32>} : memref<128xf32, #tpu.memory_space<vmem>>, vector<16xf32>,
    %swap3A_252 = vector.shape_cast %swap3A_251 : vector<16xf32> to vector<16xf32>
    %swap3A_253 = vector.shape_cast %select_n3A_249 : vector<16xf32> to vector<16xf32>
    tpu.vector_store %arg18[%swap3A_250], %swap3A_253 {strides = array<i32>} : memref<128xf32, #tpu.memory_space<vmem>>, vector<16xf32>,
    %get3A_254 = arith.constant 0 : i32
    %get3A_255 = arith.index_cast %get3A_254 : i32 to index
    %get3A_256 = arith.constant 80 : index
    %get3A_257 = tpu.vector_load %arg8[%get3A_255, %get3A_256] {strides = array<i32>} : memref<2x128xi32, #tpu.memory_space<vmem>>, vector<1x16xi32>,
    %get3A_258 = vector.shape_cast %get3A_257 : vector<1x16xi32> to vector<16xi32>
    %get3A_259 = arith.constant 1 : i32
    %get3A_260 = arith.index_cast %get3A_259 : i32 to index
    %get3A_261 = arith.constant 80 : index
    %get3A_262 = tpu.vector_load %arg8[%get3A_260, %get3A_261] {strides = array<i32>} : memref<2x128xi32, #tpu.memory_space<vmem>>, vector<1x16xi32>,
    %get3A_263 = vector.shape_cast %get3A_262 : vector<1x16xi32> to vector<16xi32>
    %eq3A_264 = arith.cmpi eq, %get3A_258, %get3A_263 : vector<16xi32>
    %jit3A_265 = arith.constant 1.000000e+00 : f32
    %jit3A_266 = arith.constant 0.000000e+00 : f32
    %broadcast_in_dim3A_267 = vector.broadcast %jit3A_265 : f32 to vector<16xf32>
    %broadcast_in_dim3A_268 = vector.broadcast %jit3A_266 : f32 to vector<16xf32>
    %select_n3A_269 = arith.select %eq3A_264, %broadcast_in_dim3A_267, %broadcast_in_dim3A_268 : vector<16xi1>, vector<16xf32>
    %swap3A_270 = arith.constant 80 : index
    %swap3A_271 = tpu.vector_load %arg18[%swap3A_270] {strides = array<i32>} : memref<128xf32, #tpu.memory_space<vmem>>, vector<16xf32>,
    %swap3A_272 = vector.shape_cast %swap3A_271 : vector<16xf32> to vector<16xf32>
    %swap3A_273 = vector.shape_cast %select_n3A_269 : vector<16xf32> to vector<16xf32>
    tpu.vector_store %arg18[%swap3A_270], %swap3A_273 {strides = array<i32>} : memref<128xf32, #tpu.memory_space<vmem>>, vector<16xf32>,
    %get3A_274 = arith.constant 0 : i32
    %get3A_275 = arith.index_cast %get3A_274 : i32 to index
    %get3A_276 = arith.constant 96 : index
    %get3A_277 = tpu.vector_load %arg8[%get3A_275, %get3A_276] {strides = array<i32>} : memref<2x128xi32, #tpu.memory_space<vmem>>, vector<1x16xi32>,
    %get3A_278 = vector.shape_cast %get3A_277 : vector<1x16xi32> to vector<16xi32>
    %get3A_279 = arith.constant 1 : i32
    %get3A_280 = arith.index_cast %get3A_279 : i32 to index
    %get3A_281 = arith.constant 96 : index
    %get3A_282 = tpu.vector_load %arg8[%get3A_280, %get3A_281] {strides = array<i32>} : memref<2x128xi32, #tpu.memory_space<vmem>>, vector<1x16xi32>,
    %get3A_283 = vector.shape_cast %get3A_282 : vector<1x16xi32> to vector<16xi32>
    %eq3A_284 = arith.cmpi eq, %get3A_278, %get3A_283 : vector<16xi32>
    %jit3A_285 = arith.constant 1.000000e+00 : f32
    %jit3A_286 = arith.constant 0.000000e+00 : f32
    %broadcast_in_dim3A_287 = vector.broadcast %jit3A_285 : f32 to vector<16xf32>
    %broadcast_in_dim3A_288 = vector.broadcast %jit3A_286 : f32 to vector<16xf32>
    %select_n3A_289 = arith.select %eq3A_284, %broadcast_in_dim3A_287, %broadcast_in_dim3A_288 : vector<16xi1>, vector<16xf32>
    %swap3A_290 = arith.constant 96 : index
    %swap3A_291 = tpu.vector_load %arg18[%swap3A_290] {strides = array<i32>} : memref<128xf32, #tpu.memory_space<vmem>>, vector<16xf32>,
    %swap3A_292 = vector.shape_cast %swap3A_291 : vector<16xf32> to vector<16xf32>
    %swap3A_293 = vector.shape_cast %select_n3A_289 : vector<16xf32> to vector<16xf32>
    tpu.vector_store %arg18[%swap3A_290], %swap3A_293 {strides = array<i32>} : memref<128xf32, #tpu.memory_space<vmem>>, vector<16xf32>,
    %get3A_294 = arith.constant 0 : i32
    %get3A_295 = arith.index_cast %get3A_294 : i32 to index
    %get3A_296 = arith.constant 112 : index
    %get3A_297 = tpu.vector_load %arg8[%get3A_295, %get3A_296] {strides = array<i32>} : memref<2x128xi32, #tpu.memory_space<vmem>>, vector<1x16xi32>,
    %get3A_298 = vector.shape_cast %get3A_297 : vector<1x16xi32> to vector<16xi32>
    %get3A_299 = arith.constant 1 : i32
    %get3A_300 = arith.index_cast %get3A_299 : i32 to index
    %get3A_301 = arith.constant 112 : index
    %get3A_302 = tpu.vector_load %arg8[%get3A_300, %get3A_301] {strides = array<i32>} : memref<2x128xi32, #tpu.memory_space<vmem>>, vector<1x16xi32>,
    %get3A_303 = vector.shape_cast %get3A_302 : vector<1x16xi32> to vector<16xi32>
    %eq3A_304 = arith.cmpi eq, %get3A_298, %get3A_303 : vector<16xi32>
    %jit3A_305 = arith.constant 1.000000e+00 : f32
    %jit3A_306 = arith.constant 0.000000e+00 : f32
    %broadcast_in_dim3A_307 = vector.broadcast %jit3A_305 : f32 to vector<16xf32>
    %broadcast_in_dim3A_308 = vector.broadcast %jit3A_306 : f32 to vector<16xf32>
    %select_n3A_309 = arith.select %eq3A_304, %broadcast_in_dim3A_307, %broadcast_in_dim3A_308 : vector<16xi1>, vector<16xf32>
    %swap3A_310 = arith.constant 112 : index
    %swap3A_311 = tpu.vector_load %arg18[%swap3A_310] {strides = array<i32>} : memref<128xf32, #tpu.memory_space<vmem>>, vector<16xf32>,
    %swap3A_312 = vector.shape_cast %swap3A_311 : vector<16xf32> to vector<16xf32>
    %swap3A_313 = vector.shape_cast %select_n3A_309 : vector<16xf32> to vector<16xf32>
    tpu.vector_store %arg18[%swap3A_310], %swap3A_313 {strides = array<i32>} : memref<128xf32, #tpu.memory_space<vmem>>, vector<16xf32>,
    %dma_start3A_314 = arith.constant 0 : i32
    %dma_start3A_315 = arith.constant 0 : i32
    %dma_start3A_316 = tpu.memref_slice %arg8[%dma_start3A_314, %dma_start3A_315] : memref<2x128xi32, #tpu.memory_space<vmem>> -> memref<1x128xi32, #tpu.memory_space<vmem>>
    %dma_start3A_317 = tpu.memref_squeeze %dma_start3A_316 : memref<1x128xi32, #tpu.memory_space<vmem>> -> memref<128xi32, #tpu.memory_space<vmem>>
    %dma_start3A_318 = arith.constant 0 : i32
    %dma_start3A_319 = tpu.memref_slice %arg22[%dma_start3A_318] : memref<10240xf32, #tpu.memory_space<vmem_shared>> -> memref<10240xf32, #tpu.memory_space<vmem_shared>>
    tpu.enqueue_indirect_dma source(%arg18 : memref<128xf32, #tpu.memory_space<vmem>>) target(%dma_start3A_319 : memref<10240xf32, #tpu.memory_space<vmem_shared>>) offsets(%dma_start3A_317 : memref<128xi32, #tpu.memory_space<vmem>>) semaphore(%arg26 : memref<!tpu.dma_semaphore, #tpu.memory_space<semaphore_mem>>) {add = true}
    %dma_wait3A_320 = arith.constant 1 : i32
    %dma_wait3A_321 = arith.constant 0 : i32
    %dma_wait3A_322 = tpu.memref_slice %arg7[%dma_wait3A_320, %dma_wait3A_321] : memref<2x128xi32, #tpu.memory_space<vmem>> -> memref<1x128xi32, #tpu.memory_space<vmem>>
    %dma_wait3A_323 = tpu.memref_squeeze %dma_wait3A_322 : memref<1x128xi32, #tpu.memory_space<vmem>> -> memref<128xi32, #tpu.memory_space<vmem>>
    %dma_wait3A_324 = arith.constant 0 : i32
    %dma_wait3A_325 = arith.constant 0 : i32
    %dma_wait3A_326 = tpu.memref_slice %arg12[%dma_wait3A_324, %dma_wait3A_325] : memref<10240x128xf32, #tpu.memory_space<vmem_shared>> -> memref<10240x128xf32, #tpu.memory_space<vmem_shared>>
    tpu.wait_indirect_dma semaphore(%arg15 : memref<!tpu.dma_semaphore, #tpu.memory_space<semaphore_mem>>) src(%arg9 : memref<128x128xf32, #tpu.memory_space<vmem>>) dst(%dma_wait3A_326 : memref<10240x128xf32, #tpu.memory_space<vmem_shared>>)
    %dma_wait3A_327 = arith.constant 1 : i32
    %dma_wait3A_328 = arith.constant 0 : i32
    %dma_wait3A_329 = tpu.memref_slice %arg7[%dma_wait3A_327, %dma_wait3A_328] : memref<2x128xi32, #tpu.memory_space<vmem>> -> memref<1x128xi32, #tpu.memory_space<vmem>>
    %dma_wait3A_330 = tpu.memref_squeeze %dma_wait3A_329 : memref<1x128xi32, #tpu.memory_space<vmem>> -> memref<128xi32, #tpu.memory_space<vmem>>
    %dma_wait3A_331 = arith.constant 0 : i32
    %dma_wait3A_332 = tpu.memref_slice %arg21[%dma_wait3A_331] : memref<10240xf32, #tpu.memory_space<vmem_shared>> -> memref<10240xf32, #tpu.memory_space<vmem_shared>>
    tpu.wait_indirect_dma semaphore(%arg23 : memref<!tpu.dma_semaphore, #tpu.memory_space<semaphore_mem>>) src(%arg19 : memref<128xf32, #tpu.memory_space<vmem>>) dst(%dma_wait3A_332 : memref<10240xf32, #tpu.memory_space<vmem_shared>>)
    %dma_wait3A_333 = arith.constant 0 : i32
    %dma_wait3A_334 = arith.constant 0 : i32
    %dma_wait3A_335 = tpu.memref_slice %arg7[%dma_wait3A_333, %dma_wait3A_334] : memref<2x128xi32, #tpu.memory_space<vmem>> -> memref<1x128xi32, #tpu.memory_space<vmem>>
    %dma_wait3A_336 = tpu.memref_squeeze %dma_wait3A_335 : memref<1x128xi32, #tpu.memory_space<vmem>> -> memref<128xi32, #tpu.memory_space<vmem>>
    %dma_wait3A_337 = arith.constant 0 : i32
    %dma_wait3A_338 = tpu.memref_slice %arg22[%dma_wait3A_337] : memref<10240xf32, #tpu.memory_space<vmem_shared>> -> memref<10240xf32, #tpu.memory_space<vmem_shared>>
    tpu.wait_indirect_dma semaphore(%arg25 : memref<!tpu.dma_semaphore, #tpu.memory_space<semaphore_mem>>) src(%arg17 : memref<128xf32, #tpu.memory_space<vmem>>) dst(%dma_wait3A_338 : memref<10240xf32, #tpu.memory_space<vmem_shared>>)
    %dma_wait3A_339 = arith.constant 1 : i32
    %dma_wait3A_340 = arith.constant 0 : i32
    %dma_wait3A_341 = tpu.memref_slice %arg8[%dma_wait3A_339, %dma_wait3A_340] : memref<2x128xi32, #tpu.memory_space<vmem>> -> memref<1x128xi32, #tpu.memory_space<vmem>>
    %dma_wait3A_342 = tpu.memref_squeeze %dma_wait3A_341 : memref<1x128xi32, #tpu.memory_space<vmem>> -> memref<128xi32, #tpu.memory_space<vmem>>
    %dma_wait3A_343 = arith.constant 0 : i32
    %dma_wait3A_344 = arith.constant 0 : i32
    %dma_wait3A_345 = tpu.memref_slice %arg12[%dma_wait3A_343, %dma_wait3A_344] : memref<10240x128xf32, #tpu.memory_space<vmem_shared>> -> memref<10240x128xf32, #tpu.memory_space<vmem_shared>>
    tpu.wait_indirect_dma semaphore(%arg16 : memref<!tpu.dma_semaphore, #tpu.memory_space<semaphore_mem>>) src(%arg10 : memref<128x128xf32, #tpu.memory_space<vmem>>) dst(%dma_wait3A_345 : memref<10240x128xf32, #tpu.memory_space<vmem_shared>>)
    %dma_wait3A_346 = arith.constant 1 : i32
    %dma_wait3A_347 = arith.constant 0 : i32
    %dma_wait3A_348 = tpu.memref_slice %arg8[%dma_wait3A_346, %dma_wait3A_347] : memref<2x128xi32, #tpu.memory_space<vmem>> -> memref<1x128xi32, #tpu.memory_space<vmem>>
    %dma_wait3A_349 = tpu.memref_squeeze %dma_wait3A_348 : memref<1x128xi32, #tpu.memory_space<vmem>> -> memref<128xi32, #tpu.memory_space<vmem>>
    %dma_wait3A_350 = arith.constant 0 : i32
    %dma_wait3A_351 = tpu.memref_slice %arg21[%dma_wait3A_350] : memref<10240xf32, #tpu.memory_space<vmem_shared>> -> memref<10240xf32, #tpu.memory_space<vmem_shared>>
    tpu.wait_indirect_dma semaphore(%arg24 : memref<!tpu.dma_semaphore, #tpu.memory_space<semaphore_mem>>) src(%arg19 : memref<128xf32, #tpu.memory_space<vmem>>) dst(%dma_wait3A_351 : memref<10240xf32, #tpu.memory_space<vmem_shared>>)
    %dma_wait3A_352 = arith.constant 0 : i32
    %dma_wait3A_353 = arith.constant 0 : i32
    %dma_wait3A_354 = tpu.memref_slice %arg8[%dma_wait3A_352, %dma_wait3A_353] : memref<2x128xi32, #tpu.memory_space<vmem>> -> memref<1x128xi32, #tpu.memory_space<vmem>>
    %dma_wait3A_355 = tpu.memref_squeeze %dma_wait3A_354 : memref<1x128xi32, #tpu.memory_space<vmem>> -> memref<128xi32, #tpu.memory_space<vmem>>
    %dma_wait3A_356 = arith.constant 0 : i32
    %dma_wait3A_357 = tpu.memref_slice %arg22[%dma_wait3A_356] : memref<10240xf32, #tpu.memory_space<vmem_shared>> -> memref<10240xf32, #tpu.memory_space<vmem_shared>>
    tpu.wait_indirect_dma semaphore(%arg26 : memref<!tpu.dma_semaphore, #tpu.memory_space<semaphore_mem>>) src(%arg18 : memref<128xf32, #tpu.memory_space<vmem>>) dst(%dma_wait3A_357 : memref<10240xf32, #tpu.memory_space<vmem_shared>>)
    %barrier3A_358 = arith.constant 0 : index
    tpu.barrier barrier_id(%barrier3A_358)
    %mul3A_359 = arith.constant 640 : i32
    %mul3A_360 = arith.muli %arg1, %mul3A_359 : i32
    %mul3A_361 = arith.constant 640 : i32
    %mul3A_362 = arith.muli %arg1, %mul3A_361 : i32
    "tpu.region"() ({
      %run_scoped3A = tpu.sem_alloc : memref<!tpu.dma_semaphore, #tpu.memory_space<semaphore_mem>>
      %dma_start3A_371 = arith.constant 0 : i32
      %dma_start3A_372 = tpu.memref_slice %arg4[%arg0, %mul3A_362, %dma_start3A_371] : memref<2x10240x128xf32, #tpu.memory_space<hbm>> -> memref<1x640x128xf32, #tpu.memory_space<hbm>>
      %dma_start3A_373 = tpu.memref_squeeze %dma_start3A_372 : memref<1x640x128xf32, #tpu.memory_space<hbm>> -> memref<640x128xf32, #tpu.memory_space<hbm>>
      %dma_start3A_374 = arith.constant 0 : i32
      %dma_start3A_375 = tpu.memref_slice %arg12[%mul3A_360, %dma_start3A_374] : memref<10240x128xf32, #tpu.memory_space<vmem_shared>> -> memref<640x128xf32, #tpu.memory_space<vmem_shared>>
      tpu.enqueue_dma source(%dma_start3A_375 : memref<640x128xf32, #tpu.memory_space<vmem_shared>>) target(%dma_start3A_373 : memref<640x128xf32, #tpu.memory_space<hbm>>) target_semaphore(%run_scoped3A : memref<!tpu.dma_semaphore, #tpu.memory_space<semaphore_mem>>)
      %dma_wait3A_376 = arith.constant 0 : i32
      %dma_wait3A_377 = tpu.memref_slice %arg4[%arg0, %mul3A_362, %dma_wait3A_376] : memref<2x10240x128xf32, #tpu.memory_space<hbm>> -> memref<1x640x128xf32, #tpu.memory_space<hbm>>
      %dma_wait3A_378 = tpu.memref_squeeze %dma_wait3A_377 : memref<1x640x128xf32, #tpu.memory_space<hbm>> -> memref<640x128xf32, #tpu.memory_space<hbm>>
      %dma_wait3A_379 = arith.constant 0 : i32
      %dma_wait3A_380 = tpu.memref_slice %arg12[%mul3A_360, %dma_wait3A_379] : memref<10240x128xf32, #tpu.memory_space<vmem_shared>> -> memref<640x128xf32, #tpu.memory_space<vmem_shared>>
      tpu.wait_dma2 semaphore(%run_scoped3A : memref<!tpu.dma_semaphore, #tpu.memory_space<semaphore_mem>>) src(%dma_wait3A_380 : memref<640x128xf32, #tpu.memory_space<vmem_shared>>) dst(%dma_wait3A_378 : memref<640x128xf32, #tpu.memory_space<hbm>>)
      tpu.yield
    }) : () -> ()
    %mul3A_363 = arith.constant 640 : i32
    %mul3A_364 = arith.muli %arg1, %mul3A_363 : i32
    %mul3A_365 = arith.constant 640 : i32
    %mul3A_366 = arith.muli %arg1, %mul3A_365 : i32
    "tpu.region"() ({
      %run_scoped3A = tpu.sem_alloc : memref<!tpu.dma_semaphore, #tpu.memory_space<semaphore_mem>>
      %dma_start3A_371 = tpu.memref_slice %arg5[%arg0, %mul3A_366] : memref<2x10240xf32, #tpu.memory_space<hbm>> -> memref<1x640xf32, #tpu.memory_space<hbm>>
      %dma_start3A_372 = tpu.memref_squeeze %dma_start3A_371 : memref<1x640xf32, #tpu.memory_space<hbm>> -> memref<640xf32, #tpu.memory_space<hbm>>
      %dma_start3A_373 = tpu.memref_slice %arg21[%mul3A_364] : memref<10240xf32, #tpu.memory_space<vmem_shared>> -> memref<640xf32, #tpu.memory_space<vmem_shared>>
      tpu.enqueue_dma source(%dma_start3A_373 : memref<640xf32, #tpu.memory_space<vmem_shared>>) target(%dma_start3A_372 : memref<640xf32, #tpu.memory_space<hbm>>) target_semaphore(%run_scoped3A : memref<!tpu.dma_semaphore, #tpu.memory_space<semaphore_mem>>)
      %dma_wait3A_374 = tpu.memref_slice %arg5[%arg0, %mul3A_366] : memref<2x10240xf32, #tpu.memory_space<hbm>> -> memref<1x640xf32, #tpu.memory_space<hbm>>
      %dma_wait3A_375 = tpu.memref_squeeze %dma_wait3A_374 : memref<1x640xf32, #tpu.memory_space<hbm>> -> memref<640xf32, #tpu.memory_space<hbm>>
      %dma_wait3A_376 = tpu.memref_slice %arg21[%mul3A_364] : memref<10240xf32, #tpu.memory_space<vmem_shared>> -> memref<640xf32, #tpu.memory_space<vmem_shared>>
      tpu.wait_dma2 semaphore(%run_scoped3A : memref<!tpu.dma_semaphore, #tpu.memory_space<semaphore_mem>>) src(%dma_wait3A_376 : memref<640xf32, #tpu.memory_space<vmem_shared>>) dst(%dma_wait3A_375 : memref<640xf32, #tpu.memory_space<hbm>>)
      tpu.yield
    }) : () -> ()
    %mul3A_367 = arith.constant 640 : i32
    %mul3A_368 = arith.muli %arg1, %mul3A_367 : i32
    %mul3A_369 = arith.constant 640 : i32
    %mul3A_370 = arith.muli %arg1, %mul3A_369 : i32
    "tpu.region"() ({
      %run_scoped3A = tpu.sem_alloc : memref<!tpu.dma_semaphore, #tpu.memory_space<semaphore_mem>>
      %dma_start3A_371 = tpu.memref_slice %arg6[%arg0, %mul3A_370] : memref<2x10240xf32, #tpu.memory_space<hbm>> -> memref<1x640xf32, #tpu.memory_space<hbm>>
      %dma_start3A_372 = tpu.memref_squeeze %dma_start3A_371 : memref<1x640xf32, #tpu.memory_space<hbm>> -> memref<640xf32, #tpu.memory_space<hbm>>
      %dma_start3A_373 = tpu.memref_slice %arg22[%mul3A_368] : memref<10240xf32, #tpu.memory_space<vmem_shared>> -> memref<640xf32, #tpu.memory_space<vmem_shared>>
      tpu.enqueue_dma source(%dma_start3A_373 : memref<640xf32, #tpu.memory_space<vmem_shared>>) target(%dma_start3A_372 : memref<640xf32, #tpu.memory_space<hbm>>) target_semaphore(%run_scoped3A : memref<!tpu.dma_semaphore, #tpu.memory_space<semaphore_mem>>)
      %dma_wait3A_374 = tpu.memref_slice %arg6[%arg0, %mul3A_370] : memref<2x10240xf32, #tpu.memory_space<hbm>> -> memref<1x640xf32, #tpu.memory_space<hbm>>
      %dma_wait3A_375 = tpu.memref_squeeze %dma_wait3A_374 : memref<1x640xf32, #tpu.memory_space<hbm>> -> memref<640xf32, #tpu.memory_space<hbm>>
      %dma_wait3A_376 = tpu.memref_slice %arg22[%mul3A_368] : memref<10240xf32, #tpu.memory_space<vmem_shared>> -> memref<640xf32, #tpu.memory_space<vmem_shared>>
      tpu.wait_dma2 semaphore(%run_scoped3A : memref<!tpu.dma_semaphore, #tpu.memory_space<semaphore_mem>>) src(%dma_wait3A_376 : memref<640xf32, #tpu.memory_space<vmem_shared>>) dst(%dma_wait3A_375 : memref<640xf32, #tpu.memory_space<hbm>>)
      tpu.yield
    }) : () -> ()
    return
  }
}

#map = affine_map<(d0, d1) -> (0, 0)>
#map1 = affine_map<(d0, d1) -> (0, 0, 0)>
module attributes {stable_mosaic.version = 14 : i64} {
  func.func @body(%arg0: i32, %arg1: i32, %arg2: memref<10000x128xf32, #tpu.memory_space<hbm>>, %arg3: memref<2528x2x128xi32, #tpu.memory_space<hbm>>, %arg4: memref<2x10240x128xf32, #tpu.memory_space<hbm>>, %arg5: memref<2x128xi32, #tpu.memory_space<vmem>>, %arg6: memref<2x128xi32, #tpu.memory_space<vmem>>, %arg7: memref<128x128xf32, #tpu.memory_space<vmem>>, %arg8: memref<128x128xf32, #tpu.memory_space<vmem>>, %arg9: memref<64x128xf32, #tpu.memory_space<vmem>>, %arg10: memref<10240x128xf32, #tpu.memory_space<vmem_shared>>, %arg11: memref<!tpu.dma_semaphore, #tpu.memory_space<semaphore_mem>>, %arg12: memref<!tpu.dma_semaphore, #tpu.memory_space<semaphore_mem>>, %arg13: memref<!tpu.dma_semaphore, #tpu.memory_space<semaphore_mem>>, %arg14: memref<!tpu.dma_semaphore, #tpu.memory_space<semaphore_mem>>) attributes {dimension_semantics = [#tpu.dimension_semantics<core_parallel>, #tpu.dimension_semantics<subcore_parallel>], iteration_bounds = array<i64: 2, 16>, scalar_prefetch = 0 : i64, scratch_operands = 10 : i64, tpu.core_type = #tpu.core_type<sc_vector_subcore>, window_params = [{transform_indices = #map}, {transform_indices = #map1}, {transform_indices = #map1}]} {
    %eq3A = arith.constant 0 : i32
    %eq3A_0 = arith.cmpi eq, %arg0, %eq3A : i32
    %jit3A = arith.constant 116 : i32
    %jit3A_1 = arith.constant 42 : i32
    %select_n3A = arith.select %eq3A_0, %jit3A, %jit3A_1 : i32
    %eq3A_2 = arith.constant 0 : i32
    %eq3A_3 = arith.cmpi eq, %arg0, %eq3A_2 : i32
    %mul3A = arith.constant 116 : i32
    %mul3A_4 = arith.muli %arg1, %mul3A : i32
    %mul3A_5 = arith.constant 42 : i32
    %mul3A_6 = arith.muli %arg1, %mul3A_5 : i32
    %add3A = arith.constant 1856 : i32
    %add3A_7 = arith.addi %add3A, %mul3A_6 : i32
    %select_n3A_8 = arith.select %eq3A_3, %mul3A_4, %add3A_7 : i32
    %scan3A = arith.constant 0 : i32
    %scan3A_9 = arith.constant 0 : i32
    %scan3A_10 = arith.constant 512 : i32
    %scan3A_11 = arith.addi %scan3A_9, %scan3A_10 : i32
    %scan3A_12 = arith.constant 1 : i32
    scf.for %scan3A_112 = %scan3A_9 to %scan3A_11 step %scan3A_12  : i32 {
      %jit3A_113 = arith.constant 8 : i32
      %div3A_114 = arith.divsi %scan3A_112, %jit3A_113 : i32
      %sign3A_115 = arith.constant 0 : i32
      %sign3A_116 = arith.cmpi sgt, %scan3A_112, %sign3A_115 : i32
      %sign3A_117 = arith.extui %sign3A_116 : i1 to i32
      %sign3A_118 = arith.constant 0 : i32
      %sign3A_119 = arith.cmpi slt, %scan3A_112, %sign3A_118 : i32
      %sign3A_120 = arith.extui %sign3A_119 : i1 to i32
      %sign3A_121 = arith.subi %sign3A_117, %sign3A_120 : i32
      %sign3A_122 = arith.constant 0 : i32
      %sign3A_123 = arith.cmpi sgt, %jit3A_113, %sign3A_122 : i32
      %sign3A_124 = arith.extui %sign3A_123 : i1 to i32
      %sign3A_125 = arith.constant 0 : i32
      %sign3A_126 = arith.cmpi slt, %jit3A_113, %sign3A_125 : i32
      %sign3A_127 = arith.extui %sign3A_126 : i1 to i32
      %sign3A_128 = arith.subi %sign3A_124, %sign3A_127 : i32
      %ne3A_129 = arith.cmpi ne, %sign3A_121, %sign3A_128 : i32
      %rem3A_130 = arith.remsi %scan3A_112, %jit3A_113 : i32
      %ne3A_131 = arith.constant 0 : i32
      %ne3A_132 = arith.cmpi ne, %rem3A_130, %ne3A_131 : i32
      %and3A_133 = arith.andi %ne3A_129, %ne3A_132 : i1
      %sub3A_134 = arith.constant 1 : i32
      %sub3A_135 = arith.subi %div3A_114, %sub3A_134 : i32
      %select_n3A_136 = arith.select %and3A_133, %sub3A_135, %div3A_114 : i32
      %jit3A_137 = arith.constant 8 : i32
      %eq3A_138 = arith.constant 0 : i32
      %eq3A_139 = arith.cmpi eq, %jit3A_137, %eq3A_138 : i32
      %jit3A_140 = arith.constant 1 : i32
      %select_n3A_141 = arith.select %eq3A_139, %jit3A_140, %jit3A_137 : i32
      %rem3A_142 = arith.remsi %scan3A_112, %select_n3A_141 : i32
      %ne3A_143 = arith.constant 0 : i32
      %ne3A_144 = arith.cmpi ne, %rem3A_142, %ne3A_143 : i32
      %lt3A = arith.constant 0 : i32
      %lt3A_145 = arith.cmpi slt, %rem3A_142, %lt3A : i32
      %lt3A_146 = arith.constant 0 : i32
      %lt3A_147 = arith.cmpi slt, %select_n3A_141, %lt3A_146 : i32
      %ne3A_148 = arith.xori %lt3A_145, %lt3A_147 : i1
      %and3A_149 = arith.andi %ne3A_148, %ne3A_144 : i1
      %add3A_150 = arith.addi %rem3A_142, %select_n3A_141 : i32
      %select_n3A_151 = arith.select %and3A_149, %add3A_150, %rem3A_142 : i32
      %mul3A_152 = arith.constant 16 : i32
      %mul3A_153 = arith.muli %select_n3A_151, %mul3A_152 : i32
      %broadcast_in_dim3A = arith.constant 0.000000e+00 : f32
      %broadcast_in_dim3A_154 = vector.broadcast %broadcast_in_dim3A : f32 to vector<16xf32>
      %swap3A = arith.index_cast %select_n3A_136 : i32 to index
      %swap3A_155 = arith.index_cast %mul3A_153 : i32 to index
      %swap3A_156 = tpu.vector_load %arg9[%swap3A, %swap3A_155] {strides = array<i32>} : memref<64x128xf32, #tpu.memory_space<vmem>>, vector<1x16xf32>,
      %swap3A_157 = vector.shape_cast %swap3A_156 : vector<1x16xf32> to vector<16xf32>
      %swap3A_158 = vector.shape_cast %broadcast_in_dim3A_154 : vector<16xf32> to vector<1x16xf32>
      tpu.vector_store %arg9[%swap3A, %swap3A_155], %swap3A_158 {strides = array<i32>} : memref<64x128xf32, #tpu.memory_space<vmem>>, vector<1x16xf32>,
    }
    %scan3A_13 = arith.constant 512 : i32
    %mul3A_14 = arith.constant 640 : i32
    %mul3A_15 = arith.muli %arg1, %mul3A_14 : i32
    %add3A_16 = arith.constant 0 : i32
    %add3A_17 = arith.addi %mul3A_15, %add3A_16 : i32
    "tpu.region"() ({
      %run_scoped3A = tpu.sem_alloc : memref<!tpu.dma_semaphore, #tpu.memory_space<semaphore_mem>>
      %dma_start3A_112 = arith.constant 0 : i32
      %dma_start3A_113 = tpu.memref_slice %arg10[%add3A_17, %dma_start3A_112] : memref<10240x128xf32, #tpu.memory_space<vmem_shared>> -> memref<64x128xf32, #tpu.memory_space<vmem_shared>>
      %dma_start3A_114 = arith.constant 0 : i32
      %dma_start3A_115 = tpu.memref_slice %arg10[%add3A_17, %dma_start3A_114] : memref<10240x128xf32, #tpu.memory_space<vmem_shared>> -> memref<64x128xf32, #tpu.memory_space<vmem_shared>>
      tpu.enqueue_dma source(%arg9 : memref<64x128xf32, #tpu.memory_space<vmem>>) target(%dma_start3A_115 : memref<64x128xf32, #tpu.memory_space<vmem_shared>>) target_semaphore(%run_scoped3A : memref<!tpu.dma_semaphore, #tpu.memory_space<semaphore_mem>>)
      %dma_wait3A_116 = arith.constant 0 : i32
      %dma_wait3A_117 = tpu.memref_slice %arg10[%add3A_17, %dma_wait3A_116] : memref<10240x128xf32, #tpu.memory_space<vmem_shared>> -> memref<64x128xf32, #tpu.memory_space<vmem_shared>>
      %dma_wait3A_118 = arith.constant 0 : i32
      %dma_wait3A_119 = tpu.memref_slice %arg10[%add3A_17, %dma_wait3A_118] : memref<10240x128xf32, #tpu.memory_space<vmem_shared>> -> memref<64x128xf32, #tpu.memory_space<vmem_shared>>
      tpu.wait_dma2 semaphore(%run_scoped3A : memref<!tpu.dma_semaphore, #tpu.memory_space<semaphore_mem>>) src(%arg9 : memref<64x128xf32, #tpu.memory_space<vmem>>) dst(%dma_wait3A_119 : memref<64x128xf32, #tpu.memory_space<vmem_shared>>)
      tpu.yield
    }) : () -> ()
    %mul3A_18 = arith.constant 640 : i32
    %mul3A_19 = arith.muli %arg1, %mul3A_18 : i32
    %add3A_20 = arith.constant 64 : i32
    %add3A_21 = arith.addi %mul3A_19, %add3A_20 : i32
    "tpu.region"() ({
      %run_scoped3A = tpu.sem_alloc : memref<!tpu.dma_semaphore, #tpu.memory_space<semaphore_mem>>
      %dma_start3A_112 = arith.constant 0 : i32
      %dma_start3A_113 = tpu.memref_slice %arg10[%add3A_21, %dma_start3A_112] : memref<10240x128xf32, #tpu.memory_space<vmem_shared>> -> memref<64x128xf32, #tpu.memory_space<vmem_shared>>
      %dma_start3A_114 = arith.constant 0 : i32
      %dma_start3A_115 = tpu.memref_slice %arg10[%add3A_21, %dma_start3A_114] : memref<10240x128xf32, #tpu.memory_space<vmem_shared>> -> memref<64x128xf32, #tpu.memory_space<vmem_shared>>
      tpu.enqueue_dma source(%arg9 : memref<64x128xf32, #tpu.memory_space<vmem>>) target(%dma_start3A_115 : memref<64x128xf32, #tpu.memory_space<vmem_shared>>) target_semaphore(%run_scoped3A : memref<!tpu.dma_semaphore, #tpu.memory_space<semaphore_mem>>)
      %dma_wait3A_116 = arith.constant 0 : i32
      %dma_wait3A_117 = tpu.memref_slice %arg10[%add3A_21, %dma_wait3A_116] : memref<10240x128xf32, #tpu.memory_space<vmem_shared>> -> memref<64x128xf32, #tpu.memory_space<vmem_shared>>
      %dma_wait3A_118 = arith.constant 0 : i32
      %dma_wait3A_119 = tpu.memref_slice %arg10[%add3A_21, %dma_wait3A_118] : memref<10240x128xf32, #tpu.memory_space<vmem_shared>> -> memref<64x128xf32, #tpu.memory_space<vmem_shared>>
      tpu.wait_dma2 semaphore(%run_scoped3A : memref<!tpu.dma_semaphore, #tpu.memory_space<semaphore_mem>>) src(%arg9 : memref<64x128xf32, #tpu.memory_space<vmem>>) dst(%dma_wait3A_119 : memref<64x128xf32, #tpu.memory_space<vmem_shared>>)
      tpu.yield
    }) : () -> ()
    %mul3A_22 = arith.constant 640 : i32
    %mul3A_23 = arith.muli %arg1, %mul3A_22 : i32
    %add3A_24 = arith.constant 128 : i32
    %add3A_25 = arith.addi %mul3A_23, %add3A_24 : i32
    "tpu.region"() ({
      %run_scoped3A = tpu.sem_alloc : memref<!tpu.dma_semaphore, #tpu.memory_space<semaphore_mem>>
      %dma_start3A_112 = arith.constant 0 : i32
      %dma_start3A_113 = tpu.memref_slice %arg10[%add3A_25, %dma_start3A_112] : memref<10240x128xf32, #tpu.memory_space<vmem_shared>> -> memref<64x128xf32, #tpu.memory_space<vmem_shared>>
      %dma_start3A_114 = arith.constant 0 : i32
      %dma_start3A_115 = tpu.memref_slice %arg10[%add3A_25, %dma_start3A_114] : memref<10240x128xf32, #tpu.memory_space<vmem_shared>> -> memref<64x128xf32, #tpu.memory_space<vmem_shared>>
      tpu.enqueue_dma source(%arg9 : memref<64x128xf32, #tpu.memory_space<vmem>>) target(%dma_start3A_115 : memref<64x128xf32, #tpu.memory_space<vmem_shared>>) target_semaphore(%run_scoped3A : memref<!tpu.dma_semaphore, #tpu.memory_space<semaphore_mem>>)
      %dma_wait3A_116 = arith.constant 0 : i32
      %dma_wait3A_117 = tpu.memref_slice %arg10[%add3A_25, %dma_wait3A_116] : memref<10240x128xf32, #tpu.memory_space<vmem_shared>> -> memref<64x128xf32, #tpu.memory_space<vmem_shared>>
      %dma_wait3A_118 = arith.constant 0 : i32
      %dma_wait3A_119 = tpu.memref_slice %arg10[%add3A_25, %dma_wait3A_118] : memref<10240x128xf32, #tpu.memory_space<vmem_shared>> -> memref<64x128xf32, #tpu.memory_space<vmem_shared>>
      tpu.wait_dma2 semaphore(%run_scoped3A : memref<!tpu.dma_semaphore, #tpu.memory_space<semaphore_mem>>) src(%arg9 : memref<64x128xf32, #tpu.memory_space<vmem>>) dst(%dma_wait3A_119 : memref<64x128xf32, #tpu.memory_space<vmem_shared>>)
      tpu.yield
    }) : () -> ()
    %mul3A_26 = arith.constant 640 : i32
    %mul3A_27 = arith.muli %arg1, %mul3A_26 : i32
    %add3A_28 = arith.constant 192 : i32
    %add3A_29 = arith.addi %mul3A_27, %add3A_28 : i32
    "tpu.region"() ({
      %run_scoped3A = tpu.sem_alloc : memref<!tpu.dma_semaphore, #tpu.memory_space<semaphore_mem>>
      %dma_start3A_112 = arith.constant 0 : i32
      %dma_start3A_113 = tpu.memref_slice %arg10[%add3A_29, %dma_start3A_112] : memref<10240x128xf32, #tpu.memory_space<vmem_shared>> -> memref<64x128xf32, #tpu.memory_space<vmem_shared>>
      %dma_start3A_114 = arith.constant 0 : i32
      %dma_start3A_115 = tpu.memref_slice %arg10[%add3A_29, %dma_start3A_114] : memref<10240x128xf32, #tpu.memory_space<vmem_shared>> -> memref<64x128xf32, #tpu.memory_space<vmem_shared>>
      tpu.enqueue_dma source(%arg9 : memref<64x128xf32, #tpu.memory_space<vmem>>) target(%dma_start3A_115 : memref<64x128xf32, #tpu.memory_space<vmem_shared>>) target_semaphore(%run_scoped3A : memref<!tpu.dma_semaphore, #tpu.memory_space<semaphore_mem>>)
      %dma_wait3A_116 = arith.constant 0 : i32
      %dma_wait3A_117 = tpu.memref_slice %arg10[%add3A_29, %dma_wait3A_116] : memref<10240x128xf32, #tpu.memory_space<vmem_shared>> -> memref<64x128xf32, #tpu.memory_space<vmem_shared>>
      %dma_wait3A_118 = arith.constant 0 : i32
      %dma_wait3A_119 = tpu.memref_slice %arg10[%add3A_29, %dma_wait3A_118] : memref<10240x128xf32, #tpu.memory_space<vmem_shared>> -> memref<64x128xf32, #tpu.memory_space<vmem_shared>>
      tpu.wait_dma2 semaphore(%run_scoped3A : memref<!tpu.dma_semaphore, #tpu.memory_space<semaphore_mem>>) src(%arg9 : memref<64x128xf32, #tpu.memory_space<vmem>>) dst(%dma_wait3A_119 : memref<64x128xf32, #tpu.memory_space<vmem_shared>>)
      tpu.yield
    }) : () -> ()
    %mul3A_30 = arith.constant 640 : i32
    %mul3A_31 = arith.muli %arg1, %mul3A_30 : i32
    %add3A_32 = arith.constant 256 : i32
    %add3A_33 = arith.addi %mul3A_31, %add3A_32 : i32
    "tpu.region"() ({
      %run_scoped3A = tpu.sem_alloc : memref<!tpu.dma_semaphore, #tpu.memory_space<semaphore_mem>>
      %dma_start3A_112 = arith.constant 0 : i32
      %dma_start3A_113 = tpu.memref_slice %arg10[%add3A_33, %dma_start3A_112] : memref<10240x128xf32, #tpu.memory_space<vmem_shared>> -> memref<64x128xf32, #tpu.memory_space<vmem_shared>>
      %dma_start3A_114 = arith.constant 0 : i32
      %dma_start3A_115 = tpu.memref_slice %arg10[%add3A_33, %dma_start3A_114] : memref<10240x128xf32, #tpu.memory_space<vmem_shared>> -> memref<64x128xf32, #tpu.memory_space<vmem_shared>>
      tpu.enqueue_dma source(%arg9 : memref<64x128xf32, #tpu.memory_space<vmem>>) target(%dma_start3A_115 : memref<64x128xf32, #tpu.memory_space<vmem_shared>>) target_semaphore(%run_scoped3A : memref<!tpu.dma_semaphore, #tpu.memory_space<semaphore_mem>>)
      %dma_wait3A_116 = arith.constant 0 : i32
      %dma_wait3A_117 = tpu.memref_slice %arg10[%add3A_33, %dma_wait3A_116] : memref<10240x128xf32, #tpu.memory_space<vmem_shared>> -> memref<64x128xf32, #tpu.memory_space<vmem_shared>>
      %dma_wait3A_118 = arith.constant 0 : i32
      %dma_wait3A_119 = tpu.memref_slice %arg10[%add3A_33, %dma_wait3A_118] : memref<10240x128xf32, #tpu.memory_space<vmem_shared>> -> memref<64x128xf32, #tpu.memory_space<vmem_shared>>
      tpu.wait_dma2 semaphore(%run_scoped3A : memref<!tpu.dma_semaphore, #tpu.memory_space<semaphore_mem>>) src(%arg9 : memref<64x128xf32, #tpu.memory_space<vmem>>) dst(%dma_wait3A_119 : memref<64x128xf32, #tpu.memory_space<vmem_shared>>)
      tpu.yield
    }) : () -> ()
    %mul3A_34 = arith.constant 640 : i32
    %mul3A_35 = arith.muli %arg1, %mul3A_34 : i32
    %add3A_36 = arith.constant 320 : i32
    %add3A_37 = arith.addi %mul3A_35, %add3A_36 : i32
    "tpu.region"() ({
      %run_scoped3A = tpu.sem_alloc : memref<!tpu.dma_semaphore, #tpu.memory_space<semaphore_mem>>
      %dma_start3A_112 = arith.constant 0 : i32
      %dma_start3A_113 = tpu.memref_slice %arg10[%add3A_37, %dma_start3A_112] : memref<10240x128xf32, #tpu.memory_space<vmem_shared>> -> memref<64x128xf32, #tpu.memory_space<vmem_shared>>
      %dma_start3A_114 = arith.constant 0 : i32
      %dma_start3A_115 = tpu.memref_slice %arg10[%add3A_37, %dma_start3A_114] : memref<10240x128xf32, #tpu.memory_space<vmem_shared>> -> memref<64x128xf32, #tpu.memory_space<vmem_shared>>
      tpu.enqueue_dma source(%arg9 : memref<64x128xf32, #tpu.memory_space<vmem>>) target(%dma_start3A_115 : memref<64x128xf32, #tpu.memory_space<vmem_shared>>) target_semaphore(%run_scoped3A : memref<!tpu.dma_semaphore, #tpu.memory_space<semaphore_mem>>)
      %dma_wait3A_116 = arith.constant 0 : i32
      %dma_wait3A_117 = tpu.memref_slice %arg10[%add3A_37, %dma_wait3A_116] : memref<10240x128xf32, #tpu.memory_space<vmem_shared>> -> memref<64x128xf32, #tpu.memory_space<vmem_shared>>
      %dma_wait3A_118 = arith.constant 0 : i32
      %dma_wait3A_119 = tpu.memref_slice %arg10[%add3A_37, %dma_wait3A_118] : memref<10240x128xf32, #tpu.memory_space<vmem_shared>> -> memref<64x128xf32, #tpu.memory_space<vmem_shared>>
      tpu.wait_dma2 semaphore(%run_scoped3A : memref<!tpu.dma_semaphore, #tpu.memory_space<semaphore_mem>>) src(%arg9 : memref<64x128xf32, #tpu.memory_space<vmem>>) dst(%dma_wait3A_119 : memref<64x128xf32, #tpu.memory_space<vmem_shared>>)
      tpu.yield
    }) : () -> ()
    %mul3A_38 = arith.constant 640 : i32
    %mul3A_39 = arith.muli %arg1, %mul3A_38 : i32
    %add3A_40 = arith.constant 384 : i32
    %add3A_41 = arith.addi %mul3A_39, %add3A_40 : i32
    "tpu.region"() ({
      %run_scoped3A = tpu.sem_alloc : memref<!tpu.dma_semaphore, #tpu.memory_space<semaphore_mem>>
      %dma_start3A_112 = arith.constant 0 : i32
      %dma_start3A_113 = tpu.memref_slice %arg10[%add3A_41, %dma_start3A_112] : memref<10240x128xf32, #tpu.memory_space<vmem_shared>> -> memref<64x128xf32, #tpu.memory_space<vmem_shared>>
      %dma_start3A_114 = arith.constant 0 : i32
      %dma_start3A_115 = tpu.memref_slice %arg10[%add3A_41, %dma_start3A_114] : memref<10240x128xf32, #tpu.memory_space<vmem_shared>> -> memref<64x128xf32, #tpu.memory_space<vmem_shared>>
      tpu.enqueue_dma source(%arg9 : memref<64x128xf32, #tpu.memory_space<vmem>>) target(%dma_start3A_115 : memref<64x128xf32, #tpu.memory_space<vmem_shared>>) target_semaphore(%run_scoped3A : memref<!tpu.dma_semaphore, #tpu.memory_space<semaphore_mem>>)
      %dma_wait3A_116 = arith.constant 0 : i32
      %dma_wait3A_117 = tpu.memref_slice %arg10[%add3A_41, %dma_wait3A_116] : memref<10240x128xf32, #tpu.memory_space<vmem_shared>> -> memref<64x128xf32, #tpu.memory_space<vmem_shared>>
      %dma_wait3A_118 = arith.constant 0 : i32
      %dma_wait3A_119 = tpu.memref_slice %arg10[%add3A_41, %dma_wait3A_118] : memref<10240x128xf32, #tpu.memory_space<vmem_shared>> -> memref<64x128xf32, #tpu.memory_space<vmem_shared>>
      tpu.wait_dma2 semaphore(%run_scoped3A : memref<!tpu.dma_semaphore, #tpu.memory_space<semaphore_mem>>) src(%arg9 : memref<64x128xf32, #tpu.memory_space<vmem>>) dst(%dma_wait3A_119 : memref<64x128xf32, #tpu.memory_space<vmem_shared>>)
      tpu.yield
    }) : () -> ()
    %mul3A_42 = arith.constant 640 : i32
    %mul3A_43 = arith.muli %arg1, %mul3A_42 : i32
    %add3A_44 = arith.constant 448 : i32
    %add3A_45 = arith.addi %mul3A_43, %add3A_44 : i32
    "tpu.region"() ({
      %run_scoped3A = tpu.sem_alloc : memref<!tpu.dma_semaphore, #tpu.memory_space<semaphore_mem>>
      %dma_start3A_112 = arith.constant 0 : i32
      %dma_start3A_113 = tpu.memref_slice %arg10[%add3A_45, %dma_start3A_112] : memref<10240x128xf32, #tpu.memory_space<vmem_shared>> -> memref<64x128xf32, #tpu.memory_space<vmem_shared>>
      %dma_start3A_114 = arith.constant 0 : i32
      %dma_start3A_115 = tpu.memref_slice %arg10[%add3A_45, %dma_start3A_114] : memref<10240x128xf32, #tpu.memory_space<vmem_shared>> -> memref<64x128xf32, #tpu.memory_space<vmem_shared>>
      tpu.enqueue_dma source(%arg9 : memref<64x128xf32, #tpu.memory_space<vmem>>) target(%dma_start3A_115 : memref<64x128xf32, #tpu.memory_space<vmem_shared>>) target_semaphore(%run_scoped3A : memref<!tpu.dma_semaphore, #tpu.memory_space<semaphore_mem>>)
      %dma_wait3A_116 = arith.constant 0 : i32
      %dma_wait3A_117 = tpu.memref_slice %arg10[%add3A_45, %dma_wait3A_116] : memref<10240x128xf32, #tpu.memory_space<vmem_shared>> -> memref<64x128xf32, #tpu.memory_space<vmem_shared>>
      %dma_wait3A_118 = arith.constant 0 : i32
      %dma_wait3A_119 = tpu.memref_slice %arg10[%add3A_45, %dma_wait3A_118] : memref<10240x128xf32, #tpu.memory_space<vmem_shared>> -> memref<64x128xf32, #tpu.memory_space<vmem_shared>>
      tpu.wait_dma2 semaphore(%run_scoped3A : memref<!tpu.dma_semaphore, #tpu.memory_space<semaphore_mem>>) src(%arg9 : memref<64x128xf32, #tpu.memory_space<vmem>>) dst(%dma_wait3A_119 : memref<64x128xf32, #tpu.memory_space<vmem_shared>>)
      tpu.yield
    }) : () -> ()
    %mul3A_46 = arith.constant 640 : i32
    %mul3A_47 = arith.muli %arg1, %mul3A_46 : i32
    %add3A_48 = arith.constant 512 : i32
    %add3A_49 = arith.addi %mul3A_47, %add3A_48 : i32
    "tpu.region"() ({
      %run_scoped3A = tpu.sem_alloc : memref<!tpu.dma_semaphore, #tpu.memory_space<semaphore_mem>>
      %dma_start3A_112 = arith.constant 0 : i32
      %dma_start3A_113 = tpu.memref_slice %arg10[%add3A_49, %dma_start3A_112] : memref<10240x128xf32, #tpu.memory_space<vmem_shared>> -> memref<64x128xf32, #tpu.memory_space<vmem_shared>>
      %dma_start3A_114 = arith.constant 0 : i32
      %dma_start3A_115 = tpu.memref_slice %arg10[%add3A_49, %dma_start3A_114] : memref<10240x128xf32, #tpu.memory_space<vmem_shared>> -> memref<64x128xf32, #tpu.memory_space<vmem_shared>>
      tpu.enqueue_dma source(%arg9 : memref<64x128xf32, #tpu.memory_space<vmem>>) target(%dma_start3A_115 : memref<64x128xf32, #tpu.memory_space<vmem_shared>>) target_semaphore(%run_scoped3A : memref<!tpu.dma_semaphore, #tpu.memory_space<semaphore_mem>>)
      %dma_wait3A_116 = arith.constant 0 : i32
      %dma_wait3A_117 = tpu.memref_slice %arg10[%add3A_49, %dma_wait3A_116] : memref<10240x128xf32, #tpu.memory_space<vmem_shared>> -> memref<64x128xf32, #tpu.memory_space<vmem_shared>>
      %dma_wait3A_118 = arith.constant 0 : i32
      %dma_wait3A_119 = tpu.memref_slice %arg10[%add3A_49, %dma_wait3A_118] : memref<10240x128xf32, #tpu.memory_space<vmem_shared>> -> memref<64x128xf32, #tpu.memory_space<vmem_shared>>
      tpu.wait_dma2 semaphore(%run_scoped3A : memref<!tpu.dma_semaphore, #tpu.memory_space<semaphore_mem>>) src(%arg9 : memref<64x128xf32, #tpu.memory_space<vmem>>) dst(%dma_wait3A_119 : memref<64x128xf32, #tpu.memory_space<vmem_shared>>)
      tpu.yield
    }) : () -> ()
    %mul3A_50 = arith.constant 640 : i32
    %mul3A_51 = arith.muli %arg1, %mul3A_50 : i32
    %add3A_52 = arith.constant 576 : i32
    %add3A_53 = arith.addi %mul3A_51, %add3A_52 : i32
    "tpu.region"() ({
      %run_scoped3A = tpu.sem_alloc : memref<!tpu.dma_semaphore, #tpu.memory_space<semaphore_mem>>
      %dma_start3A_112 = arith.constant 0 : i32
      %dma_start3A_113 = tpu.memref_slice %arg10[%add3A_53, %dma_start3A_112] : memref<10240x128xf32, #tpu.memory_space<vmem_shared>> -> memref<64x128xf32, #tpu.memory_space<vmem_shared>>
      %dma_start3A_114 = arith.constant 0 : i32
      %dma_start3A_115 = tpu.memref_slice %arg10[%add3A_53, %dma_start3A_114] : memref<10240x128xf32, #tpu.memory_space<vmem_shared>> -> memref<64x128xf32, #tpu.memory_space<vmem_shared>>
      tpu.enqueue_dma source(%arg9 : memref<64x128xf32, #tpu.memory_space<vmem>>) target(%dma_start3A_115 : memref<64x128xf32, #tpu.memory_space<vmem_shared>>) target_semaphore(%run_scoped3A : memref<!tpu.dma_semaphore, #tpu.memory_space<semaphore_mem>>)
      %dma_wait3A_116 = arith.constant 0 : i32
      %dma_wait3A_117 = tpu.memref_slice %arg10[%add3A_53, %dma_wait3A_116] : memref<10240x128xf32, #tpu.memory_space<vmem_shared>> -> memref<64x128xf32, #tpu.memory_space<vmem_shared>>
      %dma_wait3A_118 = arith.constant 0 : i32
      %dma_wait3A_119 = tpu.memref_slice %arg10[%add3A_53, %dma_wait3A_118] : memref<10240x128xf32, #tpu.memory_space<vmem_shared>> -> memref<64x128xf32, #tpu.memory_space<vmem_shared>>
      tpu.wait_dma2 semaphore(%run_scoped3A : memref<!tpu.dma_semaphore, #tpu.memory_space<semaphore_mem>>) src(%arg9 : memref<64x128xf32, #tpu.memory_space<vmem>>) dst(%dma_wait3A_119 : memref<64x128xf32, #tpu.memory_space<vmem_shared>>)
      tpu.yield
    }) : () -> ()
    %barrier3A = arith.constant 0 : index
    tpu.barrier barrier_id(%barrier3A)
    %jit3A_54 = arith.constant 2 : i32
    %div3A = arith.divsi %select_n3A, %jit3A_54 : i32
    %sign3A = arith.constant 0 : i32
    %sign3A_55 = arith.cmpi sgt, %select_n3A, %sign3A : i32
    %sign3A_56 = arith.extui %sign3A_55 : i1 to i32
    %sign3A_57 = arith.constant 0 : i32
    %sign3A_58 = arith.cmpi slt, %select_n3A, %sign3A_57 : i32
    %sign3A_59 = arith.extui %sign3A_58 : i1 to i32
    %sign3A_60 = arith.subi %sign3A_56, %sign3A_59 : i32
    %sign3A_61 = arith.constant 0 : i32
    %sign3A_62 = arith.cmpi sgt, %jit3A_54, %sign3A_61 : i32
    %sign3A_63 = arith.extui %sign3A_62 : i1 to i32
    %sign3A_64 = arith.constant 0 : i32
    %sign3A_65 = arith.cmpi slt, %jit3A_54, %sign3A_64 : i32
    %sign3A_66 = arith.extui %sign3A_65 : i1 to i32
    %sign3A_67 = arith.subi %sign3A_63, %sign3A_66 : i32
    %ne3A = arith.cmpi ne, %sign3A_60, %sign3A_67 : i32
    %rem3A = arith.remsi %select_n3A, %jit3A_54 : i32
    %ne3A_68 = arith.constant 0 : i32
    %ne3A_69 = arith.cmpi ne, %rem3A, %ne3A_68 : i32
    %and3A = arith.andi %ne3A, %ne3A_69 : i1
    %sub3A = arith.constant 1 : i32
    %sub3A_70 = arith.subi %div3A, %sub3A : i32
    %select_n3A_71 = arith.select %and3A, %sub3A_70, %div3A : i32
    %while3A = arith.constant 0 : i32
    %while3A_72 = arith.constant 0 : i32
    %while3A_73 = arith.subi %select_n3A_71, %while3A_72 : i32
    %while3A_74 = arith.addi %while3A_72, %while3A_73 : i32
    %while3A_75 = arith.constant 1 : i32
    %while3A_76 = arith.divsi %while3A_73, %while3A_75 : i32
    %while3A_77 = arith.muli %while3A_76, %while3A_75 : i32
    %while3A_78 = arith.addi %while3A_72, %while3A_77 : i32
    %while3A_79 = arith.constant 1 : i32
    scf.for %while3A_112 = %while3A_72 to %while3A_78 step %while3A_79  : i32 {
      %ge3A = arith.constant 1 : i32
      %ge3A_113 = arith.cmpi sge, %while3A_112, %ge3A : i32
      %convert_element_type3A = arith.extui %ge3A_113 : i1 to i32
      %cond3A = arith.constant 0 : i32
      %cond3A_114 = arith.cmpi ne, %convert_element_type3A, %cond3A : i32
      scf.if %cond3A_114 {
        %dma_wait3A_156 = arith.constant 1 : i32
        %dma_wait3A_157 = arith.constant 0 : i32
        %dma_wait3A_158 = tpu.memref_slice %arg5[%dma_wait3A_156, %dma_wait3A_157] : memref<2x128xi32, #tpu.memory_space<vmem>> -> memref<1x128xi32, #tpu.memory_space<vmem>>
        %dma_wait3A_159 = tpu.memref_squeeze %dma_wait3A_158 : memref<1x128xi32, #tpu.memory_space<vmem>> -> memref<128xi32, #tpu.memory_space<vmem>>
        %dma_wait3A_160 = arith.constant 0 : i32
        %dma_wait3A_161 = arith.constant 0 : i32
        %dma_wait3A_162 = tpu.memref_slice %arg10[%dma_wait3A_160, %dma_wait3A_161] : memref<10240x128xf32, #tpu.memory_space<vmem_shared>> -> memref<10240x128xf32, #tpu.memory_space<vmem_shared>>
        tpu.wait_indirect_dma semaphore(%arg13 : memref<!tpu.dma_semaphore, #tpu.memory_space<semaphore_mem>>) src(%arg7 : memref<128x128xf32, #tpu.memory_space<vmem>>) dst(%dma_wait3A_162 : memref<10240x128xf32, #tpu.memory_space<vmem_shared>>)
      } else {
      }
      %mul3A_115 = arith.constant 2 : i32
      %mul3A_116 = arith.muli %mul3A_115, %while3A_112 : i32
      %add3A_117 = arith.addi %select_n3A_8, %mul3A_116 : i32
      "tpu.region"() ({
        %run_scoped3A = tpu.sem_alloc : memref<!tpu.dma_semaphore, #tpu.memory_space<semaphore_mem>>
        %dma_start3A_156 = arith.constant 0 : i32
        %dma_start3A_157 = arith.constant 0 : i32
        %dma_start3A_158 = tpu.memref_slice %arg3[%add3A_117, %dma_start3A_156, %dma_start3A_157] : memref<2528x2x128xi32, #tpu.memory_space<hbm>> -> memref<1x2x128xi32, #tpu.memory_space<hbm>>
        %dma_start3A_159 = tpu.memref_squeeze %dma_start3A_158 : memref<1x2x128xi32, #tpu.memory_space<hbm>> -> memref<2x128xi32, #tpu.memory_space<hbm>>
        %dma_start3A_160 = arith.constant 0 : i32
        %dma_start3A_161 = arith.constant 0 : i32
        %dma_start3A_162 = tpu.memref_slice %arg3[%add3A_117, %dma_start3A_160, %dma_start3A_161] : memref<2528x2x128xi32, #tpu.memory_space<hbm>> -> memref<1x2x128xi32, #tpu.memory_space<hbm>>
        %dma_start3A_163 = tpu.memref_squeeze %dma_start3A_162 : memref<1x2x128xi32, #tpu.memory_space<hbm>> -> memref<2x128xi32, #tpu.memory_space<hbm>>
        tpu.enqueue_dma source(%dma_start3A_163 : memref<2x128xi32, #tpu.memory_space<hbm>>) target(%arg5 : memref<2x128xi32, #tpu.memory_space<vmem>>) target_semaphore(%run_scoped3A : memref<!tpu.dma_semaphore, #tpu.memory_space<semaphore_mem>>)
        %dma_wait3A_164 = arith.constant 0 : i32
        %dma_wait3A_165 = arith.constant 0 : i32
        %dma_wait3A_166 = tpu.memref_slice %arg3[%add3A_117, %dma_wait3A_164, %dma_wait3A_165] : memref<2528x2x128xi32, #tpu.memory_space<hbm>> -> memref<1x2x128xi32, #tpu.memory_space<hbm>>
        %dma_wait3A_167 = tpu.memref_squeeze %dma_wait3A_166 : memref<1x2x128xi32, #tpu.memory_space<hbm>> -> memref<2x128xi32, #tpu.memory_space<hbm>>
        %dma_wait3A_168 = arith.constant 0 : i32
        %dma_wait3A_169 = arith.constant 0 : i32
        %dma_wait3A_170 = tpu.memref_slice %arg3[%add3A_117, %dma_wait3A_168, %dma_wait3A_169] : memref<2528x2x128xi32, #tpu.memory_space<hbm>> -> memref<1x2x128xi32, #tpu.memory_space<hbm>>
        %dma_wait3A_171 = tpu.memref_squeeze %dma_wait3A_170 : memref<1x2x128xi32, #tpu.memory_space<hbm>> -> memref<2x128xi32, #tpu.memory_space<hbm>>
        tpu.wait_dma2 semaphore(%run_scoped3A : memref<!tpu.dma_semaphore, #tpu.memory_space<semaphore_mem>>) src(%dma_wait3A_171 : memref<2x128xi32, #tpu.memory_space<hbm>>) dst(%arg5 : memref<2x128xi32, #tpu.memory_space<vmem>>)
        tpu.yield
      }) : () -> ()
      %dma_start3A_118 = arith.constant 0 : i32
      %dma_start3A_119 = arith.constant 0 : i32
      %dma_start3A_120 = tpu.memref_slice %arg5[%dma_start3A_118, %dma_start3A_119] : memref<2x128xi32, #tpu.memory_space<vmem>> -> memref<1x128xi32, #tpu.memory_space<vmem>>
      %dma_start3A_121 = tpu.memref_squeeze %dma_start3A_120 : memref<1x128xi32, #tpu.memory_space<vmem>> -> memref<128xi32, #tpu.memory_space<vmem>>
      %dma_start3A_122 = arith.constant 0 : i32
      %dma_start3A_123 = arith.constant 0 : i32
      %dma_start3A_124 = tpu.memref_slice %arg2[%dma_start3A_122, %dma_start3A_123] : memref<10000x128xf32, #tpu.memory_space<hbm>> -> memref<10000x128xf32, #tpu.memory_space<hbm>>
      tpu.enqueue_indirect_dma source(%dma_start3A_124 : memref<10000x128xf32, #tpu.memory_space<hbm>>) target(%arg7 : memref<128x128xf32, #tpu.memory_space<vmem>>) offsets(%dma_start3A_121 : memref<128xi32, #tpu.memory_space<vmem>>) semaphore(%arg11 : memref<!tpu.dma_semaphore, #tpu.memory_space<semaphore_mem>>)
      %ge3A_125 = arith.constant 1 : i32
      %ge3A_126 = arith.cmpi sge, %while3A_112, %ge3A_125 : i32
      %convert_element_type3A_127 = arith.extui %ge3A_126 : i1 to i32
      %cond3A_128 = arith.constant 0 : i32
      %cond3A_129 = arith.cmpi ne, %convert_element_type3A_127, %cond3A_128 : i32
      scf.if %cond3A_129 {
        %dma_wait3A_156 = arith.constant 0 : i32
        %dma_wait3A_157 = arith.constant 0 : i32
        %dma_wait3A_158 = tpu.memref_slice %arg6[%dma_wait3A_156, %dma_wait3A_157] : memref<2x128xi32, #tpu.memory_space<vmem>> -> memref<1x128xi32, #tpu.memory_space<vmem>>
        %dma_wait3A_159 = tpu.memref_squeeze %dma_wait3A_158 : memref<1x128xi32, #tpu.memory_space<vmem>> -> memref<128xi32, #tpu.memory_space<vmem>>
        %dma_wait3A_160 = arith.constant 0 : i32
        %dma_wait3A_161 = arith.constant 0 : i32
        %dma_wait3A_162 = tpu.memref_slice %arg2[%dma_wait3A_160, %dma_wait3A_161] : memref<10000x128xf32, #tpu.memory_space<hbm>> -> memref<10000x128xf32, #tpu.memory_space<hbm>>
        tpu.wait_indirect_dma semaphore(%arg12 : memref<!tpu.dma_semaphore, #tpu.memory_space<semaphore_mem>>) src(%dma_wait3A_162 : memref<10000x128xf32, #tpu.memory_space<hbm>>) dst(%arg8 : memref<128x128xf32, #tpu.memory_space<vmem>>)
        %dma_start3A_163 = arith.constant 1 : i32
        %dma_start3A_164 = arith.constant 0 : i32
        %dma_start3A_165 = tpu.memref_slice %arg6[%dma_start3A_163, %dma_start3A_164] : memref<2x128xi32, #tpu.memory_space<vmem>> -> memref<1x128xi32, #tpu.memory_space<vmem>>
        %dma_start3A_166 = tpu.memref_squeeze %dma_start3A_165 : memref<1x128xi32, #tpu.memory_space<vmem>> -> memref<128xi32, #tpu.memory_space<vmem>>
        %dma_start3A_167 = arith.constant 0 : i32
        %dma_start3A_168 = arith.constant 0 : i32
        %dma_start3A_169 = tpu.memref_slice %arg10[%dma_start3A_167, %dma_start3A_168] : memref<10240x128xf32, #tpu.memory_space<vmem_shared>> -> memref<10240x128xf32, #tpu.memory_space<vmem_shared>>
        tpu.enqueue_indirect_dma source(%arg8 : memref<128x128xf32, #tpu.memory_space<vmem>>) target(%dma_start3A_169 : memref<10240x128xf32, #tpu.memory_space<vmem_shared>>) offsets(%dma_start3A_166 : memref<128xi32, #tpu.memory_space<vmem>>) semaphore(%arg14 : memref<!tpu.dma_semaphore, #tpu.memory_space<semaphore_mem>>) {add = true}
        %dma_wait3A_170 = arith.constant 1 : i32
        %dma_wait3A_171 = arith.constant 0 : i32
        %dma_wait3A_172 = tpu.memref_slice %arg6[%dma_wait3A_170, %dma_wait3A_171] : memref<2x128xi32, #tpu.memory_space<vmem>> -> memref<1x128xi32, #tpu.memory_space<vmem>>
        %dma_wait3A_173 = tpu.memref_squeeze %dma_wait3A_172 : memref<1x128xi32, #tpu.memory_space<vmem>> -> memref<128xi32, #tpu.memory_space<vmem>>
        %dma_wait3A_174 = arith.constant 0 : i32
        %dma_wait3A_175 = arith.constant 0 : i32
        %dma_wait3A_176 = tpu.memref_slice %arg10[%dma_wait3A_174, %dma_wait3A_175] : memref<10240x128xf32, #tpu.memory_space<vmem_shared>> -> memref<10240x128xf32, #tpu.memory_space<vmem_shared>>
        tpu.wait_indirect_dma semaphore(%arg14 : memref<!tpu.dma_semaphore, #tpu.memory_space<semaphore_mem>>) src(%arg8 : memref<128x128xf32, #tpu.memory_space<vmem>>) dst(%dma_wait3A_176 : memref<10240x128xf32, #tpu.memory_space<vmem_shared>>)
      } else {
      }
      %mul3A_130 = arith.constant 2 : i32
      %mul3A_131 = arith.muli %mul3A_130, %while3A_112 : i32
      %add3A_132 = arith.constant 1 : i32
      %add3A_133 = arith.addi %mul3A_131, %add3A_132 : i32
      %add3A_134 = arith.addi %select_n3A_8, %add3A_133 : i32
      "tpu.region"() ({
        %run_scoped3A = tpu.sem_alloc : memref<!tpu.dma_semaphore, #tpu.memory_space<semaphore_mem>>
        %dma_start3A_156 = arith.constant 0 : i32
        %dma_start3A_157 = arith.constant 0 : i32
        %dma_start3A_158 = tpu.memref_slice %arg3[%add3A_134, %dma_start3A_156, %dma_start3A_157] : memref<2528x2x128xi32, #tpu.memory_space<hbm>> -> memref<1x2x128xi32, #tpu.memory_space<hbm>>
        %dma_start3A_159 = tpu.memref_squeeze %dma_start3A_158 : memref<1x2x128xi32, #tpu.memory_space<hbm>> -> memref<2x128xi32, #tpu.memory_space<hbm>>
        %dma_start3A_160 = arith.constant 0 : i32
        %dma_start3A_161 = arith.constant 0 : i32
        %dma_start3A_162 = tpu.memref_slice %arg3[%add3A_134, %dma_start3A_160, %dma_start3A_161] : memref<2528x2x128xi32, #tpu.memory_space<hbm>> -> memref<1x2x128xi32, #tpu.memory_space<hbm>>
        %dma_start3A_163 = tpu.memref_squeeze %dma_start3A_162 : memref<1x2x128xi32, #tpu.memory_space<hbm>> -> memref<2x128xi32, #tpu.memory_space<hbm>>
        tpu.enqueue_dma source(%dma_start3A_163 : memref<2x128xi32, #tpu.memory_space<hbm>>) target(%arg6 : memref<2x128xi32, #tpu.memory_space<vmem>>) target_semaphore(%run_scoped3A : memref<!tpu.dma_semaphore, #tpu.memory_space<semaphore_mem>>)
        %dma_wait3A_164 = arith.constant 0 : i32
        %dma_wait3A_165 = arith.constant 0 : i32
        %dma_wait3A_166 = tpu.memref_slice %arg3[%add3A_134, %dma_wait3A_164, %dma_wait3A_165] : memref<2528x2x128xi32, #tpu.memory_space<hbm>> -> memref<1x2x128xi32, #tpu.memory_space<hbm>>
        %dma_wait3A_167 = tpu.memref_squeeze %dma_wait3A_166 : memref<1x2x128xi32, #tpu.memory_space<hbm>> -> memref<2x128xi32, #tpu.memory_space<hbm>>
        %dma_wait3A_168 = arith.constant 0 : i32
        %dma_wait3A_169 = arith.constant 0 : i32
        %dma_wait3A_170 = tpu.memref_slice %arg3[%add3A_134, %dma_wait3A_168, %dma_wait3A_169] : memref<2528x2x128xi32, #tpu.memory_space<hbm>> -> memref<1x2x128xi32, #tpu.memory_space<hbm>>
        %dma_wait3A_171 = tpu.memref_squeeze %dma_wait3A_170 : memref<1x2x128xi32, #tpu.memory_space<hbm>> -> memref<2x128xi32, #tpu.memory_space<hbm>>
        tpu.wait_dma2 semaphore(%run_scoped3A : memref<!tpu.dma_semaphore, #tpu.memory_space<semaphore_mem>>) src(%dma_wait3A_171 : memref<2x128xi32, #tpu.memory_space<hbm>>) dst(%arg6 : memref<2x128xi32, #tpu.memory_space<vmem>>)
        tpu.yield
      }) : () -> ()
      %dma_start3A_135 = arith.constant 0 : i32
      %dma_start3A_136 = arith.constant 0 : i32
      %dma_start3A_137 = tpu.memref_slice %arg6[%dma_start3A_135, %dma_start3A_136] : memref<2x128xi32, #tpu.memory_space<vmem>> -> memref<1x128xi32, #tpu.memory_space<vmem>>
      %dma_start3A_138 = tpu.memref_squeeze %dma_start3A_137 : memref<1x128xi32, #tpu.memory_space<vmem>> -> memref<128xi32, #tpu.memory_space<vmem>>
      %dma_start3A_139 = arith.constant 0 : i32
      %dma_start3A_140 = arith.constant 0 : i32
      %dma_start3A_141 = tpu.memref_slice %arg2[%dma_start3A_139, %dma_start3A_140] : memref<10000x128xf32, #tpu.memory_space<hbm>> -> memref<10000x128xf32, #tpu.memory_space<hbm>>
      tpu.enqueue_indirect_dma source(%dma_start3A_141 : memref<10000x128xf32, #tpu.memory_space<hbm>>) target(%arg8 : memref<128x128xf32, #tpu.memory_space<vmem>>) offsets(%dma_start3A_138 : memref<128xi32, #tpu.memory_space<vmem>>) semaphore(%arg12 : memref<!tpu.dma_semaphore, #tpu.memory_space<semaphore_mem>>)
      %dma_wait3A_142 = arith.constant 0 : i32
      %dma_wait3A_143 = arith.constant 0 : i32
      %dma_wait3A_144 = tpu.memref_slice %arg5[%dma_wait3A_142, %dma_wait3A_143] : memref<2x128xi32, #tpu.memory_space<vmem>> -> memref<1x128xi32, #tpu.memory_space<vmem>>
      %dma_wait3A_145 = tpu.memref_squeeze %dma_wait3A_144 : memref<1x128xi32, #tpu.memory_space<vmem>> -> memref<128xi32, #tpu.memory_space<vmem>>
      %dma_wait3A_146 = arith.constant 0 : i32
      %dma_wait3A_147 = arith.constant 0 : i32
      %dma_wait3A_148 = tpu.memref_slice %arg2[%dma_wait3A_146, %dma_wait3A_147] : memref<10000x128xf32, #tpu.memory_space<hbm>> -> memref<10000x128xf32, #tpu.memory_space<hbm>>
      tpu.wait_indirect_dma semaphore(%arg11 : memref<!tpu.dma_semaphore, #tpu.memory_space<semaphore_mem>>) src(%dma_wait3A_148 : memref<10000x128xf32, #tpu.memory_space<hbm>>) dst(%arg7 : memref<128x128xf32, #tpu.memory_space<vmem>>)
      %dma_start3A_149 = arith.constant 1 : i32
      %dma_start3A_150 = arith.constant 0 : i32
      %dma_start3A_151 = tpu.memref_slice %arg5[%dma_start3A_149, %dma_start3A_150] : memref<2x128xi32, #tpu.memory_space<vmem>> -> memref<1x128xi32, #tpu.memory_space<vmem>>
      %dma_start3A_152 = tpu.memref_squeeze %dma_start3A_151 : memref<1x128xi32, #tpu.memory_space<vmem>> -> memref<128xi32, #tpu.memory_space<vmem>>
      %dma_start3A_153 = arith.constant 0 : i32
      %dma_start3A_154 = arith.constant 0 : i32
      %dma_start3A_155 = tpu.memref_slice %arg10[%dma_start3A_153, %dma_start3A_154] : memref<10240x128xf32, #tpu.memory_space<vmem_shared>> -> memref<10240x128xf32, #tpu.memory_space<vmem_shared>>
      tpu.enqueue_indirect_dma source(%arg7 : memref<128x128xf32, #tpu.memory_space<vmem>>) target(%dma_start3A_155 : memref<10240x128xf32, #tpu.memory_space<vmem_shared>>) offsets(%dma_start3A_152 : memref<128xi32, #tpu.memory_space<vmem>>) semaphore(%arg13 : memref<!tpu.dma_semaphore, #tpu.memory_space<semaphore_mem>>) {add = true}
    }
    %while3A_80 = arith.constant 1 : i32
    scf.for %while3A_112 = %while3A_78 to %while3A_74 step %while3A_80  : i32 {
      %ge3A = arith.constant 1 : i32
      %ge3A_113 = arith.cmpi sge, %while3A_112, %ge3A : i32
      %convert_element_type3A = arith.extui %ge3A_113 : i1 to i32
      %cond3A = arith.constant 0 : i32
      %cond3A_114 = arith.cmpi ne, %convert_element_type3A, %cond3A : i32
      scf.if %cond3A_114 {
        %dma_wait3A_156 = arith.constant 1 : i32
        %dma_wait3A_157 = arith.constant 0 : i32
        %dma_wait3A_158 = tpu.memref_slice %arg5[%dma_wait3A_156, %dma_wait3A_157] : memref<2x128xi32, #tpu.memory_space<vmem>> -> memref<1x128xi32, #tpu.memory_space<vmem>>
        %dma_wait3A_159 = tpu.memref_squeeze %dma_wait3A_158 : memref<1x128xi32, #tpu.memory_space<vmem>> -> memref<128xi32, #tpu.memory_space<vmem>>
        %dma_wait3A_160 = arith.constant 0 : i32
        %dma_wait3A_161 = arith.constant 0 : i32
        %dma_wait3A_162 = tpu.memref_slice %arg10[%dma_wait3A_160, %dma_wait3A_161] : memref<10240x128xf32, #tpu.memory_space<vmem_shared>> -> memref<10240x128xf32, #tpu.memory_space<vmem_shared>>
        tpu.wait_indirect_dma semaphore(%arg13 : memref<!tpu.dma_semaphore, #tpu.memory_space<semaphore_mem>>) src(%arg7 : memref<128x128xf32, #tpu.memory_space<vmem>>) dst(%dma_wait3A_162 : memref<10240x128xf32, #tpu.memory_space<vmem_shared>>)
      } else {
      }
      %mul3A_115 = arith.constant 2 : i32
      %mul3A_116 = arith.muli %mul3A_115, %while3A_112 : i32
      %add3A_117 = arith.addi %select_n3A_8, %mul3A_116 : i32
      "tpu.region"() ({
        %run_scoped3A = tpu.sem_alloc : memref<!tpu.dma_semaphore, #tpu.memory_space<semaphore_mem>>
        %dma_start3A_156 = arith.constant 0 : i32
        %dma_start3A_157 = arith.constant 0 : i32
        %dma_start3A_158 = tpu.memref_slice %arg3[%add3A_117, %dma_start3A_156, %dma_start3A_157] : memref<2528x2x128xi32, #tpu.memory_space<hbm>> -> memref<1x2x128xi32, #tpu.memory_space<hbm>>
        %dma_start3A_159 = tpu.memref_squeeze %dma_start3A_158 : memref<1x2x128xi32, #tpu.memory_space<hbm>> -> memref<2x128xi32, #tpu.memory_space<hbm>>
        %dma_start3A_160 = arith.constant 0 : i32
        %dma_start3A_161 = arith.constant 0 : i32
        %dma_start3A_162 = tpu.memref_slice %arg3[%add3A_117, %dma_start3A_160, %dma_start3A_161] : memref<2528x2x128xi32, #tpu.memory_space<hbm>> -> memref<1x2x128xi32, #tpu.memory_space<hbm>>
        %dma_start3A_163 = tpu.memref_squeeze %dma_start3A_162 : memref<1x2x128xi32, #tpu.memory_space<hbm>> -> memref<2x128xi32, #tpu.memory_space<hbm>>
        tpu.enqueue_dma source(%dma_start3A_163 : memref<2x128xi32, #tpu.memory_space<hbm>>) target(%arg5 : memref<2x128xi32, #tpu.memory_space<vmem>>) target_semaphore(%run_scoped3A : memref<!tpu.dma_semaphore, #tpu.memory_space<semaphore_mem>>)
        %dma_wait3A_164 = arith.constant 0 : i32
        %dma_wait3A_165 = arith.constant 0 : i32
        %dma_wait3A_166 = tpu.memref_slice %arg3[%add3A_117, %dma_wait3A_164, %dma_wait3A_165] : memref<2528x2x128xi32, #tpu.memory_space<hbm>> -> memref<1x2x128xi32, #tpu.memory_space<hbm>>
        %dma_wait3A_167 = tpu.memref_squeeze %dma_wait3A_166 : memref<1x2x128xi32, #tpu.memory_space<hbm>> -> memref<2x128xi32, #tpu.memory_space<hbm>>
        %dma_wait3A_168 = arith.constant 0 : i32
        %dma_wait3A_169 = arith.constant 0 : i32
        %dma_wait3A_170 = tpu.memref_slice %arg3[%add3A_117, %dma_wait3A_168, %dma_wait3A_169] : memref<2528x2x128xi32, #tpu.memory_space<hbm>> -> memref<1x2x128xi32, #tpu.memory_space<hbm>>
        %dma_wait3A_171 = tpu.memref_squeeze %dma_wait3A_170 : memref<1x2x128xi32, #tpu.memory_space<hbm>> -> memref<2x128xi32, #tpu.memory_space<hbm>>
        tpu.wait_dma2 semaphore(%run_scoped3A : memref<!tpu.dma_semaphore, #tpu.memory_space<semaphore_mem>>) src(%dma_wait3A_171 : memref<2x128xi32, #tpu.memory_space<hbm>>) dst(%arg5 : memref<2x128xi32, #tpu.memory_space<vmem>>)
        tpu.yield
      }) : () -> ()
      %dma_start3A_118 = arith.constant 0 : i32
      %dma_start3A_119 = arith.constant 0 : i32
      %dma_start3A_120 = tpu.memref_slice %arg5[%dma_start3A_118, %dma_start3A_119] : memref<2x128xi32, #tpu.memory_space<vmem>> -> memref<1x128xi32, #tpu.memory_space<vmem>>
      %dma_start3A_121 = tpu.memref_squeeze %dma_start3A_120 : memref<1x128xi32, #tpu.memory_space<vmem>> -> memref<128xi32, #tpu.memory_space<vmem>>
      %dma_start3A_122 = arith.constant 0 : i32
      %dma_start3A_123 = arith.constant 0 : i32
      %dma_start3A_124 = tpu.memref_slice %arg2[%dma_start3A_122, %dma_start3A_123] : memref<10000x128xf32, #tpu.memory_space<hbm>> -> memref<10000x128xf32, #tpu.memory_space<hbm>>
      tpu.enqueue_indirect_dma source(%dma_start3A_124 : memref<10000x128xf32, #tpu.memory_space<hbm>>) target(%arg7 : memref<128x128xf32, #tpu.memory_space<vmem>>) offsets(%dma_start3A_121 : memref<128xi32, #tpu.memory_space<vmem>>) semaphore(%arg11 : memref<!tpu.dma_semaphore, #tpu.memory_space<semaphore_mem>>)
      %ge3A_125 = arith.constant 1 : i32
      %ge3A_126 = arith.cmpi sge, %while3A_112, %ge3A_125 : i32
      %convert_element_type3A_127 = arith.extui %ge3A_126 : i1 to i32
      %cond3A_128 = arith.constant 0 : i32
      %cond3A_129 = arith.cmpi ne, %convert_element_type3A_127, %cond3A_128 : i32
      scf.if %cond3A_129 {
        %dma_wait3A_156 = arith.constant 0 : i32
        %dma_wait3A_157 = arith.constant 0 : i32
        %dma_wait3A_158 = tpu.memref_slice %arg6[%dma_wait3A_156, %dma_wait3A_157] : memref<2x128xi32, #tpu.memory_space<vmem>> -> memref<1x128xi32, #tpu.memory_space<vmem>>
        %dma_wait3A_159 = tpu.memref_squeeze %dma_wait3A_158 : memref<1x128xi32, #tpu.memory_space<vmem>> -> memref<128xi32, #tpu.memory_space<vmem>>
        %dma_wait3A_160 = arith.constant 0 : i32
        %dma_wait3A_161 = arith.constant 0 : i32
        %dma_wait3A_162 = tpu.memref_slice %arg2[%dma_wait3A_160, %dma_wait3A_161] : memref<10000x128xf32, #tpu.memory_space<hbm>> -> memref<10000x128xf32, #tpu.memory_space<hbm>>
        tpu.wait_indirect_dma semaphore(%arg12 : memref<!tpu.dma_semaphore, #tpu.memory_space<semaphore_mem>>) src(%dma_wait3A_162 : memref<10000x128xf32, #tpu.memory_space<hbm>>) dst(%arg8 : memref<128x128xf32, #tpu.memory_space<vmem>>)
        %dma_start3A_163 = arith.constant 1 : i32
        %dma_start3A_164 = arith.constant 0 : i32
        %dma_start3A_165 = tpu.memref_slice %arg6[%dma_start3A_163, %dma_start3A_164] : memref<2x128xi32, #tpu.memory_space<vmem>> -> memref<1x128xi32, #tpu.memory_space<vmem>>
        %dma_start3A_166 = tpu.memref_squeeze %dma_start3A_165 : memref<1x128xi32, #tpu.memory_space<vmem>> -> memref<128xi32, #tpu.memory_space<vmem>>
        %dma_start3A_167 = arith.constant 0 : i32
        %dma_start3A_168 = arith.constant 0 : i32
        %dma_start3A_169 = tpu.memref_slice %arg10[%dma_start3A_167, %dma_start3A_168] : memref<10240x128xf32, #tpu.memory_space<vmem_shared>> -> memref<10240x128xf32, #tpu.memory_space<vmem_shared>>
        tpu.enqueue_indirect_dma source(%arg8 : memref<128x128xf32, #tpu.memory_space<vmem>>) target(%dma_start3A_169 : memref<10240x128xf32, #tpu.memory_space<vmem_shared>>) offsets(%dma_start3A_166 : memref<128xi32, #tpu.memory_space<vmem>>) semaphore(%arg14 : memref<!tpu.dma_semaphore, #tpu.memory_space<semaphore_mem>>) {add = true}
        %dma_wait3A_170 = arith.constant 1 : i32
        %dma_wait3A_171 = arith.constant 0 : i32
        %dma_wait3A_172 = tpu.memref_slice %arg6[%dma_wait3A_170, %dma_wait3A_171] : memref<2x128xi32, #tpu.memory_space<vmem>> -> memref<1x128xi32, #tpu.memory_space<vmem>>
        %dma_wait3A_173 = tpu.memref_squeeze %dma_wait3A_172 : memref<1x128xi32, #tpu.memory_space<vmem>> -> memref<128xi32, #tpu.memory_space<vmem>>
        %dma_wait3A_174 = arith.constant 0 : i32
        %dma_wait3A_175 = arith.constant 0 : i32
        %dma_wait3A_176 = tpu.memref_slice %arg10[%dma_wait3A_174, %dma_wait3A_175] : memref<10240x128xf32, #tpu.memory_space<vmem_shared>> -> memref<10240x128xf32, #tpu.memory_space<vmem_shared>>
        tpu.wait_indirect_dma semaphore(%arg14 : memref<!tpu.dma_semaphore, #tpu.memory_space<semaphore_mem>>) src(%arg8 : memref<128x128xf32, #tpu.memory_space<vmem>>) dst(%dma_wait3A_176 : memref<10240x128xf32, #tpu.memory_space<vmem_shared>>)
      } else {
      }
      %mul3A_130 = arith.constant 2 : i32
      %mul3A_131 = arith.muli %mul3A_130, %while3A_112 : i32
      %add3A_132 = arith.constant 1 : i32
      %add3A_133 = arith.addi %mul3A_131, %add3A_132 : i32
      %add3A_134 = arith.addi %select_n3A_8, %add3A_133 : i32
      "tpu.region"() ({
        %run_scoped3A = tpu.sem_alloc : memref<!tpu.dma_semaphore, #tpu.memory_space<semaphore_mem>>
        %dma_start3A_156 = arith.constant 0 : i32
        %dma_start3A_157 = arith.constant 0 : i32
        %dma_start3A_158 = tpu.memref_slice %arg3[%add3A_134, %dma_start3A_156, %dma_start3A_157] : memref<2528x2x128xi32, #tpu.memory_space<hbm>> -> memref<1x2x128xi32, #tpu.memory_space<hbm>>
        %dma_start3A_159 = tpu.memref_squeeze %dma_start3A_158 : memref<1x2x128xi32, #tpu.memory_space<hbm>> -> memref<2x128xi32, #tpu.memory_space<hbm>>
        %dma_start3A_160 = arith.constant 0 : i32
        %dma_start3A_161 = arith.constant 0 : i32
        %dma_start3A_162 = tpu.memref_slice %arg3[%add3A_134, %dma_start3A_160, %dma_start3A_161] : memref<2528x2x128xi32, #tpu.memory_space<hbm>> -> memref<1x2x128xi32, #tpu.memory_space<hbm>>
        %dma_start3A_163 = tpu.memref_squeeze %dma_start3A_162 : memref<1x2x128xi32, #tpu.memory_space<hbm>> -> memref<2x128xi32, #tpu.memory_space<hbm>>
        tpu.enqueue_dma source(%dma_start3A_163 : memref<2x128xi32, #tpu.memory_space<hbm>>) target(%arg6 : memref<2x128xi32, #tpu.memory_space<vmem>>) target_semaphore(%run_scoped3A : memref<!tpu.dma_semaphore, #tpu.memory_space<semaphore_mem>>)
        %dma_wait3A_164 = arith.constant 0 : i32
        %dma_wait3A_165 = arith.constant 0 : i32
        %dma_wait3A_166 = tpu.memref_slice %arg3[%add3A_134, %dma_wait3A_164, %dma_wait3A_165] : memref<2528x2x128xi32, #tpu.memory_space<hbm>> -> memref<1x2x128xi32, #tpu.memory_space<hbm>>
        %dma_wait3A_167 = tpu.memref_squeeze %dma_wait3A_166 : memref<1x2x128xi32, #tpu.memory_space<hbm>> -> memref<2x128xi32, #tpu.memory_space<hbm>>
        %dma_wait3A_168 = arith.constant 0 : i32
        %dma_wait3A_169 = arith.constant 0 : i32
        %dma_wait3A_170 = tpu.memref_slice %arg3[%add3A_134, %dma_wait3A_168, %dma_wait3A_169] : memref<2528x2x128xi32, #tpu.memory_space<hbm>> -> memref<1x2x128xi32, #tpu.memory_space<hbm>>
        %dma_wait3A_171 = tpu.memref_squeeze %dma_wait3A_170 : memref<1x2x128xi32, #tpu.memory_space<hbm>> -> memref<2x128xi32, #tpu.memory_space<hbm>>
        tpu.wait_dma2 semaphore(%run_scoped3A : memref<!tpu.dma_semaphore, #tpu.memory_space<semaphore_mem>>) src(%dma_wait3A_171 : memref<2x128xi32, #tpu.memory_space<hbm>>) dst(%arg6 : memref<2x128xi32, #tpu.memory_space<vmem>>)
        tpu.yield
      }) : () -> ()
      %dma_start3A_135 = arith.constant 0 : i32
      %dma_start3A_136 = arith.constant 0 : i32
      %dma_start3A_137 = tpu.memref_slice %arg6[%dma_start3A_135, %dma_start3A_136] : memref<2x128xi32, #tpu.memory_space<vmem>> -> memref<1x128xi32, #tpu.memory_space<vmem>>
      %dma_start3A_138 = tpu.memref_squeeze %dma_start3A_137 : memref<1x128xi32, #tpu.memory_space<vmem>> -> memref<128xi32, #tpu.memory_space<vmem>>
      %dma_start3A_139 = arith.constant 0 : i32
      %dma_start3A_140 = arith.constant 0 : i32
      %dma_start3A_141 = tpu.memref_slice %arg2[%dma_start3A_139, %dma_start3A_140] : memref<10000x128xf32, #tpu.memory_space<hbm>> -> memref<10000x128xf32, #tpu.memory_space<hbm>>
      tpu.enqueue_indirect_dma source(%dma_start3A_141 : memref<10000x128xf32, #tpu.memory_space<hbm>>) target(%arg8 : memref<128x128xf32, #tpu.memory_space<vmem>>) offsets(%dma_start3A_138 : memref<128xi32, #tpu.memory_space<vmem>>) semaphore(%arg12 : memref<!tpu.dma_semaphore, #tpu.memory_space<semaphore_mem>>)
      %dma_wait3A_142 = arith.constant 0 : i32
      %dma_wait3A_143 = arith.constant 0 : i32
      %dma_wait3A_144 = tpu.memref_slice %arg5[%dma_wait3A_142, %dma_wait3A_143] : memref<2x128xi32, #tpu.memory_space<vmem>> -> memref<1x128xi32, #tpu.memory_space<vmem>>
      %dma_wait3A_145 = tpu.memref_squeeze %dma_wait3A_144 : memref<1x128xi32, #tpu.memory_space<vmem>> -> memref<128xi32, #tpu.memory_space<vmem>>
      %dma_wait3A_146 = arith.constant 0 : i32
      %dma_wait3A_147 = arith.constant 0 : i32
      %dma_wait3A_148 = tpu.memref_slice %arg2[%dma_wait3A_146, %dma_wait3A_147] : memref<10000x128xf32, #tpu.memory_space<hbm>> -> memref<10000x128xf32, #tpu.memory_space<hbm>>
      tpu.wait_indirect_dma semaphore(%arg11 : memref<!tpu.dma_semaphore, #tpu.memory_space<semaphore_mem>>) src(%dma_wait3A_148 : memref<10000x128xf32, #tpu.memory_space<hbm>>) dst(%arg7 : memref<128x128xf32, #tpu.memory_space<vmem>>)
      %dma_start3A_149 = arith.constant 1 : i32
      %dma_start3A_150 = arith.constant 0 : i32
      %dma_start3A_151 = tpu.memref_slice %arg5[%dma_start3A_149, %dma_start3A_150] : memref<2x128xi32, #tpu.memory_space<vmem>> -> memref<1x128xi32, #tpu.memory_space<vmem>>
      %dma_start3A_152 = tpu.memref_squeeze %dma_start3A_151 : memref<1x128xi32, #tpu.memory_space<vmem>> -> memref<128xi32, #tpu.memory_space<vmem>>
      %dma_start3A_153 = arith.constant 0 : i32
      %dma_start3A_154 = arith.constant 0 : i32
      %dma_start3A_155 = tpu.memref_slice %arg10[%dma_start3A_153, %dma_start3A_154] : memref<10240x128xf32, #tpu.memory_space<vmem_shared>> -> memref<10240x128xf32, #tpu.memory_space<vmem_shared>>
      tpu.enqueue_indirect_dma source(%arg7 : memref<128x128xf32, #tpu.memory_space<vmem>>) target(%dma_start3A_155 : memref<10240x128xf32, #tpu.memory_space<vmem_shared>>) offsets(%dma_start3A_152 : memref<128xi32, #tpu.memory_space<vmem>>) semaphore(%arg13 : memref<!tpu.dma_semaphore, #tpu.memory_space<semaphore_mem>>) {add = true}
    }
    %dma_wait3A = arith.constant 0 : i32
    %dma_wait3A_81 = arith.constant 0 : i32
    %dma_wait3A_82 = tpu.memref_slice %arg6[%dma_wait3A, %dma_wait3A_81] : memref<2x128xi32, #tpu.memory_space<vmem>> -> memref<1x128xi32, #tpu.memory_space<vmem>>
    %dma_wait3A_83 = tpu.memref_squeeze %dma_wait3A_82 : memref<1x128xi32, #tpu.memory_space<vmem>> -> memref<128xi32, #tpu.memory_space<vmem>>
    %dma_wait3A_84 = arith.constant 0 : i32
    %dma_wait3A_85 = arith.constant 0 : i32
    %dma_wait3A_86 = tpu.memref_slice %arg2[%dma_wait3A_84, %dma_wait3A_85] : memref<10000x128xf32, #tpu.memory_space<hbm>> -> memref<10000x128xf32, #tpu.memory_space<hbm>>
    tpu.wait_indirect_dma semaphore(%arg12 : memref<!tpu.dma_semaphore, #tpu.memory_space<semaphore_mem>>) src(%dma_wait3A_86 : memref<10000x128xf32, #tpu.memory_space<hbm>>) dst(%arg8 : memref<128x128xf32, #tpu.memory_space<vmem>>)
    %dma_start3A = arith.constant 1 : i32
    %dma_start3A_87 = arith.constant 0 : i32
    %dma_start3A_88 = tpu.memref_slice %arg6[%dma_start3A, %dma_start3A_87] : memref<2x128xi32, #tpu.memory_space<vmem>> -> memref<1x128xi32, #tpu.memory_space<vmem>>
    %dma_start3A_89 = tpu.memref_squeeze %dma_start3A_88 : memref<1x128xi32, #tpu.memory_space<vmem>> -> memref<128xi32, #tpu.memory_space<vmem>>
    %dma_start3A_90 = arith.constant 0 : i32
    %dma_start3A_91 = arith.constant 0 : i32
    %dma_start3A_92 = tpu.memref_slice %arg10[%dma_start3A_90, %dma_start3A_91] : memref<10240x128xf32, #tpu.memory_space<vmem_shared>> -> memref<10240x128xf32, #tpu.memory_space<vmem_shared>>
    tpu.enqueue_indirect_dma source(%arg8 : memref<128x128xf32, #tpu.memory_space<vmem>>) target(%dma_start3A_92 : memref<10240x128xf32, #tpu.memory_space<vmem_shared>>) offsets(%dma_start3A_89 : memref<128xi32, #tpu.memory_space<vmem>>) semaphore(%arg14 : memref<!tpu.dma_semaphore, #tpu.memory_space<semaphore_mem>>) {add = true}
    %dma_wait3A_93 = arith.constant 1 : i32
    %dma_wait3A_94 = arith.constant 0 : i32
    %dma_wait3A_95 = tpu.memref_slice %arg5[%dma_wait3A_93, %dma_wait3A_94] : memref<2x128xi32, #tpu.memory_space<vmem>> -> memref<1x128xi32, #tpu.memory_space<vmem>>
    %dma_wait3A_96 = tpu.memref_squeeze %dma_wait3A_95 : memref<1x128xi32, #tpu.memory_space<vmem>> -> memref<128xi32, #tpu.memory_space<vmem>>
    %dma_wait3A_97 = arith.constant 0 : i32
    %dma_wait3A_98 = arith.constant 0 : i32
    %dma_wait3A_99 = tpu.memref_slice %arg10[%dma_wait3A_97, %dma_wait3A_98] : memref<10240x128xf32, #tpu.memory_space<vmem_shared>> -> memref<10240x128xf32, #tpu.memory_space<vmem_shared>>
    tpu.wait_indirect_dma semaphore(%arg13 : memref<!tpu.dma_semaphore, #tpu.memory_space<semaphore_mem>>) src(%arg7 : memref<128x128xf32, #tpu.memory_space<vmem>>) dst(%dma_wait3A_99 : memref<10240x128xf32, #tpu.memory_space<vmem_shared>>)
    %dma_wait3A_100 = arith.constant 1 : i32
    %dma_wait3A_101 = arith.constant 0 : i32
    %dma_wait3A_102 = tpu.memref_slice %arg6[%dma_wait3A_100, %dma_wait3A_101] : memref<2x128xi32, #tpu.memory_space<vmem>> -> memref<1x128xi32, #tpu.memory_space<vmem>>
    %dma_wait3A_103 = tpu.memref_squeeze %dma_wait3A_102 : memref<1x128xi32, #tpu.memory_space<vmem>> -> memref<128xi32, #tpu.memory_space<vmem>>
    %dma_wait3A_104 = arith.constant 0 : i32
    %dma_wait3A_105 = arith.constant 0 : i32
    %dma_wait3A_106 = tpu.memref_slice %arg10[%dma_wait3A_104, %dma_wait3A_105] : memref<10240x128xf32, #tpu.memory_space<vmem_shared>> -> memref<10240x128xf32, #tpu.memory_space<vmem_shared>>
    tpu.wait_indirect_dma semaphore(%arg14 : memref<!tpu.dma_semaphore, #tpu.memory_space<semaphore_mem>>) src(%arg8 : memref<128x128xf32, #tpu.memory_space<vmem>>) dst(%dma_wait3A_106 : memref<10240x128xf32, #tpu.memory_space<vmem_shared>>)
    %barrier3A_107 = arith.constant 0 : index
    tpu.barrier barrier_id(%barrier3A_107)
    %mul3A_108 = arith.constant 640 : i32
    %mul3A_109 = arith.muli %arg1, %mul3A_108 : i32
    %mul3A_110 = arith.constant 640 : i32
    %mul3A_111 = arith.muli %arg1, %mul3A_110 : i32
    "tpu.region"() ({
      %run_scoped3A = tpu.sem_alloc : memref<!tpu.dma_semaphore, #tpu.memory_space<semaphore_mem>>
      %dma_start3A_112 = arith.constant 0 : i32
      %dma_start3A_113 = tpu.memref_slice %arg4[%arg0, %mul3A_111, %dma_start3A_112] : memref<2x10240x128xf32, #tpu.memory_space<hbm>> -> memref<1x640x128xf32, #tpu.memory_space<hbm>>
      %dma_start3A_114 = tpu.memref_squeeze %dma_start3A_113 : memref<1x640x128xf32, #tpu.memory_space<hbm>> -> memref<640x128xf32, #tpu.memory_space<hbm>>
      %dma_start3A_115 = arith.constant 0 : i32
      %dma_start3A_116 = tpu.memref_slice %arg10[%mul3A_109, %dma_start3A_115] : memref<10240x128xf32, #tpu.memory_space<vmem_shared>> -> memref<640x128xf32, #tpu.memory_space<vmem_shared>>
      tpu.enqueue_dma source(%dma_start3A_116 : memref<640x128xf32, #tpu.memory_space<vmem_shared>>) target(%dma_start3A_114 : memref<640x128xf32, #tpu.memory_space<hbm>>) target_semaphore(%run_scoped3A : memref<!tpu.dma_semaphore, #tpu.memory_space<semaphore_mem>>)
      %dma_wait3A_117 = arith.constant 0 : i32
      %dma_wait3A_118 = tpu.memref_slice %arg4[%arg0, %mul3A_111, %dma_wait3A_117] : memref<2x10240x128xf32, #tpu.memory_space<hbm>> -> memref<1x640x128xf32, #tpu.memory_space<hbm>>
      %dma_wait3A_119 = tpu.memref_squeeze %dma_wait3A_118 : memref<1x640x128xf32, #tpu.memory_space<hbm>> -> memref<640x128xf32, #tpu.memory_space<hbm>>
      %dma_wait3A_120 = arith.constant 0 : i32
      %dma_wait3A_121 = tpu.memref_slice %arg10[%mul3A_109, %dma_wait3A_120] : memref<10240x128xf32, #tpu.memory_space<vmem_shared>> -> memref<640x128xf32, #tpu.memory_space<vmem_shared>>
      tpu.wait_dma2 semaphore(%run_scoped3A : memref<!tpu.dma_semaphore, #tpu.memory_space<semaphore_mem>>) src(%dma_wait3A_121 : memref<640x128xf32, #tpu.memory_space<vmem_shared>>) dst(%dma_wait3A_119 : memref<640x128xf32, #tpu.memory_space<hbm>>)
      tpu.yield
    }) : () -> ()
    return
  }
}

module attributes {stable_mosaic.version = 14 : i64} {
  func.func @_linear_body(%arg0: i32, %arg1: memref<2000x128xf32, #tpu.memory_space<vmem>>, %arg2: memref<128x128xf32, #tpu.memory_space<vmem>>, %arg3: memref<1x128xf32, #tpu.memory_space<vmem>>, %arg4: memref<2000x128xf32, #tpu.memory_space<vmem>>) attributes {dimension_semantics = [#tpu.dimension_semantics<arbitrary>], iteration_bounds = array<i64: 5>, scalar_prefetch = 0 : i64, scratch_operands = 0 : i64, tpu.core_type = #tpu.core_type<tc>, window_params = [{transform_indices = @transform_0, window_bounds = array<i64: 2000, 128>}, {pipeline_mode = #tpu.pipeline_mode<synchronous>, transform_indices = @transform_1, window_bounds = array<i64: 128, 128>}, {pipeline_mode = #tpu.pipeline_mode<synchronous>, transform_indices = @transform_2, window_bounds = array<i64: 1, 128>}, {transform_indices = @transform_3, window_bounds = array<i64: 2000, 128>}]} {
    %get3A = arith.constant 0 : index
    %get3A_0 = arith.constant 0 : index
    %get3A_1 = vector.load %arg1[%get3A, %get3A_0] : memref<2000x128xf32, #tpu.memory_space<vmem>>, vector<2000x128xf32>
    %get3A_2 = arith.constant 0 : index
    %get3A_3 = arith.constant 0 : index
    %get3A_4 = vector.load %arg2[%get3A_2, %get3A_3] : memref<128x128xf32, #tpu.memory_space<vmem>>, vector<128x128xf32>
    %dot_general3A = arith.constant dense<0.000000e+00> : vector<2000x128xf32>
    %dot_general3A_5 = tpu.matmul %get3A_1, %get3A_4, %dot_general3A {dimension_numbers = #tpu.dot_dimension_numbers<[1], [0], [0], [1], [0, 0, 1, 1], [], []>, transpose_lhs_hint = false} : vector<2000x128xf32>, vector<128x128xf32>, vector<2000x128xf32> -> vector<2000x128xf32>
    %get3A_6 = arith.constant 0 : index
    %get3A_7 = arith.constant 0 : index
    %get3A_8 = vector.load %arg3[%get3A_6, %get3A_7] : memref<1x128xf32, #tpu.memory_space<vmem>>, vector<1x128xf32>
    %add3A = vector.broadcast %get3A_8 : vector<1x128xf32> to vector<2000x128xf32>
    %add3A_9 = arith.addf %dot_general3A_5, %add3A : vector<2000x128xf32>
    %swap3A = arith.constant 0 : index
    %swap3A_10 = arith.constant 0 : index
    %swap3A_11 = vector.load %arg4[%swap3A, %swap3A_10] : memref<2000x128xf32, #tpu.memory_space<vmem>>, vector<2000x128xf32>
    tpu.vector_store %arg4[%swap3A, %swap3A_10], %add3A_9 {strides = array<i32>} : memref<2000x128xf32, #tpu.memory_space<vmem>>, vector<2000x128xf32>,
    return
  }
  func.func @transform_0(%arg0: i32) -> (i32, i32) {
    %c0_i32 = arith.constant 0 : i32
    %c0_i32_0 = arith.constant 0 : i32
    return %arg0, %c0_i32 : i32, i32
  }
  func.func @transform_1(%arg0: i32) -> (i32, i32) {
    %c0_i32 = arith.constant 0 : i32
    %c0_i32_0 = arith.constant 0 : i32
    %c0_i32_1 = arith.constant 0 : i32
    return %c0_i32, %c0_i32_0 : i32, i32
  }
  func.func @transform_2(%arg0: i32) -> (i32, i32) {
    %c0_i32 = arith.constant 0 : i32
    %c0_i32_0 = arith.constant 0 : i32
    %c0_i32_1 = arith.constant 0 : i32
    return %c0_i32, %c0_i32_0 : i32, i32
  }
  func.func @transform_3(%arg0: i32) -> (i32, i32) {
    %c0_i32 = arith.constant 0 : i32
    %c0_i32_0 = arith.constant 0 : i32
    return %arg0, %c0_i32 : i32, i32
  }
}

module attributes {stable_mosaic.version = 14 : i64} {
  func.func @_mean_linear_body(%arg0: i32, %arg1: memref<2x2000x128xf32, #tpu.memory_space<vmem>>, %arg2: memref<2000x128xf32, #tpu.memory_space<vmem>>, %arg3: memref<2x2000x1xf32, #tpu.memory_space<vmem>>, %arg4: memref<2x2000x1xf32, #tpu.memory_space<vmem>>, %arg5: memref<128x128xf32, #tpu.memory_space<vmem>>, %arg6: memref<1x128xf32, #tpu.memory_space<vmem>>, %arg7: memref<2000x128xf32, #tpu.memory_space<vmem>>) attributes {dimension_semantics = [#tpu.dimension_semantics<arbitrary>], iteration_bounds = array<i64: 5>, scalar_prefetch = 0 : i64, scratch_operands = 0 : i64, tpu.core_type = #tpu.core_type<tc>, window_params = [{transform_indices = @transform_0, window_bounds = array<i64: 2, 2000, 128>}, {transform_indices = @transform_1, window_bounds = array<i64: 2000, 128>}, {transform_indices = @transform_2, window_bounds = array<i64: 2, 2000, 1>}, {transform_indices = @transform_3, window_bounds = array<i64: 2, 2000, 1>}, {pipeline_mode = #tpu.pipeline_mode<synchronous>, transform_indices = @transform_4, window_bounds = array<i64: 128, 128>}, {pipeline_mode = #tpu.pipeline_mode<synchronous>, transform_indices = @transform_5, window_bounds = array<i64: 1, 128>}, {transform_indices = @transform_6, window_bounds = array<i64: 2000, 128>}]} {
    %get3A = arith.constant 0 : index
    %get3A_0 = arith.constant 0 : index
    %get3A_1 = arith.constant 0 : index
    %get3A_2 = vector.load %arg3[%get3A, %get3A_0, %get3A_1] : memref<2x2000x1xf32, #tpu.memory_space<vmem>>, vector<1x2000x1xf32>
    %get3A_3 = vector.shape_cast %get3A_2 : vector<1x2000x1xf32> to vector<2000x1xf32>
    %get3A_4 = arith.constant 1 : index
    %get3A_5 = arith.constant 0 : index
    %get3A_6 = arith.constant 0 : index
    %get3A_7 = vector.load %arg3[%get3A_4, %get3A_5, %get3A_6] : memref<2x2000x1xf32, #tpu.memory_space<vmem>>, vector<1x2000x1xf32>
    %get3A_8 = vector.shape_cast %get3A_7 : vector<1x2000x1xf32> to vector<2000x1xf32>
    %add3A = arith.addf %get3A_3, %get3A_8 : vector<2000x1xf32>
    %get3A_9 = arith.constant 0 : index
    %get3A_10 = arith.constant 0 : index
    %get3A_11 = arith.constant 0 : index
    %get3A_12 = vector.load %arg4[%get3A_9, %get3A_10, %get3A_11] : memref<2x2000x1xf32, #tpu.memory_space<vmem>>, vector<1x2000x1xf32>
    %get3A_13 = vector.shape_cast %get3A_12 : vector<1x2000x1xf32> to vector<2000x1xf32>
    %get3A_14 = arith.constant 1 : index
    %get3A_15 = arith.constant 0 : index
    %get3A_16 = arith.constant 0 : index
    %get3A_17 = vector.load %arg4[%get3A_14, %get3A_15, %get3A_16] : memref<2x2000x1xf32, #tpu.memory_space<vmem>>, vector<1x2000x1xf32>
    %get3A_18 = vector.shape_cast %get3A_17 : vector<1x2000x1xf32> to vector<2000x1xf32>
    %add3A_19 = arith.addf %get3A_13, %get3A_18 : vector<2000x1xf32>
    %gt3A = arith.constant 5.000000e-01 : f32
    %gt3A_20 = vector.broadcast %gt3A : f32 to vector<2000x1xf32>
    %gt3A_21 = arith.cmpf ogt, %add3A_19, %gt3A_20 : vector<2000x1xf32>
    %jit3A = arith.constant 0.000000e+00 : f32
    %jit3A_22 = arith.constant 1.000000e+00 : f32
    %broadcast_in_dim3A = vector.broadcast %jit3A : f32 to vector<2000x1xf32>
    %broadcast_in_dim3A_23 = vector.broadcast %jit3A_22 : f32 to vector<2000x1xf32>
    %select_n3A = arith.select %gt3A_21, %broadcast_in_dim3A, %broadcast_in_dim3A_23 : vector<2000x1xi1>, vector<2000x1xf32>
    %add3A_24 = arith.addf %add3A, %select_n3A : vector<2000x1xf32>
    %max3A = arith.constant 1.000000e+00 : f32
    %max3A_25 = vector.broadcast %max3A : f32 to vector<2000x1xf32>
    %max3A_26 = arith.maximumf %add3A_24, %max3A_25 : vector<2000x1xf32>
    %get3A_27 = arith.constant 0 : index
    %get3A_28 = arith.constant 0 : index
    %get3A_29 = arith.constant 0 : index
    %get3A_30 = vector.load %arg1[%get3A_27, %get3A_28, %get3A_29] : memref<2x2000x128xf32, #tpu.memory_space<vmem>>, vector<1x2000x128xf32>
    %get3A_31 = vector.shape_cast %get3A_30 : vector<1x2000x128xf32> to vector<2000x128xf32>
    %get3A_32 = arith.constant 1 : index
    %get3A_33 = arith.constant 0 : index
    %get3A_34 = arith.constant 0 : index
    %get3A_35 = vector.load %arg1[%get3A_32, %get3A_33, %get3A_34] : memref<2x2000x128xf32, #tpu.memory_space<vmem>>, vector<1x2000x128xf32>
    %get3A_36 = vector.shape_cast %get3A_35 : vector<1x2000x128xf32> to vector<2000x128xf32>
    %add3A_37 = arith.addf %get3A_31, %get3A_36 : vector<2000x128xf32>
    %get3A_38 = arith.constant 0 : index
    %get3A_39 = arith.constant 0 : index
    %get3A_40 = vector.load %arg2[%get3A_38, %get3A_39] : memref<2000x128xf32, #tpu.memory_space<vmem>>, vector<2000x128xf32>
    %mul3A = vector.broadcast %select_n3A : vector<2000x1xf32> to vector<2000x128xf32>
    %mul3A_41 = arith.mulf %mul3A, %get3A_40 : vector<2000x128xf32>
    %add3A_42 = arith.addf %add3A_37, %mul3A_41 : vector<2000x128xf32>
    %div3A = vector.broadcast %max3A_26 : vector<2000x1xf32> to vector<2000x128xf32>
    %div3A_43 = arith.divf %add3A_42, %div3A : vector<2000x128xf32>
    %get3A_44 = arith.constant 0 : index
    %get3A_45 = arith.constant 0 : index
    %get3A_46 = vector.load %arg5[%get3A_44, %get3A_45] : memref<128x128xf32, #tpu.memory_space<vmem>>, vector<128x128xf32>
    %dot_general3A = arith.constant dense<0.000000e+00> : vector<2000x128xf32>
    %dot_general3A_47 = tpu.matmul %div3A_43, %get3A_46, %dot_general3A {dimension_numbers = #tpu.dot_dimension_numbers<[1], [0], [0], [1], [0, 0, 1, 1], [], []>, transpose_lhs_hint = false} : vector<2000x128xf32>, vector<128x128xf32>, vector<2000x128xf32> -> vector<2000x128xf32>
    %get3A_48 = arith.constant 0 : index
    %get3A_49 = arith.constant 0 : index
    %get3A_50 = vector.load %arg6[%get3A_48, %get3A_49] : memref<1x128xf32, #tpu.memory_space<vmem>>, vector<1x128xf32>
    %add3A_51 = vector.broadcast %get3A_50 : vector<1x128xf32> to vector<2000x128xf32>
    %add3A_52 = arith.addf %dot_general3A_47, %add3A_51 : vector<2000x128xf32>
    %max3A_53 = arith.constant 0.000000e+00 : f32
    %max3A_54 = vector.broadcast %max3A_53 : f32 to vector<2000x128xf32>
    %max3A_55 = arith.maximumf %add3A_52, %max3A_54 : vector<2000x128xf32>
    %swap3A = arith.constant 0 : index
    %swap3A_56 = arith.constant 0 : index
    %swap3A_57 = vector.load %arg7[%swap3A, %swap3A_56] : memref<2000x128xf32, #tpu.memory_space<vmem>>, vector<2000x128xf32>
    tpu.vector_store %arg7[%swap3A, %swap3A_56], %max3A_55 {strides = array<i32>} : memref<2000x128xf32, #tpu.memory_space<vmem>>, vector<2000x128xf32>,
    return
  }
  func.func @transform_0(%arg0: i32) -> (i32, i32, i32) {
    %c0_i32 = arith.constant 0 : i32
    %c0_i32_0 = arith.constant 0 : i32
    %c0_i32_1 = arith.constant 0 : i32
    return %c0_i32, %arg0, %c0_i32_0 : i32, i32, i32
  }
  func.func @transform_1(%arg0: i32) -> (i32, i32) {
    %c0_i32 = arith.constant 0 : i32
    %c0_i32_0 = arith.constant 0 : i32
    return %arg0, %c0_i32 : i32, i32
  }
  func.func @transform_2(%arg0: i32) -> (i32, i32, i32) {
    %c0_i32 = arith.constant 0 : i32
    %c0_i32_0 = arith.constant 0 : i32
    %c0_i32_1 = arith.constant 0 : i32
    return %c0_i32, %arg0, %c0_i32_0 : i32, i32, i32
  }
  func.func @transform_3(%arg0: i32) -> (i32, i32, i32) {
    %c0_i32 = arith.constant 0 : i32
    %c0_i32_0 = arith.constant 0 : i32
    %c0_i32_1 = arith.constant 0 : i32
    return %c0_i32, %arg0, %c0_i32_0 : i32, i32, i32
  }
  func.func @transform_4(%arg0: i32) -> (i32, i32) {
    %c0_i32 = arith.constant 0 : i32
    %c0_i32_0 = arith.constant 0 : i32
    %c0_i32_1 = arith.constant 0 : i32
    return %c0_i32, %c0_i32_0 : i32, i32
  }
  func.func @transform_5(%arg0: i32) -> (i32, i32) {
    %c0_i32 = arith.constant 0 : i32
    %c0_i32_0 = arith.constant 0 : i32
    %c0_i32_1 = arith.constant 0 : i32
    return %c0_i32, %c0_i32_0 : i32, i32
  }
  func.func @transform_6(%arg0: i32) -> (i32, i32) {
    %c0_i32 = arith.constant 0 : i32
    %c0_i32_0 = arith.constant 0 : i32
    return %arg0, %c0_i32 : i32, i32
  }
}

module attributes {stable_mosaic.version = 14 : i64} {
  func.func @_mean_linear_body(%arg0: i32, %arg1: memref<2x2000x128xf32, #tpu.memory_space<vmem>>, %arg2: memref<2000x128xf32, #tpu.memory_space<vmem>>, %arg3: memref<2x2000x1xf32, #tpu.memory_space<vmem>>, %arg4: memref<2x2000x1xf32, #tpu.memory_space<vmem>>, %arg5: memref<128x128xf32, #tpu.memory_space<vmem>>, %arg6: memref<1x128xf32, #tpu.memory_space<vmem>>, %arg7: memref<2000x128xf32, #tpu.memory_space<vmem>>) attributes {dimension_semantics = [#tpu.dimension_semantics<arbitrary>], iteration_bounds = array<i64: 5>, scalar_prefetch = 0 : i64, scratch_operands = 0 : i64, tpu.core_type = #tpu.core_type<tc>, window_params = [{transform_indices = @transform_0, window_bounds = array<i64: 2, 2000, 128>}, {transform_indices = @transform_1, window_bounds = array<i64: 2000, 128>}, {transform_indices = @transform_2, window_bounds = array<i64: 2, 2000, 1>}, {transform_indices = @transform_3, window_bounds = array<i64: 2, 2000, 1>}, {pipeline_mode = #tpu.pipeline_mode<synchronous>, transform_indices = @transform_4, window_bounds = array<i64: 128, 128>}, {pipeline_mode = #tpu.pipeline_mode<synchronous>, transform_indices = @transform_5, window_bounds = array<i64: 1, 128>}, {transform_indices = @transform_6, window_bounds = array<i64: 2000, 128>}]} {
    %get3A = arith.constant 0 : index
    %get3A_0 = arith.constant 0 : index
    %get3A_1 = arith.constant 0 : index
    %get3A_2 = vector.load %arg3[%get3A, %get3A_0, %get3A_1] : memref<2x2000x1xf32, #tpu.memory_space<vmem>>, vector<1x2000x1xf32>
    %get3A_3 = vector.shape_cast %get3A_2 : vector<1x2000x1xf32> to vector<2000x1xf32>
    %get3A_4 = arith.constant 1 : index
    %get3A_5 = arith.constant 0 : index
    %get3A_6 = arith.constant 0 : index
    %get3A_7 = vector.load %arg3[%get3A_4, %get3A_5, %get3A_6] : memref<2x2000x1xf32, #tpu.memory_space<vmem>>, vector<1x2000x1xf32>
    %get3A_8 = vector.shape_cast %get3A_7 : vector<1x2000x1xf32> to vector<2000x1xf32>
    %add3A = arith.addf %get3A_3, %get3A_8 : vector<2000x1xf32>
    %get3A_9 = arith.constant 0 : index
    %get3A_10 = arith.constant 0 : index
    %get3A_11 = arith.constant 0 : index
    %get3A_12 = vector.load %arg4[%get3A_9, %get3A_10, %get3A_11] : memref<2x2000x1xf32, #tpu.memory_space<vmem>>, vector<1x2000x1xf32>
    %get3A_13 = vector.shape_cast %get3A_12 : vector<1x2000x1xf32> to vector<2000x1xf32>
    %get3A_14 = arith.constant 1 : index
    %get3A_15 = arith.constant 0 : index
    %get3A_16 = arith.constant 0 : index
    %get3A_17 = vector.load %arg4[%get3A_14, %get3A_15, %get3A_16] : memref<2x2000x1xf32, #tpu.memory_space<vmem>>, vector<1x2000x1xf32>
    %get3A_18 = vector.shape_cast %get3A_17 : vector<1x2000x1xf32> to vector<2000x1xf32>
    %add3A_19 = arith.addf %get3A_13, %get3A_18 : vector<2000x1xf32>
    %gt3A = arith.constant 5.000000e-01 : f32
    %gt3A_20 = vector.broadcast %gt3A : f32 to vector<2000x1xf32>
    %gt3A_21 = arith.cmpf ogt, %add3A_19, %gt3A_20 : vector<2000x1xf32>
    %jit3A = arith.constant 0.000000e+00 : f32
    %jit3A_22 = arith.constant 1.000000e+00 : f32
    %broadcast_in_dim3A = vector.broadcast %jit3A : f32 to vector<2000x1xf32>
    %broadcast_in_dim3A_23 = vector.broadcast %jit3A_22 : f32 to vector<2000x1xf32>
    %select_n3A = arith.select %gt3A_21, %broadcast_in_dim3A, %broadcast_in_dim3A_23 : vector<2000x1xi1>, vector<2000x1xf32>
    %add3A_24 = arith.addf %add3A, %select_n3A : vector<2000x1xf32>
    %max3A = arith.constant 1.000000e+00 : f32
    %max3A_25 = vector.broadcast %max3A : f32 to vector<2000x1xf32>
    %max3A_26 = arith.maximumf %add3A_24, %max3A_25 : vector<2000x1xf32>
    %get3A_27 = arith.constant 0 : index
    %get3A_28 = arith.constant 0 : index
    %get3A_29 = arith.constant 0 : index
    %get3A_30 = vector.load %arg1[%get3A_27, %get3A_28, %get3A_29] : memref<2x2000x128xf32, #tpu.memory_space<vmem>>, vector<1x2000x128xf32>
    %get3A_31 = vector.shape_cast %get3A_30 : vector<1x2000x128xf32> to vector<2000x128xf32>
    %get3A_32 = arith.constant 1 : index
    %get3A_33 = arith.constant 0 : index
    %get3A_34 = arith.constant 0 : index
    %get3A_35 = vector.load %arg1[%get3A_32, %get3A_33, %get3A_34] : memref<2x2000x128xf32, #tpu.memory_space<vmem>>, vector<1x2000x128xf32>
    %get3A_36 = vector.shape_cast %get3A_35 : vector<1x2000x128xf32> to vector<2000x128xf32>
    %add3A_37 = arith.addf %get3A_31, %get3A_36 : vector<2000x128xf32>
    %get3A_38 = arith.constant 0 : index
    %get3A_39 = arith.constant 0 : index
    %get3A_40 = vector.load %arg2[%get3A_38, %get3A_39] : memref<2000x128xf32, #tpu.memory_space<vmem>>, vector<2000x128xf32>
    %mul3A = vector.broadcast %select_n3A : vector<2000x1xf32> to vector<2000x128xf32>
    %mul3A_41 = arith.mulf %mul3A, %get3A_40 : vector<2000x128xf32>
    %add3A_42 = arith.addf %add3A_37, %mul3A_41 : vector<2000x128xf32>
    %div3A = vector.broadcast %max3A_26 : vector<2000x1xf32> to vector<2000x128xf32>
    %div3A_43 = arith.divf %add3A_42, %div3A : vector<2000x128xf32>
    %get3A_44 = arith.constant 0 : index
    %get3A_45 = arith.constant 0 : index
    %get3A_46 = vector.load %arg5[%get3A_44, %get3A_45] : memref<128x128xf32, #tpu.memory_space<vmem>>, vector<128x128xf32>
    %dot_general3A = arith.constant dense<0.000000e+00> : vector<2000x128xf32>
    %dot_general3A_47 = tpu.matmul %div3A_43, %get3A_46, %dot_general3A {dimension_numbers = #tpu.dot_dimension_numbers<[1], [0], [0], [1], [0, 0, 1, 1], [], []>, transpose_lhs_hint = false} : vector<2000x128xf32>, vector<128x128xf32>, vector<2000x128xf32> -> vector<2000x128xf32>
    %get3A_48 = arith.constant 0 : index
    %get3A_49 = arith.constant 0 : index
    %get3A_50 = vector.load %arg6[%get3A_48, %get3A_49] : memref<1x128xf32, #tpu.memory_space<vmem>>, vector<1x128xf32>
    %add3A_51 = vector.broadcast %get3A_50 : vector<1x128xf32> to vector<2000x128xf32>
    %add3A_52 = arith.addf %dot_general3A_47, %add3A_51 : vector<2000x128xf32>
    %mul3A_53 = arith.mulf %add3A_52, %add3A_52 : vector<2000x128xf32>
    %reduce_sum3A = arith.constant dense<0.000000e+00> : vector<2000xf32>
    %reduce_sum3A_54 = vector.multi_reduction <add>, %mul3A_53, %reduce_sum3A [1] : vector<2000x128xf32> to vector<2000xf32>
    %broadcast_in_dim3A_55 = vector.shape_cast %reduce_sum3A_54 : vector<2000xf32> to vector<2000x1xf32>
    %sqrt3A = math.sqrt %broadcast_in_dim3A_55 : vector<2000x1xf32>
    %max3A_56 = arith.constant 9.99999996E-13 : f32
    %max3A_57 = vector.broadcast %max3A_56 : f32 to vector<2000x1xf32>
    %max3A_58 = arith.maximumf %sqrt3A, %max3A_57 : vector<2000x1xf32>
    %div3A_59 = vector.broadcast %max3A_58 : vector<2000x1xf32> to vector<2000x128xf32>
    %div3A_60 = arith.divf %add3A_52, %div3A_59 : vector<2000x128xf32>
    %swap3A = arith.constant 0 : index
    %swap3A_61 = arith.constant 0 : index
    %swap3A_62 = vector.load %arg7[%swap3A, %swap3A_61] : memref<2000x128xf32, #tpu.memory_space<vmem>>, vector<2000x128xf32>
    tpu.vector_store %arg7[%swap3A, %swap3A_61], %div3A_60 {strides = array<i32>} : memref<2000x128xf32, #tpu.memory_space<vmem>>, vector<2000x128xf32>,
    return
  }
  func.func @transform_0(%arg0: i32) -> (i32, i32, i32) {
    %c0_i32 = arith.constant 0 : i32
    %c0_i32_0 = arith.constant 0 : i32
    %c0_i32_1 = arith.constant 0 : i32
    return %c0_i32, %arg0, %c0_i32_0 : i32, i32, i32
  }
  func.func @transform_1(%arg0: i32) -> (i32, i32) {
    %c0_i32 = arith.constant 0 : i32
    %c0_i32_0 = arith.constant 0 : i32
    return %arg0, %c0_i32 : i32, i32
  }
  func.func @transform_2(%arg0: i32) -> (i32, i32, i32) {
    %c0_i32 = arith.constant 0 : i32
    %c0_i32_0 = arith.constant 0 : i32
    %c0_i32_1 = arith.constant 0 : i32
    return %c0_i32, %arg0, %c0_i32_0 : i32, i32, i32
  }
  func.func @transform_3(%arg0: i32) -> (i32, i32, i32) {
    %c0_i32 = arith.constant 0 : i32
    %c0_i32_0 = arith.constant 0 : i32
    %c0_i32_1 = arith.constant 0 : i32
    return %c0_i32, %arg0, %c0_i32_0 : i32, i32, i32
  }
  func.func @transform_4(%arg0: i32) -> (i32, i32) {
    %c0_i32 = arith.constant 0 : i32
    %c0_i32_0 = arith.constant 0 : i32
    %c0_i32_1 = arith.constant 0 : i32
    return %c0_i32, %c0_i32_0 : i32, i32
  }
  func.func @transform_5(%arg0: i32) -> (i32, i32) {
    %c0_i32 = arith.constant 0 : i32
    %c0_i32_0 = arith.constant 0 : i32
    %c0_i32_1 = arith.constant 0 : i32
    return %c0_i32, %c0_i32_0 : i32, i32
  }
  func.func @transform_6(%arg0: i32) -> (i32, i32) {
    %c0_i32 = arith.constant 0 : i32
    %c0_i32_0 = arith.constant 0 : i32
    return %arg0, %c0_i32 : i32, i32
  }
}

</mosaic_0001>

<sc_bundles>
// kernel: kernel.10.cloned.1.call-start
scs
__scs_entry_jumppad:
0x0: {  	(pc) =	sbr.rel $0x88, $3  }
0x1: {  	(tag) =	ssettag $0x0;
	lr =	simm.s32 $0x1  }
0x2: {  	[smem:$0x3F99] =	sst lr;
	_ =	strace $0xD0000000  }
0x3: {  	_ = 	snop  }
0x4: {  	_ = 	snop  }
0x5: {  	_ = 	snop  }
0x6: {  	_ = 	snop  }
0x7: {  	_ = 	snop  }
__scs_overlays_trampoline_lowered:
0x8: {  	[smem:$0x3FA8] =	sst s0  }
0x9: {  	[smem:$0x3FA9] =	sst s1  }
0xa: {  	[smem:$0x3FAA] =	sst s2  }
0xb: {  	[smem:$0x3FAB] =	sst s3  }
0xc: {  	[smem:$0x3FAC] =	sst s4  }
0xd: {  	[smem:$0x3FAD] =	sst s5  }
0xe: {  	[smem:$0x3FAE] =	sst s6  }
0xf: {  	[smem:$0x3FAF] =	sst s7  }
0x10: {  	[smem:$0x3FB0] =	sst s8  }
0x11: {  	[smem:$0x3FB1] =	sst s9;
	s0 =	simm.s32 @!p0 $0x0  }
0x12: {  	s1 =	sld [smem:$0x3F97];
	s0 =	simm.s32 @p0 $0x1  }
0x13: {  	[smem:$0x3FB2] =	sst s0;
	s0 =	simm.s32 @!p1 $0x0  }
0x14: {  	s2 =	sld [smem:$0x3F96];
	s0 =	simm.s32 @p1 $0x1  }
0x15: {  	[smem:$0x3FB3] =	sst s0;
	s0 =	simm.s32 @!p2 $0x0  }
0x16: {  	s3 =	sld [smem:$0x3FDB];
	s0 =	simm.s32 @p2 $0x1  }
0x17: {  	s4 =	simm.s32 $0x1BF5;
	[smem:$0x3FB5] =	sst s0  }
0x18: {  	s0 =	sld [smem:$0x3F98];
	_ =	swait.ge [sflag:s4], $0x0  }
0x19: {  	s7 =	sld [smem:$0x3F99]  }
0x1a: {  	s8 =	sadd.s32 $0xFFFFE003, lr  }
0x1b: {  	s9 =	sadd.s32 $0xFFFFFEF7, lr;
	s5 =	simm.s32 $0xFFFFFFFF;
	p2 =	slt.u32 s8, $0xFFFFF086  }
0x1c: {  	p1 =	slt.u32 s9, $0xF7A;
	s5 =	simm.s32 @!p2 $0x0  }
0x1d: {  	s5 =	simm.s32 @p1 $0x1;
	p0 =	seq.s32 s7, s2  }
0x1e: {  	s7 =	smul.u32 @!p0 $0xF7A, s2;
	p2 =	seq.s32 @!p0 s5, $0x0  }
0x1f: {  	s9 =	smul.u32 $0xF7A, s1;
	s8 =	simm.s32 @!p0 $0x1BF5;
	p2 =	por !p2, p0  }
0x20: {  	[sflag:s8] =	ssyncset.s32 @!p0 $0xFFFFF086;
	s6 =	sadd.s32 @!p0 s3, s7;
	s7 =	simm.s32 @!p0 $0x108  }
0x21: {  	s3 =	sadd.s32 s3, s9;
	s6 =	sadd.s32 @!p0 $0x88, s6;
	s7 =	simm.s32 @p2 $0x1082  }
0x22: {  	[simem:s7], [sflag:s8] =	dma.local @!p0 [hbm:s6], $0xF7A  }
0x23: {  	s9 =	sor.u32 $0xD0000000, s2;
	s6 =	simm.s32 $0x108;
	_ =	swait.ge @!p0 [sflag:s8], $0x0  }
0x24: {  	s3 =	sadd.s32 $0x88, s3;
	s6 =	simm.s32 @!p1 $0x1082;
	[sflag:s4] =	ssyncset.s32 $0xFFFFF086  }
0x25: {  	[simem:s6], [sflag:s4] =	dma.local [hbm:s3], $0xF7A  }
0x26: {  	[smem:$0x3F99] =	sst s1;
	(tag) =	ssettag s2;
	_ =	strace s9  }
0x27: {  	s1 =	sld [smem:$0x3FA9]  }
0x28: {  	s2 =	sld [smem:$0x3FAA]  }
0x29: {  	s4 =	sld [smem:$0x3FAC]  }
0x2a: {  	p0 =	seq.s32 s5, $0x0;
	s5 =	sld [smem:$0x3FAD]  }
0x2b: {  	s6 =	sld [smem:$0x3FAE]  }
0x2c: {  	s7 =	sld [smem:$0x3FAF]  }
0x2d: {  	s3 =	simm.s32 $0x108;
	s8 =	sld [smem:$0x3FB0]  }
0x2e: {  	s3 =	simm.s32 @!p0 $0x1082;
	s9 =	sld [smem:$0x3FB1]  }
0x2f: {  	lr =	sadd.s32 s0, s3;
	s0 =	sld [smem:$0x3FA8]  }
0x30: {  	s3 =	sld [smem:$0x3FAB]  }
0x31: {  	[smem:$0x3FB4] =	sst s10  }
0x32: {  	s10 =	sld [smem:$0x3FB2];
	_ =	sdelay $0x3  }
0x33: {  	p0 =	seq.s32 s10, $0x1;
	s10 =	sld [smem:$0x3FB4];
	_ =	sdelay $0x3  }
0x34: {  	[smem:$0x3FB4] =	sst s10  }
0x35: {  	s10 =	sld [smem:$0x3FB3];
	_ =	sdelay $0x3  }
0x36: {  	p1 =	seq.s32 s10, $0x1;
	s10 =	sld [smem:$0x3FB4];
	_ =	sdelay $0x3  }
0x37: {  	[smem:$0x3FB4] =	sst s10  }
0x38: {  	s10 =	sld [smem:$0x3FB5]  }
0x39: {  	_ = 	snop;
	(pc) =	sbr.ind lr, $3  }
0x3a: {  	_ = 	snop  }
0x3b: {  	_ = 	snop  }
0x3c: {  	p2 =	seq.s32 s10, $0x1;
	s10 =	sld [smem:$0x3FB4]  }
0x3d: {  	_ =	shalt  }
0x3e: {  	_ =	shalt  }
0x3f: {  	_ =	shalt  }
0x40: {  	_ =	shalt  }
0x41: {  	_ =	shalt  }
0x42: {  	_ =	shalt  }
0x43: {  	_ =	shalt  }
0x44: {  	_ =	shalt  }
0x45: {  	_ =	shalt  }
0x46: {  	_ =	shalt  }
0x47: {  	_ =	shalt  }
0x48: {  	_ =	shalt  }
0x49: {  	_ =	shalt  }
0x4a: {  	_ =	shalt  }
0x4b: {  	_ =	shalt  }
0x4c: {  	_ =	shalt  }
0x4d: {  	_ =	shalt  }
0x4e: {  	_ =	shalt  }
0x4f: {  	_ =	shalt  }
0x50: {  	_ =	shalt  }
0x51: {  	_ =	shalt  }
0x52: {  	_ =	shalt  }
0x53: {  	_ =	shalt  }
0x54: {  	_ =	shalt  }
0x55: {  	_ =	shalt  }
0x56: {  	_ =	shalt  }
0x57: {  	_ =	shalt  }
0x58: {  	_ =	shalt  }
0x59: {  	_ =	shalt  }
0x5a: {  	_ =	shalt  }
0x5b: {  	_ =	shalt  }
0x5c: {  	_ =	shalt  }
0x5d: {  	_ =	shalt  }
0x5e: {  	_ =	shalt  }
0x5f: {  	_ =	shalt  }
0x60: {  	_ =	shalt  }
0x61: {  	_ =	shalt  }
0x62: {  	_ =	shalt  }
0x63: {  	_ =	shalt  }
0x64: {  	_ =	shalt  }
0x65: {  	_ =	shalt  }
0x66: {  	_ =	shalt  }
0x67: {  	_ =	shalt  }
0x68: {  	_ =	shalt  }
0x69: {  	_ =	shalt  }
0x6a: {  	_ =	shalt  }
0x6b: {  	_ =	shalt  }
0x6c: {  	_ =	shalt  }
0x6d: {  	_ =	shalt  }
0x6e: {  	_ =	shalt  }
0x6f: {  	_ =	shalt  }
0x70: {  	_ =	shalt  }
0x71: {  	_ =	shalt  }
0x72: {  	_ =	shalt  }
0x73: {  	_ =	shalt  }
0x74: {  	_ =	shalt  }
0x75: {  	_ =	shalt  }
0x76: {  	_ =	shalt  }
0x77: {  	_ =	shalt  }
0x78: {  	_ =	shalt  }
0x79: {  	_ =	shalt  }
0x7a: {  	_ =	shalt  }
0x7b: {  	_ =	shalt  }
0x7c: {  	_ =	shalt  }
0x7d: {  	_ =	shalt  }
0x7e: {  	_ =	shalt  }
0x7f: {  	_ =	shalt  }
0x80: {  	_ =	shalt  }
0x81: {  	_ =	shalt  }
0x82: {  	_ =	shalt  }
0x83: {  	_ =	shalt  }
0x84: {  	_ =	shalt  }
0x85: {  	_ =	shalt  }
0x86: {  	_ =	shalt  }
0x87: {  	_ =	shalt  }
.Lfunc_end0:
.L_simem_size_0:
called_computation.1_lowered:
.L_overlay_start_0:
0x88: {  	s2 =	sld [smem:$0x3FD9]  }
0x89: {  	s3 =	sld [smem:$0x3FFE];
	_ =	sdelay $0x1  }
0x8a: {  	s1 =	srdreg.scid  }
0x8b: {  	s0 =	sand.u32 $0x1, s1  }
0x8c: {  	s17 =	sshll.u32 s0, $0xA;
	s2 =	sadd.s32 s3, s2  }
0x8d: {  	s2 =	sadd.s32 s2, s17  }
0x8e: {  	[smem:$0x3FC0] =	sst s2  }
0x8f: {  	_ = 	snop  }
0x90: {  	s2 =	sld [smem:$0x3FD0];
	(tm) =	ssettm $0x1  }
0x91: {  	s18 =	sld [smem:$0x3FFB];
	_ =	sdelay $0x3  }
0x92: {  	_ =	strace s18  }
0x93: {  	s3 =	sld [smem:$0x3FFC];
	_ =	sdelay $0x3  }
0x94: {  	_ =	strace s3  }
0x95: {  	s3 =	sld [smem:$0x3FFD];
	_ =	sdelay $0x3  }
0x96: {  	_ =	strace s3  }
0x97: {  	_ =	strace $0x8FFFFFFF  }
0x98: {  	s19 =	sld [smem:$0x3FDB];
	_ =	sdelay $0x1  }
0x99: {  	s4 =	simm.s32 $_scs_section_size  }
0x9a: {  	s5 =	simm.s32 $_size__tile_overlayer_lowered;
	s6 =	simm.s32 $_tile_overlayer_lowered  }
0x9b: {  	s22 =	simm.s32 $0x1BFF;
	s21 =	sshll.u32 s6, $0x1;
	s3 =	sadd.s32 s4, s19  }
0x9c: {  	s7 =	simm.s32 $0x0;
	s20 =	sshll.u32 s5, $0x1;
	s5 =	sadd.s32 s21, s3  }
0x9d: {  	[timem:s7], [sflag:s22] =	dma.local [hbm:s5], s20  }
0x9e: {  	_ =	swait.ge [sflag:s22], s20  }
0x9f: {  	s4 =	ssub.s32 $0x0, s20;
	[sflag:s22] =	ssyncset.done $0x0  }
0xa0: {  	[sflag:s22] =	ssyncadd.s32 s4;
	_ =	sdelay $0x1  }
0xa1: {  	s23 =	simm.s32 $0x1B8B  }
0xa2: {  	_ =	swait.ge [sflag:s23], $0x1  }
0xa3: {  	[sflag:s23] =	ssyncset.done $0x0  }
0xa4: {  	s25 =	simm.s32 $0x1B8E;
	s24 =	sld [smem:$0x3FFE];
	[sflag:s23] =	ssyncadd.s32 $0xFFFFFFFF  }
0xa5: {  	s26 =	simm.s32 $execute0_lowered;
	[smem:$0x3FD2] =	sst s25  }
0xa6: {  	s5 =	sshll.u32 s26, $0x1;
	_ =	strace $0x80000049;
	[dreg:$0x1] =	wrdreg $0xFFFFFFFF  }
0xa7: {  	s28 =	simm.s32 $_size_execute0_lowered;
	s3 =	sadd.s32 s3, s5;
	[dreg:$0x0] =	wrdreg $0x0  }
0xa8: {  	s5 =	sshll.u32 s28, $0x1;
	[dreg:$0x2] =	wrdreg s3  }
0xa9: {  	[dreg:$0x3] =	wrdreg s5  }
0xaa: {  	[dreg:$0x4] =	wrdreg $0xC0  }
0xab: {  	_ =	task [dreg:s7], $0x5FFFF  }
0xac: {  	[dreg:$0x1] =	wrdreg $0xFFFFFFFF  }
0xad: {  	[dreg:$0x0] =	wrdreg $0x60  }
0xae: {  	[dreg:$0x2] =	wrdreg s2  }
0xaf: {  	[dreg:$0x3] =	wrdreg s24  }
0xb0: {  	[dreg:$0x4] =	wrdreg $0xA2000  }
0xb1: {  	[dreg:$0x5] =	wrdreg $0x9  }
0xb2: {  	_ =	task.clear_ibuf [dreg:s7], $0x6FFFF;
	_ =	strace $0x90000049  }
0xb3: {  	s29 =	simm.s32 $0x9;
	_ =	strace $0x8000004B  }
0xb4: {  	_ =	swait.ge [sflag:s29], $0x1  }
0xb5: {  	[sflag:s29] =	ssyncadd.s32 $0xFFFFFFFF  }
0xb6: {  	_ =	strace $0x9000004B  }
0xb7: {  	_ =	sfence  }
0xb8: {  	s30 =	sld [smem:$0x0];
	_ =	sdelay $0x2  }
0xb9: {  	s31 =	sshll.u32 s1, $0xD;
	s1 =	sshrl.u32 s1, $0x2  }
0xba: {  	s3 =	sand.u32 $0x4000, s31;
	s1 =	sadd.s32 s1, s30  }
0xbb: {  	s0 =	sor.u32 s3, s0;
	s1 =	sshll.u32 s1, $0x11  }
0xbc: {  	s0 =	sor.u32 s1, s0  }
0xbd: {  	s0 =	sadd.s32 $0x8F2B, s0  }
0xbe: {  	[sflag:s0] =	ssyncadd.remote.s32 $0x1  }
0xbf: {  	_ =	sfence.sel $0xFFFF  }
0xc0: {  	[dreg:$0x0] =	wrdreg $0xFFFFFFFF;
	(pc) =	sbr.abs _section_cstart, $3  }
0xc1: {  	[dreg:$0x1] =	wrdreg $0xFFFFFFFF  }
0xc2: {  	_ =	task.clear_ibuf [dreg:s7], $0x2FFFF;
	_ =	strace $0x9FFFFFFF  }
0xc3: {  	(tm) =	ssettm $0x7FFFFFFF  }
tec
execute0_lowered:
.L_overlay_start_1:
0x0: {  	(tag) =	ssettag $0x1  }
0x1: {  	s2 =	rddreg [dreg:$0x0]  }
0x2: {  	s0 =	rddreg [dreg:$0x1];
	s8 =	stileid.u32  }
0x3: {  	s3 =	rddreg [dreg:$0x2];
	s4 =	smul.u32 $0x2A, s8  }
0x4: {  	s1 =	srdreg.scid;
	s15 =	simm.s32 $0x39;
	s5 =	smul.u32 $0x74, s8  }
0x5: {  	s28 =	simm.s32 $0x1;
	s29 =	simm.s32 $0x3;
	s21 =	smul.u32 $0x14000, s8  }
0x6: {  	s30 =	simm.s32 $0x2;
	s1 =	sand.u32 $0x1, s1;
	s8 =	smul.u32 $0x50000, s8  }
0x7: {  	s31 =	simm.s32 $0x180;
	p0 =	seq.s32 s1, $0x0;
	s7 =	smul.u32 $0x140000, s1  }
0x8: {  	s1 =	ssub.s32 $0x2, s1;
	s6 =	sadd.s32 $0x740, s4;
	s4 =	simm.s32 $0x0  }
0x9: {  	s22 =	sshrl.u32 s8, $0x2;
	s9 =	sshrl.u32 s1, $0x1;
	s15 =	simm.s32 @!p0 $0x14  }
0xa: {  	s6 =	smov.u32 @p0 s5;
	[smem:$0x7FF] =	sst s4;
	s5 =	sadd.s32 s21, s7  }
0xb: {  	s1 =	ssub.s32 s1, s9;
	s21 =	simm.s32 $0x8200;
	s6 =	sshll.u32 s6, $0x5  }
0xc: {  	_ =	strace $0x8000004A;
	s23 =	sshrl.u32 s5, $0x3;
	s5 =	sadd.s32 s22, s3  }
0xd: {  	s17 =	smax.u32 s1, $0x1;
	s22 =	simm.s32 $0x5;
	s1 =	simm.s32 $0x4  }
0xe: {  	s6 =	sadd.s32 s6, s0;
	s0 =	sadd.s32 s23, s0;
	s7 =	sadd.s32 $0x2000, s5  }
0xf: {  	s24 =	sadd.s32 $0x4000, s5;
	s25 =	sadd.s32 $0x6000, s5;
	s26 =	sadd.s32 $0x8000, s5  }
0x10: {  	s10 =	sadd.s32 $0xA000, s5;
	s11 =	sadd.s32 $0xC000, s5;
	[dreg:$0x4] =	wrdreg s7  }
0x11: {  	s12 =	sadd.s32 $0xE000, s5;
	s13 =	sadd.s32 $0x10000, s5;
	[dreg:$0x5] =	wrdreg s24  }
0x12: {  	s14 =	sadd.s32 $0x12000, s5;
	s23 =	simm.s32 $0x80;
	[dreg:$0x6] =	wrdreg s25  }
0x13: {  	[dreg:$0x7] =	wrdreg s26;
	s16 =	sadd.s32 $0x16800, s0;
	s18 =	sadd.s32 $0x2C00, s6  }
0x14: {  	s19 =	sadd.s32 $0x2C20, s6;
	s20 =	sadd.s32 $0x2C60, s6;
	s24 =	simm.s32 $0x200  }
0x15: {  	v0 =	vimm.f32 $0.0e+00;
	s25 =	simm.s32 $0x100;
	s26 =	simm.s32 $0x4200;
	s0 =	simm.s32 $0x0  }
.LBB2_1:
0x16: {  	s6 =	sand.u32 $0x7E00, s4  }
0x17: {  	s7 =	sand.u32 $0x70, s4;
	s8 =	sshrl.u32 s6, $0x2  }
0x18: {  	s6 =	simm.s32 $0x40;
	s8 =	sor.u32 s7, s8;
	s7 =	simm.s32 $0x0  }
.LBB2_2:
0x19: {  	p0 =	sne.s32 s6, $0x7FC0  }
0x1a: {  	[tilespmem:s8+$0x8200] =	vst v0;
	s7 =	sadd.s32 $0x10, s7;
	s8 =	smov.u32 s6;
	s6 =	sadd.s32 $0x40, s6  }
.Ltmp0:
0x1b: {  	(pc) =	sbr.rel @p0 .LBB2_2-.Ltmp0, $4  }
0x1c: {  	_ = 	snop  }
0x1d: {  	s8 =	sand.u32 $0x7E00, s8  }
0x1e: {  	s9 =	sand.u32 $0x70, s7;
	s8 =	sshrl.u32 s8, $0x2  }
0x1f: {  	s8 =	sor.u32 s9, s8  }
0x20: {  	[tilespmem:s8+$0x8200] =	vst v0  }
0x21: {  	[spmem:s5] =	stream.linear.scatter [tilespmem:s21], [sflag:$0x5], $0x2000, $0x38;
	[tilespmem:$0x1E200] =	vst v63  }
0x22: {  	_ =	swait.ge [sflag:s22], $0x2000  }
0x23: {  	[sflag:s22] =	ssyncset.done $0x0  }
0x24: {  	s6 =	rddreg [dreg:$0x4];
	[sflag:s22] =	ssyncadd.s32 $0xFFFFE000  }
0x25: {  	[spmem:s6] =	stream.linear.scatter [tilespmem:s21], [sflag:$0x5], $0x2000, $0x38;
	[tilespmem:$0x1E200] =	vst v63  }
0x26: {  	_ =	swait.ge [sflag:s22], $0x2000  }
0x27: {  	[sflag:s22] =	ssyncset.done $0x0  }
0x28: {  	s9 =	rddreg [dreg:$0x5];
	[sflag:s22] =	ssyncadd.s32 $0xFFFFE000  }
0x29: {  	[spmem:s9] =	stream.linear.scatter [tilespmem:s21], [sflag:$0x5], $0x2000, $0x38;
	[tilespmem:$0x1E200] =	vst v63  }
0x2a: {  	_ =	swait.ge [sflag:s22], $0x2000  }
0x2b: {  	[sflag:s22] =	ssyncset.done $0x0  }
0x2c: {  	s7 =	rddreg [dreg:$0x6];
	[sflag:s22] =	ssyncadd.s32 $0xFFFFE000  }
0x2d: {  	[spmem:s7] =	stream.linear.scatter [tilespmem:s21], [sflag:$0x5], $0x2000, $0x38;
	[tilespmem:$0x1E200] =	vst v63  }
0x2e: {  	_ =	swait.ge [sflag:s22], $0x2000  }
0x2f: {  	[sflag:s22] =	ssyncset.done $0x0  }
0x30: {  	s8 =	rddreg [dreg:$0x7];
	[sflag:s22] =	ssyncadd.s32 $0xFFFFE000  }
0x31: {  	[spmem:s8] =	stream.linear.scatter [tilespmem:s21], [sflag:$0x5], $0x2000, $0x38;
	[tilespmem:$0x1E200] =	vst v63  }
0x32: {  	_ =	swait.ge [sflag:s22], $0x2000  }
0x33: {  	[sflag:s22] =	ssyncset.done $0x0  }
0x34: {  	[sflag:s22] =	ssyncadd.s32 $0xFFFFE000  }
0x35: {  	[spmem:s10] =	stream.linear.scatter [tilespmem:s21], [sflag:$0x5], $0x2000, $0x38;
	[tilespmem:$0x1E200] =	vst v63  }
0x36: {  	_ =	swait.ge [sflag:s22], $0x2000  }
0x37: {  	[sflag:s22] =	ssyncset.done $0x0  }
0x38: {  	[sflag:s22] =	ssyncadd.s32 $0xFFFFE000  }
0x39: {  	[spmem:s11] =	stream.linear.scatter [tilespmem:s21], [sflag:$0x5], $0x2000, $0x38;
	[tilespmem:$0x1E200] =	vst v63  }
0x3a: {  	_ =	swait.ge [sflag:s22], $0x2000  }
0x3b: {  	[sflag:s22] =	ssyncset.done $0x0  }
0x3c: {  	[sflag:s22] =	ssyncadd.s32 $0xFFFFE000  }
0x3d: {  	[spmem:s12] =	stream.linear.scatter [tilespmem:s21], [sflag:$0x5], $0x2000, $0x38;
	[tilespmem:$0x1E200] =	vst v63  }
0x3e: {  	_ =	swait.ge [sflag:s22], $0x2000  }
0x3f: {  	[sflag:s22] =	ssyncset.done $0x0  }
0x40: {  	[sflag:s22] =	ssyncadd.s32 $0xFFFFE000  }
0x41: {  	[spmem:s13] =	stream.linear.scatter [tilespmem:s21], [sflag:$0x5], $0x2000, $0x38;
	[tilespmem:$0x1E200] =	vst v63  }
0x42: {  	_ =	swait.ge [sflag:s22], $0x2000  }
0x43: {  	[sflag:s22] =	ssyncset.done $0x0  }
0x44: {  	[sflag:s22] =	ssyncadd.s32 $0xFFFFE000  }
0x45: {  	[spmem:s14] =	stream.linear.scatter [tilespmem:s21], [sflag:$0x5], $0x2000, $0x38;
	[tilespmem:$0x1E200] =	vst v63  }
0x46: {  	_ =	swait.ge [sflag:s22], $0x2000  }
0x47: {  	[sflag:s22] =	ssyncset.done $0x0  }
0x48: {  	[sflag:s22] =	ssyncadd.s32 $0xFFFFE000  }
0x49: {  	[bflag:$0x0] =	sbarrier.arrive $0xFFFF  }
0x4a: {  	[tilespmem:s4], [sflag:$0x5] =	stream.linear.gather [hbm4b:s18+s4], $0x100, $0x38;
	[tilespmem:$0x1E200] =	vst v63  }
0x4b: {  	_ =	swait.ge [sflag:s22], $0x100  }
0x4c: {  	[sflag:s22] =	ssyncset.done $0x0  }
0x4d: {  	[sflag:s22] =	ssyncadd.s32 $0xFFFFFF00  }
0x4e: {  	[tilespmem:s24], [sflag:$0x1] =	stream.indirect.gather [hbm4b:s2+s23], $0x80, s4, s23, $0xb8;
	[tilespmem:$0x1E200] =	vst v63  }
0x4f: {  	_ = 	snop  }
0x50: {  	[tilespmem:s25], [sflag:$0x5] =	stream.linear.gather [hbm4b:s19+s4], $0x100, $0x38;
	[tilespmem:$0x1E200] =	vst v63  }
0x51: {  	_ =	swait.ge [sflag:s22], $0x100  }
0x52: {  	[sflag:s22] =	ssyncset.done $0x0  }
0x53: {  	[sflag:s22] =	ssyncadd.s32 $0xFFFFFF00  }
0x54: {  	[tilespmem:s26], [sflag:$0x2] =	stream.indirect.gather [hbm4b:s2+s23], $0x80, s25, s23, $0xb8;
	[tilespmem:$0x1E200] =	vst v63  }
0x55: {  	_ =	swait.ge [sflag:s28], $0x4000  }
0x56: {  	[sflag:s28] =	ssyncset.done $0x0  }
0x57: {  	[sflag:s28] =	ssyncadd.s32 $0xFFFFC000  }
0x58: {  	[spmem:s3] =	stream.indirect.scatter.add.f32 [tilespmem:s24], [sflag:$0x3], $0x80, s23, s23, $0xb8;
	[tilespmem:$0x1E200] =	vst v63  }
0x59: {  	_ =	swait.ge [sflag:s29], $0x4000  }
0x5a: {  	[sflag:s29] =	ssyncset.done $0x0  }
0x5b: {  	s9 =	sadd.s32 $0xFFFFFFE0, s20;
	[sflag:s29] =	ssyncadd.s32 $0xFFFFC000  }
0x5c: {  	[tilespmem:s4], [sflag:$0x5] =	stream.linear.gather [hbm4b:s9+s4], $0x100, $0x38;
	[tilespmem:$0x1E200] =	vst v63  }
0x5d: {  	_ =	swait.ge [sflag:s22], $0x100  }
0x5e: {  	[sflag:s22] =	ssyncset.done $0x0  }
0x5f: {  	[sflag:s22] =	ssyncadd.s32 $0xFFFFFF00  }
0x60: {  	[tilespmem:s24], [sflag:$0x1] =	stream.indirect.gather [hbm4b:s2+s23], $0x80, s4, s23, $0xb8;
	[tilespmem:$0x1E200] =	vst v63  }
0x61: {  	_ =	swait.ge [sflag:s30], $0x4000  }
0x62: {  	[sflag:s30] =	ssyncset.done $0x0  }
0x63: {  	[sflag:s30] =	ssyncadd.s32 $0xFFFFC000  }
0x64: {  	[spmem:s3] =	stream.indirect.scatter.add.f32 [tilespmem:s26], [sflag:$0x4], $0x80, s31, s23, $0xb8;
	[tilespmem:$0x1E200] =	vst v63  }
0x65: {  	_ =	swait.ge [sflag:s1], $0x4000  }
0x66: {  	[sflag:s1] =	ssyncset.done $0x0  }
0x67: {  	[sflag:s1] =	ssyncadd.s32 $0xFFFFC000  }
0x68: {  	[tilespmem:s25], [sflag:$0x5] =	stream.linear.gather [hbm4b:s20+s4], $0x100, $0x38;
	[tilespmem:$0x1E200] =	vst v63  }
0x69: {  	_ =	swait.ge [sflag:s22], $0x100  }
0x6a: {  	p0 =	sne.s32 s15, $0x1;
	[sflag:s22] =	ssyncset.done $0x0  }
.Ltmp1:
0x6b: {  	[sflag:s22] =	ssyncadd.s32 $0xFFFFFF00;
	(pc) =	sbr.rel @!p0 .LBB2_5-.Ltmp1, $4  }
0x6c: {  	[tilespmem:s26], [sflag:$0x2] =	stream.indirect.gather [hbm4b:s2+s23], $0x80, s25, s23, $0xb8;
	[tilespmem:$0x1E200] =	vst v63  }
0x6d: {  	_ =	swait.ge [sflag:s28], $0x4000  }
0x6e: {  	[sflag:s28] =	ssyncset.done $0x0  }
0x6f: {  	s6 =	sadd.s32 $0xFFFFFFFF, s15;
	s7 =	sadd.s32 $0x40, s20;
	[sflag:s28] =	ssyncadd.s32 $0xFFFFC000  }
.LBB2_4:
0x70: {  	[spmem:s3] =	stream.indirect.scatter.add.f32 [tilespmem:s24], [sflag:$0x3], $0x80, s23, s23, $0xb8;
	[tilespmem:$0x1E200] =	vst v63  }
0x71: {  	p0 =	sne.s32 s6, $0x1;
	s6 =	sadd.s32 $0xFFFFFFFF, s6;
	_ =	swait.ge [sflag:s29], $0x4000  }
0x72: {  	[sflag:s29] =	ssyncset.done $0x0  }
0x73: {  	s8 =	sadd.s32 $0xFFFFFFE0, s7;
	[sflag:s29] =	ssyncadd.s32 $0xFFFFC000  }
0x74: {  	[tilespmem:s4], [sflag:$0x5] =	stream.linear.gather [hbm4b:s8+s4], $0x100, $0x38;
	[tilespmem:$0x1E200] =	vst v63  }
0x75: {  	_ =	swait.ge [sflag:s22], $0x100  }
0x76: {  	[sflag:s22] =	ssyncset.done $0x0  }
0x77: {  	[sflag:s22] =	ssyncadd.s32 $0xFFFFFF00  }
0x78: {  	[tilespmem:s24], [sflag:$0x1] =	stream.indirect.gather [hbm4b:s2+s23], $0x80, s4, s23, $0xb8;
	[tilespmem:$0x1E200] =	vst v63  }
0x79: {  	_ =	swait.ge [sflag:s30], $0x4000  }
0x7a: {  	[sflag:s30] =	ssyncset.done $0x0  }
0x7b: {  	[sflag:s30] =	ssyncadd.s32 $0xFFFFC000  }
0x7c: {  	[spmem:s3] =	stream.indirect.scatter.add.f32 [tilespmem:s26], [sflag:$0x4], $0x80, s31, s23, $0xb8;
	[tilespmem:$0x1E200] =	vst v63  }
0x7d: {  	_ =	swait.ge [sflag:s1], $0x4000  }
0x7e: {  	[sflag:s1] =	ssyncset.done $0x0  }
0x7f: {  	[sflag:s1] =	ssyncadd.s32 $0xFFFFC000  }
0x80: {  	[tilespmem:s25], [sflag:$0x5] =	stream.linear.gather [hbm4b:s7+s4], $0x100, $0x38;
	[tilespmem:$0x1E200] =	vst v63  }
0x81: {  	_ =	swait.ge [sflag:s22], $0x100  }
0x82: {  	[sflag:s22] =	ssyncset.done $0x0  }
.Ltmp2:
0x83: {  	[sflag:s22] =	ssyncadd.s32 $0xFFFFFF00;
	(pc) =	sbr.rel @p0 .LBB2_4-.Ltmp2, $4  }
0x84: {  	[tilespmem:s26], [sflag:$0x2] =	stream.indirect.gather [hbm4b:s2+s23], $0x80, s25, s23, $0xb8;
	[tilespmem:$0x1E200] =	vst v63  }
0x85: {  	_ =	swait.ge [sflag:s28], $0x4000  }
0x86: {  	[sflag:s28] =	ssyncset.done $0x0  }
0x87: {  	s7 =	sadd.s32 $0x40, s7;
	[sflag:s28] =	ssyncadd.s32 $0xFFFFC000  }
.LBB2_5:
0x88: {  	[spmem:s3] =	stream.indirect.scatter.add.f32 [tilespmem:s24], [sflag:$0x3], $0x80, s23, s23, $0xb8;
	[tilespmem:$0x1E200] =	vst v63  }
0x89: {  	_ =	swait.ge [sflag:s30], $0x4000  }
0x8a: {  	[sflag:s30] =	ssyncset.done $0x0  }
0x8b: {  	[sflag:s30] =	ssyncadd.s32 $0xFFFFC000  }
0x8c: {  	[spmem:s3] =	stream.indirect.scatter.add.f32 [tilespmem:s26], [sflag:$0x4], $0x80, s31, s23, $0xb8;
	[tilespmem:$0x1E200] =	vst v63  }
0x8d: {  	_ =	swait.ge [sflag:s29], $0x4000  }
0x8e: {  	[sflag:s29] =	ssyncset.done $0x0  }
0x8f: {  	[sflag:s29] =	ssyncadd.s32 $0xFFFFC000  }
0x90: {  	s6 =	stileid.u32;
	_ =	swait.ge [sflag:s1], $0x4000  }
0x91: {  	s7 =	sshrl.u32 s5, $0x3;
	s0 =	sadd.s32 $0x1, s0;
	[sflag:s1] =	ssyncset.done $0x0  }
0x92: {  	s6 =	sshll.u32 s6, $0x6;
	p0 =	sne.s32 s0, s17;
	[sflag:s1] =	ssyncadd.s32 $0xFFFFC000  }
.Ltmp3:
0x93: {  	s6 =	sor.u32 $0x1C05, s6;
	[bflag:$0x0] =	sbarrier.arrive $0xFFFF;
	(pc) =	sbr.rel @p0 .LBB2_1-.Ltmp3, $4  }
0x94: {  	[hbm:s16], [sflag:s6] =	dma.local [spmem:s7], $0x2800  }
0x95: {  	_ =	swait.ge [sflag:s22], $0x2800  }
0x96: {  	[sflag:s22] =	ssyncset.done $0x0  }
0x97: {  	[sflag:s22] =	ssyncadd.s32 $0xFFFFD800  }
0x98: {  	_ =	sfence.sel $0x180000  }
0x99: {  	[bflag:$0x0] =	sbarrier.arrive $0xFFFF  }
0x9a: {  	_ =	strace $0x9000004A  }
0x9b: {  	s0 =	stileid.u32;
	[bflag:$0x2] =	sbarrier.arrive $0xFFFF  }
0x9c: {  	p0 =	sne.s32 s0, $0x0;
	s0 =	rddreg [dreg:$0x3]  }
0x9d: {  	s0 =	sadd.s32 @!p0 $0x100000, s0  }
0x9e: {  	[sflag:s0] =	ssyncadd.tile.s32 @!p0 $0x1;
	_ =	shalt  }
.Lfunc_end2:
_tile_overlayer_lowered:
.L_overlay_start_2:
0x9f: {  	(tag) =	ssettag $0x2  }
0xa0: {  	s0 =	rddreg [dreg:$0x0];
	s2 =	stileid.u32  }
0xa1: {  	s1 =	rddreg [dreg:$0x1];
	p0 =	sne.s32 s2, $0x0  }
0xa2: {  	s3 =	rddreg [dreg:$0x2];
	[bflag:$0x3] =	sbarrier.arrive $0xFFFF;
	s2 =	simm.s32 @!p0 $0x1C05  }
0xa3: {  	[timem:s3], [sflag:s2] =	dma.local @!p0 [hbm:s0], s1  }
0xa4: {  	s0 =	simm.s32 @!p0 $0x5  }
0xa5: {  	_ =	swait.ge @!p0 [sflag:s0], s1  }
0xa6: {  	s1 =	ssub.s32 @!p0 $0x0, s1;
	[sflag:s0] =	ssyncset.done @!p0 $0x0  }
0xa7: {  	[sflag:s0] =	ssyncadd.s32 @!p0 s1  }
0xa8: {  	[bflag:$0x3] =	sbarrier.arrive $0xFFFF  }
0xa9: {  	_ =	shalt  }

// kernel: kernel.7.cloned.1.call-start
scs
__scs_entry_jumppad:
0x0: {  	(pc) =	sbr.rel $0x88, $3  }
0x1: {  	(tag) =	ssettag $0x0;
	lr =	simm.s32 $0x1  }
0x2: {  	[smem:$0x3F99] =	sst lr;
	_ =	strace $0xD0000000  }
0x3: {  	_ = 	snop  }
0x4: {  	_ = 	snop  }
0x5: {  	_ = 	snop  }
0x6: {  	_ = 	snop  }
0x7: {  	_ = 	snop  }
__scs_overlays_trampoline_lowered:
0x8: {  	[smem:$0x3FA8] =	sst s0  }
0x9: {  	[smem:$0x3FA9] =	sst s1  }
0xa: {  	[smem:$0x3FAA] =	sst s2  }
0xb: {  	[smem:$0x3FAB] =	sst s3  }
0xc: {  	[smem:$0x3FAC] =	sst s4  }
0xd: {  	[smem:$0x3FAD] =	sst s5  }
0xe: {  	[smem:$0x3FAE] =	sst s6  }
0xf: {  	[smem:$0x3FAF] =	sst s7  }
0x10: {  	[smem:$0x3FB0] =	sst s8  }
0x11: {  	[smem:$0x3FB1] =	sst s9;
	s0 =	simm.s32 @!p0 $0x0  }
0x12: {  	s1 =	sld [smem:$0x3F97];
	s0 =	simm.s32 @p0 $0x1  }
0x13: {  	[smem:$0x3FB2] =	sst s0;
	s0 =	simm.s32 @!p1 $0x0  }
0x14: {  	s2 =	sld [smem:$0x3F96];
	s0 =	simm.s32 @p1 $0x1  }
0x15: {  	[smem:$0x3FB3] =	sst s0;
	s0 =	simm.s32 @!p2 $0x0  }
0x16: {  	s3 =	sld [smem:$0x3FDB];
	s0 =	simm.s32 @p2 $0x1  }
0x17: {  	s4 =	simm.s32 $0x1BF5;
	[smem:$0x3FB5] =	sst s0  }
0x18: {  	s0 =	sld [smem:$0x3F98];
	_ =	swait.ge [sflag:s4], $0x0  }
0x19: {  	s7 =	sld [smem:$0x3F99]  }
0x1a: {  	s8 =	sadd.s32 $0xFFFFE003, lr  }
0x1b: {  	s9 =	sadd.s32 $0xFFFFFEF7, lr;
	s5 =	simm.s32 $0xFFFFFFFF;
	p2 =	slt.u32 s8, $0xFFFFF086  }
0x1c: {  	p1 =	slt.u32 s9, $0xF7A;
	s5 =	simm.s32 @!p2 $0x0  }
0x1d: {  	s5 =	simm.s32 @p1 $0x1;
	p0 =	seq.s32 s7, s2  }
0x1e: {  	s7 =	smul.u32 @!p0 $0xF7A, s2;
	p2 =	seq.s32 @!p0 s5, $0x0  }
0x1f: {  	s9 =	smul.u32 $0xF7A, s1;
	s8 =	simm.s32 @!p0 $0x1BF5;
	p2 =	por !p2, p0  }
0x20: {  	[sflag:s8] =	ssyncset.s32 @!p0 $0xFFFFF086;
	s6 =	sadd.s32 @!p0 s3, s7;
	s7 =	simm.s32 @!p0 $0x108  }
0x21: {  	s3 =	sadd.s32 s3, s9;
	s6 =	sadd.s32 @!p0 $0x88, s6;
	s7 =	simm.s32 @p2 $0x1082  }
0x22: {  	[simem:s7], [sflag:s8] =	dma.local @!p0 [hbm:s6], $0xF7A  }
0x23: {  	s9 =	sor.u32 $0xD0000000, s2;
	s6 =	simm.s32 $0x108;
	_ =	swait.ge @!p0 [sflag:s8], $0x0  }
0x24: {  	s3 =	sadd.s32 $0x88, s3;
	s6 =	simm.s32 @!p1 $0x1082;
	[sflag:s4] =	ssyncset.s32 $0xFFFFF086  }
0x25: {  	[simem:s6], [sflag:s4] =	dma.local [hbm:s3], $0xF7A  }
0x26: {  	[smem:$0x3F99] =	sst s1;
	(tag) =	ssettag s2;
	_ =	strace s9  }
0x27: {  	s1 =	sld [smem:$0x3FA9]  }
0x28: {  	s2 =	sld [smem:$0x3FAA]  }
0x29: {  	s4 =	sld [smem:$0x3FAC]  }
0x2a: {  	p0 =	seq.s32 s5, $0x0;
	s5 =	sld [smem:$0x3FAD]  }
0x2b: {  	s6 =	sld [smem:$0x3FAE]  }
0x2c: {  	s7 =	sld [smem:$0x3FAF]  }
0x2d: {  	s3 =	simm.s32 $0x108;
	s8 =	sld [smem:$0x3FB0]  }
0x2e: {  	s3 =	simm.s32 @!p0 $0x1082;
	s9 =	sld [smem:$0x3FB1]  }
0x2f: {  	lr =	sadd.s32 s0, s3;
	s0 =	sld [smem:$0x3FA8]  }
0x30: {  	s3 =	sld [smem:$0x3FAB]  }
0x31: {  	[smem:$0x3FB4] =	sst s10  }
0x32: {  	s10 =	sld [smem:$0x3FB2];
	_ =	sdelay $0x3  }
0x33: {  	p0 =	seq.s32 s10, $0x1;
	s10 =	sld [smem:$0x3FB4];
	_ =	sdelay $0x3  }
0x34: {  	[smem:$0x3FB4] =	sst s10  }
0x35: {  	s10 =	sld [smem:$0x3FB3];
	_ =	sdelay $0x3  }
0x36: {  	p1 =	seq.s32 s10, $0x1;
	s10 =	sld [smem:$0x3FB4];
	_ =	sdelay $0x3  }
0x37: {  	[smem:$0x3FB4] =	sst s10  }
0x38: {  	s10 =	sld [smem:$0x3FB5]  }
0x39: {  	_ = 	snop;
	(pc) =	sbr.ind lr, $3  }
0x3a: {  	_ = 	snop  }
0x3b: {  	_ = 	snop  }
0x3c: {  	p2 =	seq.s32 s10, $0x1;
	s10 =	sld [smem:$0x3FB4]  }
0x3d: {  	_ =	shalt  }
0x3e: {  	_ =	shalt  }
0x3f: {  	_ =	shalt  }
0x40: {  	_ =	shalt  }
0x41: {  	_ =	shalt  }
0x42: {  	_ =	shalt  }
0x43: {  	_ =	shalt  }
0x44: {  	_ =	shalt  }
0x45: {  	_ =	shalt  }
0x46: {  	_ =	shalt  }
0x47: {  	_ =	shalt  }
0x48: {  	_ =	shalt  }
0x49: {  	_ =	shalt  }
0x4a: {  	_ =	shalt  }
0x4b: {  	_ =	shalt  }
0x4c: {  	_ =	shalt  }
0x4d: {  	_ =	shalt  }
0x4e: {  	_ =	shalt  }
0x4f: {  	_ =	shalt  }
0x50: {  	_ =	shalt  }
0x51: {  	_ =	shalt  }
0x52: {  	_ =	shalt  }
0x53: {  	_ =	shalt  }
0x54: {  	_ =	shalt  }
0x55: {  	_ =	shalt  }
0x56: {  	_ =	shalt  }
0x57: {  	_ =	shalt  }
0x58: {  	_ =	shalt  }
0x59: {  	_ =	shalt  }
0x5a: {  	_ =	shalt  }
0x5b: {  	_ =	shalt  }
0x5c: {  	_ =	shalt  }
0x5d: {  	_ =	shalt  }
0x5e: {  	_ =	shalt  }
0x5f: {  	_ =	shalt  }
0x60: {  	_ =	shalt  }
0x61: {  	_ =	shalt  }
0x62: {  	_ =	shalt  }
0x63: {  	_ =	shalt  }
0x64: {  	_ =	shalt  }
0x65: {  	_ =	shalt  }
0x66: {  	_ =	shalt  }
0x67: {  	_ =	shalt  }
0x68: {  	_ =	shalt  }
0x69: {  	_ =	shalt  }
0x6a: {  	_ =	shalt  }
0x6b: {  	_ =	shalt  }
0x6c: {  	_ =	shalt  }
0x6d: {  	_ =	shalt  }
0x6e: {  	_ =	shalt  }
0x6f: {  	_ =	shalt  }
0x70: {  	_ =	shalt  }
0x71: {  	_ =	shalt  }
0x72: {  	_ =	shalt  }
0x73: {  	_ =	shalt  }
0x74: {  	_ =	shalt  }
0x75: {  	_ =	shalt  }
0x76: {  	_ =	shalt  }
0x77: {  	_ =	shalt  }
0x78: {  	_ =	shalt  }
0x79: {  	_ =	shalt  }
0x7a: {  	_ =	shalt  }
0x7b: {  	_ =	shalt  }
0x7c: {  	_ =	shalt  }
0x7d: {  	_ =	shalt  }
0x7e: {  	_ =	shalt  }
0x7f: {  	_ =	shalt  }
0x80: {  	_ =	shalt  }
0x81: {  	_ =	shalt  }
0x82: {  	_ =	shalt  }
0x83: {  	_ =	shalt  }
0x84: {  	_ =	shalt  }
0x85: {  	_ =	shalt  }
0x86: {  	_ =	shalt  }
0x87: {  	_ =	shalt  }
.Lfunc_end0:
.L_simem_size_0:
called_computation_lowered:
.L_overlay_start_0:
0x88: {  	s2 =	sld [smem:$0x3FD9]  }
0x89: {  	s3 =	sld [smem:$0x3FFE];
	_ =	sdelay $0x1  }
0x8a: {  	s1 =	srdreg.scid  }
0x8b: {  	s0 =	sand.u32 $0x1, s1  }
0x8c: {  	s17 =	sshll.u32 s0, $0xA;
	s2 =	sadd.s32 s3, s2  }
0x8d: {  	s2 =	sadd.s32 s2, s17  }
0x8e: {  	[smem:$0x3FC0] =	sst s2  }
0x8f: {  	_ = 	snop  }
0x90: {  	s2 =	sld [smem:$0x3FD0];
	(tm) =	ssettm $0x1  }
0x91: {  	s18 =	sld [smem:$0x3FFB];
	_ =	sdelay $0x3  }
0x92: {  	_ =	strace s18  }
0x93: {  	s3 =	sld [smem:$0x3FFC];
	_ =	sdelay $0x3  }
0x94: {  	_ =	strace s3  }
0x95: {  	s3 =	sld [smem:$0x3FFD];
	_ =	sdelay $0x3  }
0x96: {  	_ =	strace s3  }
0x97: {  	_ =	strace $0x8FFFFFFF  }
0x98: {  	s19 =	sld [smem:$0x3FDB];
	_ =	sdelay $0x1  }
0x99: {  	s4 =	simm.s32 $_scs_section_size  }
0x9a: {  	s5 =	simm.s32 $_size__tile_overlayer_lowered;
	s6 =	simm.s32 $_tile_overlayer_lowered  }
0x9b: {  	s22 =	simm.s32 $0x1BFF;
	s21 =	sshll.u32 s6, $0x1;
	s3 =	sadd.s32 s4, s19  }
0x9c: {  	s7 =	simm.s32 $0x0;
	s20 =	sshll.u32 s5, $0x1;
	s5 =	sadd.s32 s21, s3  }
0x9d: {  	[timem:s7], [sflag:s22] =	dma.local [hbm:s5], s20  }
0x9e: {  	_ =	swait.ge [sflag:s22], s20  }
0x9f: {  	s4 =	ssub.s32 $0x0, s20;
	[sflag:s22] =	ssyncset.done $0x0  }
0xa0: {  	[sflag:s22] =	ssyncadd.s32 s4;
	_ =	sdelay $0x1  }
0xa1: {  	s23 =	simm.s32 $0x1B8B  }
0xa2: {  	_ =	swait.ge [sflag:s23], $0x1  }
0xa3: {  	[sflag:s23] =	ssyncset.done $0x0  }
0xa4: {  	s25 =	simm.s32 $0x1B8E;
	s24 =	sld [smem:$0x3FFE];
	[sflag:s23] =	ssyncadd.s32 $0xFFFFFFFF  }
0xa5: {  	s26 =	simm.s32 $execute0_lowered;
	[smem:$0x3FD2] =	sst s25  }
0xa6: {  	s5 =	sshll.u32 s26, $0x1;
	_ =	strace $0x80000046;
	[dreg:$0x1] =	wrdreg $0xFFFFFFFF  }
0xa7: {  	s28 =	simm.s32 $_size_execute0_lowered;
	s3 =	sadd.s32 s3, s5;
	[dreg:$0x0] =	wrdreg $0x0  }
0xa8: {  	s5 =	sshll.u32 s28, $0x1;
	[dreg:$0x2] =	wrdreg s3  }
0xa9: {  	[dreg:$0x3] =	wrdreg s5  }
0xaa: {  	[dreg:$0x4] =	wrdreg $0xC0  }
0xab: {  	_ =	task [dreg:s7], $0x5FFFF  }
0xac: {  	[dreg:$0x1] =	wrdreg $0xFFFFFFFF  }
0xad: {  	[dreg:$0x0] =	wrdreg $0x60  }
0xae: {  	[dreg:$0x2] =	wrdreg s2  }
0xaf: {  	[dreg:$0x3] =	wrdreg s24  }
0xb0: {  	[dreg:$0x4] =	wrdreg $0xA2000  }
0xb1: {  	[dreg:$0x5] =	wrdreg $0x1E6000  }
0xb2: {  	[dreg:$0x6] =	wrdreg $0x1E8800  }
0xb3: {  	[dreg:$0x7] =	wrdreg $0x9  }
0xb4: {  	_ =	task.clear_ibuf [dreg:s7], $0x8FFFF;
	_ =	strace $0x90000046  }
0xb5: {  	s29 =	simm.s32 $0x9;
	_ =	strace $0x80000048  }
0xb6: {  	_ =	swait.ge [sflag:s29], $0x1  }
0xb7: {  	[sflag:s29] =	ssyncadd.s32 $0xFFFFFFFF  }
0xb8: {  	_ =	strace $0x90000048  }
0xb9: {  	_ =	sfence  }
0xba: {  	s30 =	sld [smem:$0x0];
	_ =	sdelay $0x2  }
0xbb: {  	s31 =	sshll.u32 s1, $0xD;
	s1 =	sshrl.u32 s1, $0x2  }
0xbc: {  	s3 =	sand.u32 $0x4000, s31;
	s1 =	sadd.s32 s1, s30  }
0xbd: {  	s0 =	sor.u32 s3, s0;
	s1 =	sshll.u32 s1, $0x11  }
0xbe: {  	s0 =	sor.u32 s1, s0  }
0xbf: {  	s0 =	sadd.s32 $0x8F2B, s0  }
0xc0: {  	[sflag:s0] =	ssyncadd.remote.s32 $0x1  }
0xc1: {  	_ =	sfence.sel $0xFFFF  }
0xc2: {  	[dreg:$0x0] =	wrdreg $0xFFFFFFFF;
	(pc) =	sbr.abs _section_cstart, $3  }
0xc3: {  	[dreg:$0x1] =	wrdreg $0xFFFFFFFF  }
0xc4: {  	_ =	task.clear_ibuf [dreg:s7], $0x2FFFF;
	_ =	strace $0x9FFFFFFF  }
0xc5: {  	(tm) =	ssettm $0x7FFFFFFF  }
tec
execute0_lowered:
.L_overlay_start_1:
0x0: {  	(tag) =	ssettag $0x1  }
0x1: {  	s1 =	rddreg [dreg:$0x0];
	s13 =	stileid.u32  }
0x2: {  	s0 =	rddreg [dreg:$0x1];
	s7 =	smul.u32 $0x2A, s13  }
0x3: {  	s3 =	rddreg [dreg:$0x2];
	s8 =	smul.u32 $0x74, s13  }
0x4: {  	s4 =	rddreg [dreg:$0x3];
	s23 =	smul.u32 $0x14000, s13  }
0x5: {  	s5 =	rddreg [dreg:$0x4];
	s25 =	smul.u32 $0x500, s13  }
0x6: {  	s6 =	simm.s32 $0x0;
	s2 =	srdreg.scid;
	s11 =	smul.u32 $0x50000, s13  }
0x7: {  	[smem:$0x7FF] =	sst s6;
	s2 =	sand.u32 $0x1, s2;
	s14 =	smul.u32 $0x280, s13  }
0x8: {  	p0 =	seq.s32 s2, $0x0;
	s9 =	smul.u32 $0x140000, s2;
	_ =	strace $0x80000047  }
0x9: {  	s26 =	sshll.u32 s2, $0x7;
	s2 =	ssub.s32 $0x2, s2;
	s7 =	sadd.s32 $0x740, s7  }
0xa: {  	s11 =	sshrl.u32 s11, $0x2;
	s7 =	smov.u32 @p0 s8;
	s24 =	sadd.s32 s23, s9  }
0xb: {  	s8 =	sor.u32 s26, s25;
	s9 =	sshrl.u32 s2, $0x1;
	s23 =	sadd.s32 s14, s4  }
0xc: {  	s7 =	sshll.u32 s7, $0x5;
	s2 =	ssub.s32 s2, s9;
	[dreg:$0x13] =	wrdreg s23  }
0xd: {  	s10 =	sadd.s32 s7, s0;
	s7 =	sshrl.u32 s24, $0x3;
	s26 =	smax.u32 s2, $0x1  }
0xe: {  	s12 =	sadd.s32 s7, s0;
	s7 =	sshrl.u32 s8, $0x3;
	[dreg:$0x12] =	wrdreg s26  }
0xf: {  	s0 =	sadd.s32 s7, s0;
	s7 =	sadd.s32 s11, s3;
	s24 =	sadd.s32 $0x17C00, s12  }
0x10: {  	s28 =	simm.s32 $0x9;
	s9 =	sadd.s32 $0x2000, s7;
	[dreg:$0xf] =	wrdreg s24  }
0x11: {  	s30 =	simm.s32 $0x80;
	s15 =	sadd.s32 $0x4000, s7;
	[dreg:$0x6] =	wrdreg s9  }
0x12: {  	s31 =	simm.s32 $0x200;
	s16 =	sadd.s32 $0x6000, s7;
	[dreg:$0x7] =	wrdreg s15  }
0x13: {  	s29 =	simm.s32 $0x8;
	s17 =	sadd.s32 $0x8000, s7;
	[dreg:$0x8] =	wrdreg s16  }
0x14: {  	s13 =	simm.s32 $0x1E280;
	s18 =	sadd.s32 $0xA000, s7;
	[dreg:$0x9] =	wrdreg s17  }
0x15: {  	s2 =	simm.s32 $0x4200;
	s19 =	sadd.s32 $0xC000, s7;
	[dreg:$0xa] =	wrdreg s18  }
0x16: {  	s26 =	simm.s32 $0x8200;
	s20 =	sadd.s32 $0xE000, s7;
	[dreg:$0xb] =	wrdreg s19  }
0x17: {  	s8 =	simm.s32 $0x1;
	s21 =	sadd.s32 $0x10000, s7;
	[dreg:$0xc] =	wrdreg s20  }
0x18: {  	s11 =	simm.s32 $0x2;
	s22 =	sadd.s32 $0x12000, s7;
	[dreg:$0xd] =	wrdreg s21  }
0x19: {  	s12 =	simm.s32 $0x180;
	s25 =	sadd.s32 $0x16800, s0;
	[dreg:$0xe] =	wrdreg s22  }
0x1a: {  	s0 =	sadd.s32 $0x17200, s0;
	s24 =	sadd.s32 $0x2C00, s10;
	[dreg:$0x10] =	wrdreg s25  }
0x1b: {  	s18 =	simm.s32 $0xE80;
	s19 =	sadd.s32 s14, s5;
	[dreg:$0x11] =	wrdreg s0  }
0x1c: {  	s25 =	sadd.s32 $0x2C20, s10;
	s0 =	simm.s32 $0x100;
	s9 =	simm.s32 $0x1E300  }
0x1d: {  	s10 =	simm.s32 $0x1E200;
	s20 =	simm.s32 $0x4;
	s21 =	simm.s32 $0x6  }
0x1e: {  	v0 =	vimm.f32 $0.0e+00;
	v1 =	vimm.f32 $1.000000000e+00;
	s22 =	simm.s32 $0x0;
	s17 =	simm.s32 $0x10;
	s18 =	simm.s32 @!p0 $0x540  }
.LBB2_1:
0x1f: {  	s14 =	sand.u32 $0x7E00, s6  }
0x20: {  	s15 =	sand.u32 $0x70, s6;
	s14 =	sshrl.u32 s14, $0x2  }
0x21: {  	s23 =	simm.s32 $0x40;
	s15 =	sor.u32 s15, s14;
	s14 =	simm.s32 $0x0  }
.LBB2_2:
0x22: {  	p0 =	sne.s32 s23, $0x7FC0  }
0x23: {  	[tilespmem:s15+$0x8200] =	vst v0;
	s14 =	sadd.s32 $0x10, s14;
	s15 =	smov.u32 s23;
	s23 =	sadd.s32 $0x40, s23  }
.Ltmp0:
0x24: {  	(pc) =	sbr.rel @p0 .LBB2_2-.Ltmp0, $4  }
0x25: {  	_ = 	snop  }
0x26: {  	s15 =	sand.u32 $0x7E00, s15  }
0x27: {  	s16 =	sand.u32 $0x70, s14;
	s15 =	sshrl.u32 s15, $0x2  }
0x28: {  	s15 =	sor.u32 s16, s15  }
0x29: {  	[tilespmem:s15+$0x8200] =	vst v0  }
0x2a: {  	[spmem:s7] =	stream.linear.scatter [tilespmem:s26], [sflag:$0x9], $0x2000, $0x38;
	[tilespmem:$0x1EB00] =	vst v63  }
0x2b: {  	_ =	swait.ge [sflag:s28], $0x2000  }
0x2c: {  	[sflag:s28] =	ssyncset.done $0x0  }
0x2d: {  	s14 =	rddreg [dreg:$0x6];
	[sflag:s28] =	ssyncadd.s32 $0xFFFFE000  }
0x2e: {  	[spmem:s14] =	stream.linear.scatter [tilespmem:s26], [sflag:$0x9], $0x2000, $0x38;
	[tilespmem:$0x1EB00] =	vst v63  }
0x2f: {  	_ =	swait.ge [sflag:s28], $0x2000  }
0x30: {  	[sflag:s28] =	ssyncset.done $0x0  }
0x31: {  	s23 =	rddreg [dreg:$0x7];
	[sflag:s28] =	ssyncadd.s32 $0xFFFFE000  }
0x32: {  	[spmem:s23] =	stream.linear.scatter [tilespmem:s26], [sflag:$0x9], $0x2000, $0x38;
	[tilespmem:$0x1EB00] =	vst v63  }
0x33: {  	_ =	swait.ge [sflag:s28], $0x2000  }
0x34: {  	[sflag:s28] =	ssyncset.done $0x0  }
0x35: {  	s15 =	rddreg [dreg:$0x8];
	[sflag:s28] =	ssyncadd.s32 $0xFFFFE000  }
0x36: {  	[spmem:s15] =	stream.linear.scatter [tilespmem:s26], [sflag:$0x9], $0x2000, $0x38;
	[tilespmem:$0x1EB00] =	vst v63  }
0x37: {  	_ =	swait.ge [sflag:s28], $0x2000  }
0x38: {  	[sflag:s28] =	ssyncset.done $0x0  }
0x39: {  	s16 =	rddreg [dreg:$0x9];
	[sflag:s28] =	ssyncadd.s32 $0xFFFFE000  }
0x3a: {  	[spmem:s16] =	stream.linear.scatter [tilespmem:s26], [sflag:$0x9], $0x2000, $0x38;
	[tilespmem:$0x1EB00] =	vst v63  }
0x3b: {  	_ =	swait.ge [sflag:s28], $0x2000  }
0x3c: {  	[sflag:s28] =	ssyncset.done $0x0  }
0x3d: {  	s23 =	rddreg [dreg:$0xa];
	[sflag:s28] =	ssyncadd.s32 $0xFFFFE000  }
0x3e: {  	[spmem:s23] =	stream.linear.scatter [tilespmem:s26], [sflag:$0x9], $0x2000, $0x38;
	[tilespmem:$0x1EB00] =	vst v63  }
0x3f: {  	_ =	swait.ge [sflag:s28], $0x2000  }
0x40: {  	[sflag:s28] =	ssyncset.done $0x0  }
0x41: {  	s15 =	rddreg [dreg:$0xb];
	[sflag:s28] =	ssyncadd.s32 $0xFFFFE000  }
0x42: {  	[spmem:s15] =	stream.linear.scatter [tilespmem:s26], [sflag:$0x9], $0x2000, $0x38;
	[tilespmem:$0x1EB00] =	vst v63  }
0x43: {  	_ =	swait.ge [sflag:s28], $0x2000  }
0x44: {  	[sflag:s28] =	ssyncset.done $0x0  }
0x45: {  	s16 =	rddreg [dreg:$0xc];
	[sflag:s28] =	ssyncadd.s32 $0xFFFFE000  }
0x46: {  	[spmem:s16] =	stream.linear.scatter [tilespmem:s26], [sflag:$0x9], $0x2000, $0x38;
	[tilespmem:$0x1EB00] =	vst v63  }
0x47: {  	_ =	swait.ge [sflag:s28], $0x2000  }
0x48: {  	[sflag:s28] =	ssyncset.done $0x0  }
0x49: {  	s23 =	rddreg [dreg:$0xd];
	[sflag:s28] =	ssyncadd.s32 $0xFFFFE000  }
0x4a: {  	[spmem:s23] =	stream.linear.scatter [tilespmem:s26], [sflag:$0x9], $0x2000, $0x38;
	[tilespmem:$0x1EB00] =	vst v63  }
0x4b: {  	_ =	swait.ge [sflag:s28], $0x2000  }
0x4c: {  	[sflag:s28] =	ssyncset.done $0x0  }
0x4d: {  	s15 =	rddreg [dreg:$0xe];
	[sflag:s28] =	ssyncadd.s32 $0xFFFFE000  }
0x4e: {  	[spmem:s15] =	stream.linear.scatter [tilespmem:s26], [sflag:$0x9], $0x2000, $0x38;
	[tilespmem:$0x1EB00] =	vst v63  }
0x4f: {  	_ =	swait.ge [sflag:s28], $0x2000  }
0x50: {  	[sflag:s28] =	ssyncset.done $0x0  }
0x51: {  	[sflag:s28] =	ssyncadd.s32 $0xFFFFE000  }
0x52: {  	[tilespmem:$0x1E380] =	vst v0  }
0x53: {  	[tilespmem:$0x1E390] =	vst v0  }
0x54: {  	[tilespmem:$0x1E3A0] =	vst v0  }
0x55: {  	[tilespmem:$0x1E3B0] =	vst v0  }
0x56: {  	[tilespmem:$0x1E3C0] =	vst v0  }
0x57: {  	[tilespmem:$0x1E3D0] =	vst v0  }
0x58: {  	[tilespmem:$0x1E3E0] =	vst v0  }
0x59: {  	[tilespmem:$0x1E3F0] =	vst v0  }
0x5a: {  	[tilespmem:$0x1E400] =	vst v0  }
0x5b: {  	[tilespmem:$0x1E410] =	vst v0  }
0x5c: {  	[tilespmem:$0x1E420] =	vst v0  }
0x5d: {  	[tilespmem:$0x1E430] =	vst v0  }
0x5e: {  	[tilespmem:$0x1E440] =	vst v0  }
0x5f: {  	[tilespmem:$0x1E450] =	vst v0  }
0x60: {  	[tilespmem:$0x1E460] =	vst v0  }
0x61: {  	[tilespmem:$0x1E470] =	vst v0  }
0x62: {  	[tilespmem:$0x1E480] =	vst v0  }
0x63: {  	[tilespmem:$0x1E490] =	vst v0  }
0x64: {  	[tilespmem:$0x1E4A0] =	vst v0  }
0x65: {  	[tilespmem:$0x1E4B0] =	vst v0  }
0x66: {  	[tilespmem:$0x1E4C0] =	vst v0  }
0x67: {  	[tilespmem:$0x1E4D0] =	vst v0  }
0x68: {  	[tilespmem:$0x1E4E0] =	vst v0  }
0x69: {  	[tilespmem:$0x1E4F0] =	vst v0  }
0x6a: {  	[tilespmem:$0x1E500] =	vst v0  }
0x6b: {  	[tilespmem:$0x1E510] =	vst v0  }
0x6c: {  	[tilespmem:$0x1E520] =	vst v0  }
0x6d: {  	[tilespmem:$0x1E530] =	vst v0  }
0x6e: {  	[tilespmem:$0x1E540] =	vst v0  }
0x6f: {  	[tilespmem:$0x1E550] =	vst v0  }
0x70: {  	[tilespmem:$0x1E560] =	vst v0  }
0x71: {  	[tilespmem:$0x1E570] =	vst v0  }
0x72: {  	[tilespmem:$0x1E580] =	vst v0  }
0x73: {  	[tilespmem:$0x1E590] =	vst v0  }
0x74: {  	[tilespmem:$0x1E5A0] =	vst v0  }
0x75: {  	[tilespmem:$0x1E5B0] =	vst v0  }
0x76: {  	[tilespmem:$0x1E5C0] =	vst v0  }
0x77: {  	[tilespmem:$0x1E5D0] =	vst v0  }
0x78: {  	[tilespmem:$0x1E5E0] =	vst v0  }
0x79: {  	s16 =	simm.s32 $0x1E380;
	s23 =	rddreg [dreg:$0x13];
	[tilespmem:$0x1E5F0] =	vst v0  }
0x7a: {  	[spmem:s23] =	stream.linear.scatter [tilespmem:s16], [sflag:$0x9], $0x280, $0x38;
	[tilespmem:$0x1EB00] =	vst v63  }
0x7b: {  	_ =	swait.ge [sflag:s28], $0x280  }
0x7c: {  	[sflag:s28] =	ssyncset.done $0x0  }
0x7d: {  	[sflag:s28] =	ssyncadd.s32 $0xFFFFFD80  }
0x7e: {  	[spmem:s19] =	stream.linear.scatter [tilespmem:s16], [sflag:$0x9], $0x280, $0x38;
	[tilespmem:$0x1EB00] =	vst v63  }
0x7f: {  	_ =	swait.ge [sflag:s28], $0x280  }
0x80: {  	[sflag:s28] =	ssyncset.done $0x0  }
0x81: {  	[sflag:s28] =	ssyncadd.s32 $0xFFFFFD80  }
0x82: {  	[tilespmem:$0x1E300] =	vst v1  }
0x83: {  	[tilespmem:$0x1E310] =	vst v1  }
0x84: {  	[tilespmem:$0x1E320] =	vst v1  }
0x85: {  	[tilespmem:$0x1E330] =	vst v1  }
0x86: {  	[tilespmem:$0x1E340] =	vst v1  }
0x87: {  	[tilespmem:$0x1E350] =	vst v1  }
0x88: {  	[tilespmem:$0x1E360] =	vst v1  }
0x89: {  	[tilespmem:$0x1E370] =	vst v1  }
0x8a: {  	s23 =	simm.s32 $0x0;
	[bflag:$0x0] =	sbarrier.arrive $0xFFFF  }
.LBB2_4:
0x8b: {  	p0 =	seq.s32 s23, $0x0  }
0x8c: {  	s14 =	simm.s32 @!p0 $0x3  }
0x8d: {  	_ =	swait.ge @!p0 [sflag:s14], $0x4000  }
0x8e: {  	[sflag:s14] =	ssyncset.done @!p0 $0x0  }
0x8f: {  	[sflag:s14] =	ssyncadd.s32 @!p0 $0xFFFFC000;
	s14 =	simm.s32 @!p0 $0x5  }
0x90: {  	_ =	swait.ge @!p0 [sflag:s14], $0x80  }
0x91: {  	[sflag:s14] =	ssyncset.done @!p0 $0x0  }
0x92: {  	[sflag:s14] =	ssyncadd.s32 @!p0 $0xFFFFFF80;
	s14 =	simm.s32 @!p0 $0x7  }
0x93: {  	_ =	swait.ge @!p0 [sflag:s14], $0x80  }
0x94: {  	[sflag:s14] =	ssyncset.done @!p0 $0x0  }
0x95: {  	s15 =	sadd.s32 s23, s24;
	[sflag:s14] =	ssyncadd.s32 @!p0 $0xFFFFFF80  }
0x96: {  	[tilespmem:s6], [sflag:$0x9] =	stream.linear.gather [hbm4b:s15+s6], $0x100, $0x38;
	[tilespmem:$0x1EB00] =	vst v63  }
0x97: {  	_ =	swait.ge [sflag:s28], $0x100  }
0x98: {  	[sflag:s28] =	ssyncset.done $0x0  }
0x99: {  	[sflag:s28] =	ssyncadd.s32 $0xFFFFFF00  }
0x9a: {  	[tilespmem:s31], [sflag:$0x1] =	stream.indirect.gather [hbm4b:s1+s30], $0x80, s6, s30, $0xb8;
	[tilespmem:$0x1EB00] =	vst v63  }
0x9b: {  	_ =	swait.ge @!p0 [sflag:s11], $0x4000  }
0x9c: {  	[sflag:s11] =	ssyncset.done @!p0 $0x0  }
0x9d: {  	[sflag:s11] =	ssyncadd.s32 @!p0 $0xFFFFC000  }
0x9e: {  	[spmem:s3] =	stream.indirect.scatter.add.f32 @!p0 [tilespmem:s2], [sflag:$0x4], $0x80, s12, s30, $0xb8;
	[tilespmem:$0x1EB00] =	vst v63  }
0x9f: {  	_ = 	snop  }
0xa0: {  	[spmem:s4] =	stream.indirect.scatter.add.f32 @!p0 [tilespmem:s9], [sflag:$0x6], $0x1, s12, s30, $0xb8;
	[tilespmem:$0x1EB00] =	vst v63  }
0xa1: {  	v2 =	vld @!p0 [tilespmem:$0x100]  }
0xa2: {  	v3 =	vld @!p0 [tilespmem:$0x180]  }
0xa3: {  	v4 =	vld @!p0 [tilespmem:$0x110]  }
0xa4: {  	v5 =	vld @!p0 [tilespmem:$0x190]  }
0xa5: {  	v6 =	vld @!p0 [tilespmem:$0x120]  }
0xa6: {  	v7 =	vld @!p0 [tilespmem:$0x1A0]  }
0xa7: {  	v8 =	vld @!p0 [tilespmem:$0x130]  }
0xa8: {  	v9 =	vld @!p0 [tilespmem:$0x1B0]  }
0xa9: {  	v10 =	vld @!p0 [tilespmem:$0x140]  }
0xaa: {  	v11 =	vld @!p0 [tilespmem:$0x1C0]  }
0xab: {  	v12 =	vld @!p0 [tilespmem:$0x150]  }
0xac: {  	v13 =	vld @!p0 [tilespmem:$0x1D0]  }
0xad: {  	v14 =	vld @!p0 [tilespmem:$0x160]  }
0xae: {  	vm0 =	veq.s32 @!p0 v2, v3;
	v2 =	vld @!p0 [tilespmem:$0x1E0]  }
0xaf: {  	v3 =	vsel @!p0 vm0, $0x3F800000, v0;
	vm0 =	veq.s32 @!p0 v4, v5;
	v4 =	vld @!p0 [tilespmem:$0x170]  }
0xb0: {  	v5 =	vld @!p0 [tilespmem:$0x1F0];
	[tilespmem:$0x1E280] =	vst @!p0 v3;
	v3 =	vsel @!p0 vm0, $0x3F800000, v0;
	vm0 =	veq.s32 @!p0 v6, v7  }
0xb1: {  	v6 =	vsel @!p0 vm0, $0x3F800000, v0;
	vm0 =	veq.s32 @!p0 v8, v9;
	[tilespmem:$0x1E290] =	vst @!p0 v3  }
0xb2: {  	v3 =	vsel @!p0 vm0, $0x3F800000, v0;
	vm0 =	veq.s32 @!p0 v10, v11;
	[tilespmem:$0x1E2A0] =	vst @!p0 v6  }
0xb3: {  	v6 =	vsel @!p0 vm0, $0x3F800000, v0;
	vm0 =	veq.s32 @!p0 v12, v13;
	[tilespmem:$0x1E2B0] =	vst @!p0 v3  }
0xb4: {  	v3 =	vsel @!p0 vm0, $0x3F800000, v0;
	vm0 =	veq.s32 @!p0 v14, v2;
	[tilespmem:$0x1E2C0] =	vst @!p0 v6  }
0xb5: {  	v2 =	vsel @!p0 vm0, $0x3F800000, v0;
	vm0 =	veq.s32 @!p0 v4, v5;
	[tilespmem:$0x1E2D0] =	vst @!p0 v3  }
0xb6: {  	[tilespmem:$0x1E2E0] =	vst @!p0 v2;
	v2 =	vsel @!p0 vm0, $0x3F800000, v0  }
0xb7: {  	[tilespmem:$0x1E2F0] =	vst @!p0 v2  }
0xb8: {  	[spmem:s5] =	stream.indirect.scatter.add.f32 @!p0 [tilespmem:s13], [sflag:$0x8], $0x1, s0, s30, $0xb8;
	[tilespmem:$0x1EB00] =	vst v63  }
0xb9: {  	_ =	swait.ge @!p0 [sflag:s20], $0x4000  }
0xba: {  	[sflag:s20] =	ssyncset.done @!p0 $0x0  }
0xbb: {  	[sflag:s20] =	ssyncadd.s32 @!p0 $0xFFFFC000  }
0xbc: {  	_ =	swait.ge @!p0 [sflag:s21], $0x80  }
0xbd: {  	[sflag:s21] =	ssyncset.done @!p0 $0x0  }
0xbe: {  	[sflag:s21] =	ssyncadd.s32 @!p0 $0xFFFFFF80  }
0xbf: {  	_ =	swait.ge @!p0 [sflag:s29], $0x80  }
0xc0: {  	[sflag:s29] =	ssyncset.done @!p0 $0x0  }
0xc1: {  	s16 =	sadd.s32 s23, s25;
	[sflag:s29] =	ssyncadd.s32 @!p0 $0xFFFFFF80  }
0xc2: {  	[tilespmem:s0], [sflag:$0x9] =	stream.linear.gather [hbm4b:s16+s6], $0x100, $0x38;
	[tilespmem:$0x1EB00] =	vst v63  }
0xc3: {  	_ =	swait.ge [sflag:s28], $0x100  }
0xc4: {  	[sflag:s28] =	ssyncset.done $0x0  }
0xc5: {  	[sflag:s28] =	ssyncadd.s32 $0xFFFFFF00  }
0xc6: {  	[tilespmem:s2], [sflag:$0x2] =	stream.indirect.gather [hbm4b:s1+s30], $0x80, s0, s30, $0xb8;
	[tilespmem:$0x1EB00] =	vst v63  }
0xc7: {  	_ =	swait.ge [sflag:s8], $0x4000  }
0xc8: {  	[sflag:s8] =	ssyncset.done $0x0  }
0xc9: {  	[sflag:s8] =	ssyncadd.s32 $0xFFFFC000  }
0xca: {  	[spmem:s3] =	stream.indirect.scatter.add.f32 [tilespmem:s31], [sflag:$0x3], $0x80, s30, s30, $0xb8;
	[tilespmem:$0x1EB00] =	vst v63  }
0xcb: {  	_ = 	snop  }
0xcc: {  	[spmem:s4] =	stream.indirect.scatter.add.f32 [tilespmem:s9], [sflag:$0x5], $0x1, s30, s30, $0xb8;
	[tilespmem:$0x1EB00] =	vst v63  }
0xcd: {  	v2 =	vld [tilespmem:$0x0]  }
0xce: {  	v3 =	vld [tilespmem:$0x80]  }
0xcf: {  	v50 =	vld [tilespmem:$0x10]  }
0xd0: {  	v51 =	vld [tilespmem:$0x90]  }
0xd1: {  	v52 =	vld [tilespmem:$0x20]  }
0xd2: {  	v53 =	vld [tilespmem:$0xA0]  }
0xd3: {  	v54 =	vld [tilespmem:$0x30]  }
0xd4: {  	v55 =	vld [tilespmem:$0xB0]  }
0xd5: {  	v56 =	vld [tilespmem:$0x40]  }
0xd6: {  	v57 =	vld [tilespmem:$0xC0]  }
0xd7: {  	v58 =	vld [tilespmem:$0x50]  }
0xd8: {  	v59 =	vld [tilespmem:$0xD0]  }
0xd9: {  	v60 =	vld [tilespmem:$0x60]  }
0xda: {  	v61 =	vld [tilespmem:$0x70];
	vm8 =	veq.s32 v2, v3  }
0xdb: {  	v2 =	vld [tilespmem:$0xE0];
	vm10 =	veq.s32 v52, v53;
	v3 =	vsel vm8, $0x3F800000, v0  }
0xdc: {  	v62 =	vld [tilespmem:$0xF0];
	vm12 =	veq.s32 v56, v57;
	v6 =	vsel vm10, $0x3F800000, v0;
	[tilespmem:$0x1E200] =	vst v3  }
0xdd: {  	vm9 =	veq.s32 v50, v51;
	v63 =	vsel vm12, $0x3F800000, v0;
	[tilespmem:$0x1E220] =	vst v6  }
0xde: {  	s23 =	sadd.s32 $0x40, s23;
	vm11 =	veq.s32 v54, v55;
	v3 =	vsel vm9, $0x3F800000, v0;
	[tilespmem:$0x1E240] =	vst v63  }
0xdf: {  	p0 =	sne.s32 s18, s23;
	vm13 =	veq.s32 v58, v59;
	[tilespmem:$0x1E210] =	vst v3;
	v3 =	vsel vm11, $0x3F800000, v0  }
.Ltmp1:
0xe0: {  	[tilespmem:$0x1E230] =	vst v3;
	v3 =	vsel vm13, $0x3F800000, v0;
	vm14 =	veq.s32 v60, v2;
	(pc) =	sbr.rel @p0 .LBB2_4-.Ltmp1, $4  }
0xe1: {  	vm15 =	veq.s32 v61, v62;
	[tilespmem:$0x1E250] =	vst v3;
	v2 =	vsel vm14, $0x3F800000, v0  }
0xe2: {  	[tilespmem:$0x1E260] =	vst v2;
	v2 =	vsel vm15, $0x3F800000, v0  }
0xe3: {  	[tilespmem:$0x1E270] =	vst v2  }
0xe4: {  	[spmem:s5] =	stream.indirect.scatter.add.f32 [tilespmem:s10], [sflag:$0x7], $0x1, s6, s30, $0xb8;
	[tilespmem:$0x1EB00] =	vst v63  }
0xe5: {  	_ =	swait.ge [sflag:s11], $0x4000  }
0xe6: {  	[sflag:s11] =	ssyncset.done $0x0  }
0xe7: {  	[sflag:s11] =	ssyncadd.s32 $0xFFFFC000  }
0xe8: {  	[spmem:s3] =	stream.indirect.scatter.add.f32 [tilespmem:s2], [sflag:$0x4], $0x80, s12, s30, $0xb8;
	[tilespmem:$0x1EB00] =	vst v63  }
0xe9: {  	_ = 	snop  }
0xea: {  	[spmem:s4] =	stream.indirect.scatter.add.f32 [tilespmem:s9], [sflag:$0x6], $0x1, s12, s30, $0xb8;
	[tilespmem:$0x1EB00] =	vst v63  }
0xeb: {  	v2 =	vld [tilespmem:$0x100]  }
0xec: {  	v3 =	vld [tilespmem:$0x180]  }
0xed: {  	v4 =	vld [tilespmem:$0x110]  }
0xee: {  	v5 =	vld [tilespmem:$0x190]  }
0xef: {  	v6 =	vld [tilespmem:$0x120]  }
0xf0: {  	v7 =	vld [tilespmem:$0x1A0]  }
0xf1: {  	v8 =	vld [tilespmem:$0x130]  }
0xf2: {  	v9 =	vld [tilespmem:$0x1B0]  }
0xf3: {  	v10 =	vld [tilespmem:$0x140]  }
0xf4: {  	v11 =	vld [tilespmem:$0x1C0]  }
0xf5: {  	v12 =	vld [tilespmem:$0x150]  }
0xf6: {  	v13 =	vld [tilespmem:$0x1D0]  }
0xf7: {  	v14 =	vld [tilespmem:$0x160]  }
0xf8: {  	v61 =	vld [tilespmem:$0x170];
	vm0 =	veq.s32 v2, v3  }
0xf9: {  	v2 =	vld [tilespmem:$0x1E0];
	vm10 =	veq.s32 v6, v7;
	v3 =	vsel vm0, $0x3F800000, v0  }
0xfa: {  	v62 =	vld [tilespmem:$0x1F0];
	vm12 =	veq.s32 v10, v11;
	v6 =	vsel vm10, $0x3F800000, v0;
	[tilespmem:$0x1E280] =	vst v3  }
0xfb: {  	vm9 =	veq.s32 v4, v5;
	v63 =	vsel vm12, $0x3F800000, v0;
	[tilespmem:$0x1E2A0] =	vst v6  }
0xfc: {  	vm11 =	veq.s32 v8, v9;
	v3 =	vsel vm9, $0x3F800000, v0;
	[tilespmem:$0x1E2C0] =	vst v63  }
0xfd: {  	vm13 =	veq.s32 v12, v13;
	[tilespmem:$0x1E290] =	vst v3;
	v3 =	vsel vm11, $0x3F800000, v0  }
0xfe: {  	[tilespmem:$0x1E2B0] =	vst v3;
	v3 =	vsel vm13, $0x3F800000, v0;
	vm14 =	veq.s32 v14, v2  }
0xff: {  	vm15 =	veq.s32 v61, v62;
	[tilespmem:$0x1E2D0] =	vst v3;
	v2 =	vsel vm14, $0x3F800000, v0  }
0x100: {  	[tilespmem:$0x1E2E0] =	vst v2;
	v2 =	vsel vm15, $0x3F800000, v0  }
0x101: {  	s14 =	simm.s32 $0x3;
	[tilespmem:$0x1E2F0] =	vst v2  }
0x102: {  	[spmem:s5] =	stream.indirect.scatter.add.f32 [tilespmem:s13], [sflag:$0x8], $0x1, s0, s30, $0xb8;
	[tilespmem:$0x1EB00] =	vst v63  }
0x103: {  	_ =	swait.ge [sflag:s14], $0x4000  }
0x104: {  	[sflag:s14] =	ssyncset.done $0x0  }
0x105: {  	s16 =	simm.s32 $0x5;
	[sflag:s14] =	ssyncadd.s32 $0xFFFFC000  }
0x106: {  	_ =	swait.ge [sflag:s16], $0x80  }
0x107: {  	[sflag:s16] =	ssyncset.done $0x0  }
0x108: {  	s23 =	simm.s32 $0x7;
	[sflag:s16] =	ssyncadd.s32 $0xFFFFFF80  }
0x109: {  	_ =	swait.ge [sflag:s23], $0x80  }
0x10a: {  	[sflag:s23] =	ssyncset.done $0x0  }
0x10b: {  	[sflag:s23] =	ssyncadd.s32 $0xFFFFFF80  }
0x10c: {  	_ =	swait.ge [sflag:s20], $0x4000  }
0x10d: {  	[sflag:s20] =	ssyncset.done $0x0  }
0x10e: {  	[sflag:s20] =	ssyncadd.s32 $0xFFFFC000  }
0x10f: {  	_ =	swait.ge [sflag:s21], $0x80  }
0x110: {  	[sflag:s21] =	ssyncset.done $0x0  }
0x111: {  	[sflag:s21] =	ssyncadd.s32 $0xFFFFFF80  }
0x112: {  	_ =	swait.ge [sflag:s29], $0x80  }
0x113: {  	[sflag:s29] =	ssyncset.done $0x0  }
0x114: {  	s15 =	stileid.u32;
	[sflag:s29] =	ssyncadd.s32 $0xFFFFFF80  }
0x115: {  	s14 =	sshll.u32 s15, $0x6;
	[bflag:$0x0] =	sbarrier.arrive $0xFFFF  }
0x116: {  	s15 =	sshrl.u32 s7, $0x3;
	s14 =	sor.u32 $0x1C09, s14;
	s16 =	rddreg [dreg:$0xf]  }
0x117: {  	[hbm:s16], [sflag:s14] =	dma.local [spmem:s15], $0x2800  }
0x118: {  	_ =	swait.ge [sflag:s28], $0x2800  }
0x119: {  	s23 =	simm.s32 $0x20;
	[sflag:s28] =	ssyncset.done $0x0;
	s16 =	rddreg [dreg:$0x13]  }
0x11a: {  	[sflag:s28] =	ssyncadd.s32 $0xFFFFD800;
	s15 =	sshrl.u32 s16, $0x3;
	s16 =	rddreg [dreg:$0x10]  }
0x11b: {  	[hbm:s16@s23], [sflag:s14] =	dma.strided [spmem:s15@s17], $0x50, s8, $0x10   }
0x11c: {  	_ =	swait.ge [sflag:s28], $0x50  }
0x11d: {  	[sflag:s28] =	ssyncset.done $0x0  }
0x11e: {  	s15 =	sshrl.u32 s19, $0x3;
	s16 =	rddreg [dreg:$0x11];
	[sflag:s28] =	ssyncadd.s32 $0xFFFFFFB0  }
0x11f: {  	[hbm:s16@s23], [sflag:s14] =	dma.strided [spmem:s15@s17], $0x50, s8, $0x10   }
0x120: {  	_ =	swait.ge [sflag:s28], $0x50  }
0x121: {  	s22 =	sadd.s32 $0x1, s22;
	s23 =	rddreg [dreg:$0x12]  }
0x122: {  	p0 =	sne.s32 s22, s23  }
.Ltmp2:
0x123: {  	_ = 	snop;
	(pc) =	sbr.rel @p0 .LBB2_1-.Ltmp2, $3  }
0x124: {  	_ =	sdelay $0x1  }
0x125: {  	[sflag:s28] =	ssyncset.done $0x0  }
0x126: {  	[sflag:s28] =	ssyncadd.s32 $0xFFFFFFB0  }
0x127: {  	_ =	sfence.sel $0x180000  }
0x128: {  	[bflag:$0x0] =	sbarrier.arrive $0xFFFF  }
0x129: {  	_ =	strace $0x90000047  }
0x12a: {  	s0 =	stileid.u32;
	[bflag:$0x2] =	sbarrier.arrive $0xFFFF  }
0x12b: {  	p0 =	sne.s32 s0, $0x0;
	s0 =	rddreg [dreg:$0x5]  }
0x12c: {  	s0 =	sadd.s32 @!p0 $0x100000, s0  }
0x12d: {  	[sflag:s0] =	ssyncadd.tile.s32 @!p0 $0x1;
	_ =	shalt  }
.Lfunc_end2:
_tile_overlayer_lowered:
.L_overlay_start_2:
0x12e: {  	(tag) =	ssettag $0x2  }
0x12f: {  	s0 =	rddreg [dreg:$0x0];
	s2 =	stileid.u32  }
0x130: {  	s1 =	rddreg [dreg:$0x1];
	p0 =	sne.s32 s2, $0x0  }
0x131: {  	s3 =	rddreg [dreg:$0x2];
	[bflag:$0x3] =	sbarrier.arrive $0xFFFF;
	s2 =	simm.s32 @!p0 $0x1C09  }
0x132: {  	[timem:s3], [sflag:s2] =	dma.local @!p0 [hbm:s0], s1  }
0x133: {  	s0 =	simm.s32 @!p0 $0x9  }
0x134: {  	_ =	swait.ge @!p0 [sflag:s0], s1  }
0x135: {  	s1 =	ssub.s32 @!p0 $0x0, s1;
	[sflag:s0] =	ssyncset.done @!p0 $0x0  }
0x136: {  	[sflag:s0] =	ssyncadd.s32 @!p0 s1  }
0x137: {  	[bflag:$0x3] =	sbarrier.arrive $0xFFFF  }
0x138: {  	_ =	shalt  }

</sc_bundles>
